<compile_context>
chip_gen: v7x
topology: tpu7x:2x2x1
jax: 0.10.2.dev20260603
libtpu: 0.0.44.dev20260713+nightly
codegen_flags: <defaults>
</compile_context>

<pallas_src>
import jax
import jax.numpy as jnp
from jax import lax
from jax.experimental import pallas as pl
from jax.experimental.pallas import tpu as pltpu
from jax.experimental.pallas import tpu_sc as plsc

_ROWS = 16384
_COLS = 100
_N = _ROWS * _COLS
_V = 1000000
_NW = 32
_PER_W = _N // _NW
_CHUNK = 6400
_NCHUNK = _PER_W // _CHUNK
_W_BITS = 15
_WORDS = 1 << _W_BITS
_NBITS = 31
_PAD_V = _NBITS * _WORDS + _WORDS
_WPT = _WORDS // 16


_WPW = _WORDS // _NW


def _pack_body(table_hbm, packed_hbm, colbuf, chunk, psem):
    c = lax.axis_index("c")
    s = lax.axis_index("s")
    wid = c * jnp.int32(16) + s
    wbase = wid * jnp.int32(_WPW)

    copies = [
        pltpu.async_copy(
            table_hbm.at[pl.ds(wbase + jnp.int32(b * _WORDS), _WPW)],
            colbuf.at[pl.ds(b * _WPW, _WPW)], psem)
        for b in range(_NBITS - 1)
    ]

    zeros16f = jnp.zeros((16,), jnp.float32)
    tail_lo = 30 * _WORDS
    full_w = (_V - tail_lo) // _WPW
    part_n = _V - tail_lo - full_w * _WPW

    def zero_tail(start, count):
        def zbody(g, o):
            colbuf[pl.ds(o, 16)] = zeros16f
            return o + jnp.int32(16)
        lax.fori_loop(0, count // 16, zbody, jnp.int32(30 * _WPW + start))

    @pl.when(wid < full_w)
    def _():
        pltpu.sync_copy(
            table_hbm.at[pl.ds(wbase + jnp.int32(tail_lo), _WPW)],
            colbuf.at[pl.ds(30 * _WPW, _WPW)])

    @pl.when(wid == full_w)
    def _():
        pltpu.sync_copy(
            table_hbm.at[pl.ds(wbase + jnp.int32(tail_lo), part_n)],
            colbuf.at[pl.ds(30 * _WPW, part_n)])
        zero_tail(part_n, _WPW - part_n)

    @pl.when(wid > full_w)
    def _():
        zero_tail(0, _WPW)

    for cp in copies:
        cp.wait()

    def pack_loop(g, o):
        acc = jnp.zeros((16,), jnp.int32)
        for b in range(_NBITS):
            v = colbuf[pl.ds(jnp.int32(b * _WPW) + o, 16)]
            acc = acc | jnp.where(v != 0.0,
                                  jnp.int32(1 << b), jnp.int32(0))
        chunk[pl.ds(o, 16)] = acc
        return o + jnp.int32(16)

    lax.fori_loop(0, _WPW // 16, pack_loop, jnp.int32(0))
    pltpu.sync_copy(chunk, packed_hbm.at[pl.ds(wbase, _WPW)])


def _lookup_sc_body(packed_hbm, idx2_hbm, out2_hbm,
                    packed, idxbufs, outbufs, psem, isems, osems):
    c = lax.axis_index("c")
    s = lax.axis_index("s")
    wid = c * jnp.int32(16) + s
    base = wid * jnp.int32(_PER_W)

    ic = {0: pltpu.async_copy(
        idx2_hbm.at[pl.ds(base, _CHUNK)], idxbufs[0], isems[0])}
    pltpu.async_copy(packed_hbm, packed, psem).wait()

    def make_lookup(idxbuf, outbuf):
        def lookup_body(i, o):
            for u in range(4):
                oo = o + jnp.int32(16 * u)
                ivec = plsc.bitcast(idxbuf[pl.ds(oo, 16)], jnp.int32)
                w = ivec & jnp.int32(_WORDS - 1)
                b = lax.shift_right_logical(ivec, jnp.int32(_W_BITS))
                word = plsc.load_gather(packed, [w])
                bit = lax.shift_right_logical(word, b) & jnp.int32(1)
                outbuf[pl.ds(oo, 16)] = plsc.bitcast(
                    bit ^ jnp.int32(1), jnp.uint32)
            return o + jnp.int32(64)
        return lookup_body

    oc = {}
    for cc in range(_NCHUNK):
        nb = cc & 1
        if cc + 1 < _NCHUNK:
            ic[cc + 1] = pltpu.async_copy(
                idx2_hbm.at[pl.ds(base + jnp.int32((cc + 1) * _CHUNK),
                                  _CHUNK)],
                idxbufs[(cc + 1) & 1], isems[(cc + 1) & 1])
        ic[cc].wait()
        if cc >= 2:
            oc[cc - 2].wait()
        lax.fori_loop(0, _CHUNK // 64,
                      make_lookup(idxbufs[nb], outbufs[nb]), jnp.int32(0))
        oc[cc] = pltpu.async_copy(
            outbufs[nb],
            out2_hbm.at[pl.ds(base + jnp.int32(cc * _CHUNK), _CHUNK)],
            osems[nb])
    oc[_NCHUNK - 2].wait()
    oc[_NCHUNK - 1].wait()


def kernel(donors_idx, mask_fit_X_col):
    idx = donors_idx.T.astype(jnp.uint32).reshape(_N)
    table = mask_fit_X_col.astype(jnp.float32)

    mesh = plsc.VectorSubcoreMesh(core_axis_name="c", subcore_axis_name="s")
    packed = pl.kernel(
        _pack_body,
        out_type=jax.ShapeDtypeStruct((_WORDS,), jnp.int32),
        mesh=mesh,
        compiler_params=pltpu.CompilerParams(needs_layout_passes=False),
        scratch_types=[
            pltpu.VMEM((_NBITS * _WPW,), jnp.float32),
            pltpu.VMEM((_WPW,), jnp.int32),
            pltpu.SemaphoreType.DMA,
        ],
    )(table)
    out = pl.kernel(
        _lookup_sc_body,
        out_type=jax.ShapeDtypeStruct((_N,), jnp.uint32),
        mesh=mesh,
        compiler_params=pltpu.CompilerParams(needs_layout_passes=False),
        scratch_types=[
            pltpu.VMEM((_WORDS,), jnp.int32),
            [pltpu.VMEM((_CHUNK,), jnp.uint32)] * 2,
            [pltpu.VMEM((_CHUNK,), jnp.uint32)] * 2,
            pltpu.SemaphoreType.DMA,
            [pltpu.SemaphoreType.DMA] * 2,
            [pltpu.SemaphoreType.DMA] * 2,
        ],
    )(packed, idx)
    return out.reshape(_COLS, _ROWS).astype(donors_idx.dtype).T

# --- scband reference (transcript-rebuilt; emitter-appended) ---
"""Pipeline reference for scband-make-mask-25443386261848 (READ-ONLY COPY).

The authoritative reference and input builder live on the scoring server;
editing this copy changes nothing except your own understanding.
"""

import jax, jax.numpy as jnp
import numpy as np
jax.config.update("jax_enable_x64", True)


def setup_inputs(seed: int = 0) -> dict:
    key = jax.random.key(seed)
    k1, k2 = jax.random.split(key)
    donors_idx = jax.random.randint(k1, (16384, 100), 0, 1000000, dtype=jnp.int64)
    # mask of 0/1 values (float, as a fitted missingness mask)
    mask_fit_X_col = jax.random.randint(k2, (1000000,), 0, 2).astype(jnp.float32)
    return {"donors_idx": donors_idx, "mask_fit_X_col": mask_fit_X_col}


def reference(donors_idx, mask_fit_X_col):
    # SubTake: torch.Tensor.take flattens the source and returns output with
    # the shape of the index tensor.
    taken = jnp.take(mask_fit_X_col.ravel(), donors_idx.ravel(), axis=0)
    taken = taken.reshape(donors_idx.shape)
    # MakeMask: torch.tensor([1], dtype=donors_idx.dtype) - taken.to(donors_idx.dtype)
    one = jnp.array([1], dtype=donors_idx.dtype)
    return one - taken.astype(donors_idx.dtype)

if __name__ == "__main__":
    import jax
    _d = setup_inputs()
    print(jax.jit(kernel)(*tuple(_d.values())))

</pallas_src>

<mosaic_0001>
#map = affine_map<(d0, d1) -> (0)>
module attributes {stable_mosaic.version = 14 : i64} {
  func.func @_pack_body(%arg0: i32, %arg1: i32, %arg2: memref<1000000xf32, #tpu.memory_space<hbm>>, %arg3: memref<32768xi32, #tpu.memory_space<hbm>>, %arg4: memref<31744xf32, #tpu.memory_space<vmem>>, %arg5: memref<1024xi32, #tpu.memory_space<vmem>>, %arg6: memref<!tpu.dma_semaphore, #tpu.memory_space<semaphore_mem>>) attributes {dimension_semantics = [#tpu.dimension_semantics<core_parallel>, #tpu.dimension_semantics<subcore_parallel>], iteration_bounds = array<i64: 2, 16>, scalar_prefetch = 0 : i64, scratch_operands = 3 : i64, tpu.core_type = #tpu.core_type<sc_vector_subcore>, window_params = [{transform_indices = #map}, {transform_indices = #map}]} {
    %mul3A = arith.constant 16 : i32
    %mul3A_0 = arith.muli %arg0, %mul3A : i32
    %add3A = arith.addi %mul3A_0, %arg1 : i32
    %mul3A_1 = arith.constant 1024 : i32
    %mul3A_2 = arith.muli %add3A, %mul3A_1 : i32
    %add3A_3 = arith.constant 0 : i32
    %add3A_4 = arith.addi %mul3A_2, %add3A_3 : i32
    %dma_start3A = arith.constant 0 : i32
    %dma_start3A_5 = tpu.memref_slice %arg4[%dma_start3A] : memref<31744xf32, #tpu.memory_space<vmem>> -> memref<1024xf32, #tpu.memory_space<vmem>>
    %dma_start3A_6 = tpu.memref_slice %arg2[%add3A_4] : memref<1000000xf32, #tpu.memory_space<hbm>> -> memref<1024xf32, #tpu.memory_space<hbm>>
    %dma_start3A_7 = arith.constant 0 : i32
    %dma_start3A_8 = tpu.memref_slice %arg4[%dma_start3A_7] : memref<31744xf32, #tpu.memory_space<vmem>> -> memref<1024xf32, #tpu.memory_space<vmem>>
    %dma_start3A_9 = tpu.memref_slice %arg2[%add3A_4] : memref<1000000xf32, #tpu.memory_space<hbm>> -> memref<1024xf32, #tpu.memory_space<hbm>>
    tpu.enqueue_dma source(%dma_start3A_9 : memref<1024xf32, #tpu.memory_space<hbm>>) target(%dma_start3A_8 : memref<1024xf32, #tpu.memory_space<vmem>>) target_semaphore(%arg6 : memref<!tpu.dma_semaphore, #tpu.memory_space<semaphore_mem>>)
    %add3A_10 = arith.constant 32768 : i32
    %add3A_11 = arith.addi %mul3A_2, %add3A_10 : i32
    %dma_start3A_12 = arith.constant 1024 : i32
    %dma_start3A_13 = tpu.memref_slice %arg4[%dma_start3A_12] : memref<31744xf32, #tpu.memory_space<vmem>> -> memref<1024xf32, #tpu.memory_space<vmem>>
    %dma_start3A_14 = tpu.memref_slice %arg2[%add3A_11] : memref<1000000xf32, #tpu.memory_space<hbm>> -> memref<1024xf32, #tpu.memory_space<hbm>>
    %dma_start3A_15 = arith.constant 1024 : i32
    %dma_start3A_16 = tpu.memref_slice %arg4[%dma_start3A_15] : memref<31744xf32, #tpu.memory_space<vmem>> -> memref<1024xf32, #tpu.memory_space<vmem>>
    %dma_start3A_17 = tpu.memref_slice %arg2[%add3A_11] : memref<1000000xf32, #tpu.memory_space<hbm>> -> memref<1024xf32, #tpu.memory_space<hbm>>
    tpu.enqueue_dma source(%dma_start3A_17 : memref<1024xf32, #tpu.memory_space<hbm>>) target(%dma_start3A_16 : memref<1024xf32, #tpu.memory_space<vmem>>) target_semaphore(%arg6 : memref<!tpu.dma_semaphore, #tpu.memory_space<semaphore_mem>>)
    %add3A_18 = arith.constant 65536 : i32
    %add3A_19 = arith.addi %mul3A_2, %add3A_18 : i32
    %dma_start3A_20 = arith.constant 2048 : i32
    %dma_start3A_21 = tpu.memref_slice %arg4[%dma_start3A_20] : memref<31744xf32, #tpu.memory_space<vmem>> -> memref<1024xf32, #tpu.memory_space<vmem>>
    %dma_start3A_22 = tpu.memref_slice %arg2[%add3A_19] : memref<1000000xf32, #tpu.memory_space<hbm>> -> memref<1024xf32, #tpu.memory_space<hbm>>
    %dma_start3A_23 = arith.constant 2048 : i32
    %dma_start3A_24 = tpu.memref_slice %arg4[%dma_start3A_23] : memref<31744xf32, #tpu.memory_space<vmem>> -> memref<1024xf32, #tpu.memory_space<vmem>>
    %dma_start3A_25 = tpu.memref_slice %arg2[%add3A_19] : memref<1000000xf32, #tpu.memory_space<hbm>> -> memref<1024xf32, #tpu.memory_space<hbm>>
    tpu.enqueue_dma source(%dma_start3A_25 : memref<1024xf32, #tpu.memory_space<hbm>>) target(%dma_start3A_24 : memref<1024xf32, #tpu.memory_space<vmem>>) target_semaphore(%arg6 : memref<!tpu.dma_semaphore, #tpu.memory_space<semaphore_mem>>)
    %add3A_26 = arith.constant 98304 : i32
    %add3A_27 = arith.addi %mul3A_2, %add3A_26 : i32
    %dma_start3A_28 = arith.constant 3072 : i32
    %dma_start3A_29 = tpu.memref_slice %arg4[%dma_start3A_28] : memref<31744xf32, #tpu.memory_space<vmem>> -> memref<1024xf32, #tpu.memory_space<vmem>>
    %dma_start3A_30 = tpu.memref_slice %arg2[%add3A_27] : memref<1000000xf32, #tpu.memory_space<hbm>> -> memref<1024xf32, #tpu.memory_space<hbm>>
    %dma_start3A_31 = arith.constant 3072 : i32
    %dma_start3A_32 = tpu.memref_slice %arg4[%dma_start3A_31] : memref<31744xf32, #tpu.memory_space<vmem>> -> memref<1024xf32, #tpu.memory_space<vmem>>
    %dma_start3A_33 = tpu.memref_slice %arg2[%add3A_27] : memref<1000000xf32, #tpu.memory_space<hbm>> -> memref<1024xf32, #tpu.memory_space<hbm>>
    tpu.enqueue_dma source(%dma_start3A_33 : memref<1024xf32, #tpu.memory_space<hbm>>) target(%dma_start3A_32 : memref<1024xf32, #tpu.memory_space<vmem>>) target_semaphore(%arg6 : memref<!tpu.dma_semaphore, #tpu.memory_space<semaphore_mem>>)
    %add3A_34 = arith.constant 131072 : i32
    %add3A_35 = arith.addi %mul3A_2, %add3A_34 : i32
    %dma_start3A_36 = arith.constant 4096 : i32
    %dma_start3A_37 = tpu.memref_slice %arg4[%dma_start3A_36] : memref<31744xf32, #tpu.memory_space<vmem>> -> memref<1024xf32, #tpu.memory_space<vmem>>
    %dma_start3A_38 = tpu.memref_slice %arg2[%add3A_35] : memref<1000000xf32, #tpu.memory_space<hbm>> -> memref<1024xf32, #tpu.memory_space<hbm>>
    %dma_start3A_39 = arith.constant 4096 : i32
    %dma_start3A_40 = tpu.memref_slice %arg4[%dma_start3A_39] : memref<31744xf32, #tpu.memory_space<vmem>> -> memref<1024xf32, #tpu.memory_space<vmem>>
    %dma_start3A_41 = tpu.memref_slice %arg2[%add3A_35] : memref<1000000xf32, #tpu.memory_space<hbm>> -> memref<1024xf32, #tpu.memory_space<hbm>>
    tpu.enqueue_dma source(%dma_start3A_41 : memref<1024xf32, #tpu.memory_space<hbm>>) target(%dma_start3A_40 : memref<1024xf32, #tpu.memory_space<vmem>>) target_semaphore(%arg6 : memref<!tpu.dma_semaphore, #tpu.memory_space<semaphore_mem>>)
    %add3A_42 = arith.constant 163840 : i32
    %add3A_43 = arith.addi %mul3A_2, %add3A_42 : i32
    %dma_start3A_44 = arith.constant 5120 : i32
    %dma_start3A_45 = tpu.memref_slice %arg4[%dma_start3A_44] : memref<31744xf32, #tpu.memory_space<vmem>> -> memref<1024xf32, #tpu.memory_space<vmem>>
    %dma_start3A_46 = tpu.memref_slice %arg2[%add3A_43] : memref<1000000xf32, #tpu.memory_space<hbm>> -> memref<1024xf32, #tpu.memory_space<hbm>>
    %dma_start3A_47 = arith.constant 5120 : i32
    %dma_start3A_48 = tpu.memref_slice %arg4[%dma_start3A_47] : memref<31744xf32, #tpu.memory_space<vmem>> -> memref<1024xf32, #tpu.memory_space<vmem>>
    %dma_start3A_49 = tpu.memref_slice %arg2[%add3A_43] : memref<1000000xf32, #tpu.memory_space<hbm>> -> memref<1024xf32, #tpu.memory_space<hbm>>
    tpu.enqueue_dma source(%dma_start3A_49 : memref<1024xf32, #tpu.memory_space<hbm>>) target(%dma_start3A_48 : memref<1024xf32, #tpu.memory_space<vmem>>) target_semaphore(%arg6 : memref<!tpu.dma_semaphore, #tpu.memory_space<semaphore_mem>>)
    %add3A_50 = arith.constant 196608 : i32
    %add3A_51 = arith.addi %mul3A_2, %add3A_50 : i32
    %dma_start3A_52 = arith.constant 6144 : i32
    %dma_start3A_53 = tpu.memref_slice %arg4[%dma_start3A_52] : memref<31744xf32, #tpu.memory_space<vmem>> -> memref<1024xf32, #tpu.memory_space<vmem>>
    %dma_start3A_54 = tpu.memref_slice %arg2[%add3A_51] : memref<1000000xf32, #tpu.memory_space<hbm>> -> memref<1024xf32, #tpu.memory_space<hbm>>
    %dma_start3A_55 = arith.constant 6144 : i32
    %dma_start3A_56 = tpu.memref_slice %arg4[%dma_start3A_55] : memref<31744xf32, #tpu.memory_space<vmem>> -> memref<1024xf32, #tpu.memory_space<vmem>>
    %dma_start3A_57 = tpu.memref_slice %arg2[%add3A_51] : memref<1000000xf32, #tpu.memory_space<hbm>> -> memref<1024xf32, #tpu.memory_space<hbm>>
    tpu.enqueue_dma source(%dma_start3A_57 : memref<1024xf32, #tpu.memory_space<hbm>>) target(%dma_start3A_56 : memref<1024xf32, #tpu.memory_space<vmem>>) target_semaphore(%arg6 : memref<!tpu.dma_semaphore, #tpu.memory_space<semaphore_mem>>)
    %add3A_58 = arith.constant 229376 : i32
    %add3A_59 = arith.addi %mul3A_2, %add3A_58 : i32
    %dma_start3A_60 = arith.constant 7168 : i32
    %dma_start3A_61 = tpu.memref_slice %arg4[%dma_start3A_60] : memref<31744xf32, #tpu.memory_space<vmem>> -> memref<1024xf32, #tpu.memory_space<vmem>>
    %dma_start3A_62 = tpu.memref_slice %arg2[%add3A_59] : memref<1000000xf32, #tpu.memory_space<hbm>> -> memref<1024xf32, #tpu.memory_space<hbm>>
    %dma_start3A_63 = arith.constant 7168 : i32
    %dma_start3A_64 = tpu.memref_slice %arg4[%dma_start3A_63] : memref<31744xf32, #tpu.memory_space<vmem>> -> memref<1024xf32, #tpu.memory_space<vmem>>
    %dma_start3A_65 = tpu.memref_slice %arg2[%add3A_59] : memref<1000000xf32, #tpu.memory_space<hbm>> -> memref<1024xf32, #tpu.memory_space<hbm>>
    tpu.enqueue_dma source(%dma_start3A_65 : memref<1024xf32, #tpu.memory_space<hbm>>) target(%dma_start3A_64 : memref<1024xf32, #tpu.memory_space<vmem>>) target_semaphore(%arg6 : memref<!tpu.dma_semaphore, #tpu.memory_space<semaphore_mem>>)
    %add3A_66 = arith.constant 262144 : i32
    %add3A_67 = arith.addi %mul3A_2, %add3A_66 : i32
    %dma_start3A_68 = arith.constant 8192 : i32
    %dma_start3A_69 = tpu.memref_slice %arg4[%dma_start3A_68] : memref<31744xf32, #tpu.memory_space<vmem>> -> memref<1024xf32, #tpu.memory_space<vmem>>
    %dma_start3A_70 = tpu.memref_slice %arg2[%add3A_67] : memref<1000000xf32, #tpu.memory_space<hbm>> -> memref<1024xf32, #tpu.memory_space<hbm>>
    %dma_start3A_71 = arith.constant 8192 : i32
    %dma_start3A_72 = tpu.memref_slice %arg4[%dma_start3A_71] : memref<31744xf32, #tpu.memory_space<vmem>> -> memref<1024xf32, #tpu.memory_space<vmem>>
    %dma_start3A_73 = tpu.memref_slice %arg2[%add3A_67] : memref<1000000xf32, #tpu.memory_space<hbm>> -> memref<1024xf32, #tpu.memory_space<hbm>>
    tpu.enqueue_dma source(%dma_start3A_73 : memref<1024xf32, #tpu.memory_space<hbm>>) target(%dma_start3A_72 : memref<1024xf32, #tpu.memory_space<vmem>>) target_semaphore(%arg6 : memref<!tpu.dma_semaphore, #tpu.memory_space<semaphore_mem>>)
    %add3A_74 = arith.constant 294912 : i32
    %add3A_75 = arith.addi %mul3A_2, %add3A_74 : i32
    %dma_start3A_76 = arith.constant 9216 : i32
    %dma_start3A_77 = tpu.memref_slice %arg4[%dma_start3A_76] : memref<31744xf32, #tpu.memory_space<vmem>> -> memref<1024xf32, #tpu.memory_space<vmem>>
    %dma_start3A_78 = tpu.memref_slice %arg2[%add3A_75] : memref<1000000xf32, #tpu.memory_space<hbm>> -> memref<1024xf32, #tpu.memory_space<hbm>>
    %dma_start3A_79 = arith.constant 9216 : i32
    %dma_start3A_80 = tpu.memref_slice %arg4[%dma_start3A_79] : memref<31744xf32, #tpu.memory_space<vmem>> -> memref<1024xf32, #tpu.memory_space<vmem>>
    %dma_start3A_81 = tpu.memref_slice %arg2[%add3A_75] : memref<1000000xf32, #tpu.memory_space<hbm>> -> memref<1024xf32, #tpu.memory_space<hbm>>
    tpu.enqueue_dma source(%dma_start3A_81 : memref<1024xf32, #tpu.memory_space<hbm>>) target(%dma_start3A_80 : memref<1024xf32, #tpu.memory_space<vmem>>) target_semaphore(%arg6 : memref<!tpu.dma_semaphore, #tpu.memory_space<semaphore_mem>>)
    %add3A_82 = arith.constant 327680 : i32
    %add3A_83 = arith.addi %mul3A_2, %add3A_82 : i32
    %dma_start3A_84 = arith.constant 10240 : i32
    %dma_start3A_85 = tpu.memref_slice %arg4[%dma_start3A_84] : memref<31744xf32, #tpu.memory_space<vmem>> -> memref<1024xf32, #tpu.memory_space<vmem>>
    %dma_start3A_86 = tpu.memref_slice %arg2[%add3A_83] : memref<1000000xf32, #tpu.memory_space<hbm>> -> memref<1024xf32, #tpu.memory_space<hbm>>
    %dma_start3A_87 = arith.constant 10240 : i32
    %dma_start3A_88 = tpu.memref_slice %arg4[%dma_start3A_87] : memref<31744xf32, #tpu.memory_space<vmem>> -> memref<1024xf32, #tpu.memory_space<vmem>>
    %dma_start3A_89 = tpu.memref_slice %arg2[%add3A_83] : memref<1000000xf32, #tpu.memory_space<hbm>> -> memref<1024xf32, #tpu.memory_space<hbm>>
    tpu.enqueue_dma source(%dma_start3A_89 : memref<1024xf32, #tpu.memory_space<hbm>>) target(%dma_start3A_88 : memref<1024xf32, #tpu.memory_space<vmem>>) target_semaphore(%arg6 : memref<!tpu.dma_semaphore, #tpu.memory_space<semaphore_mem>>)
    %add3A_90 = arith.constant 360448 : i32
    %add3A_91 = arith.addi %mul3A_2, %add3A_90 : i32
    %dma_start3A_92 = arith.constant 11264 : i32
    %dma_start3A_93 = tpu.memref_slice %arg4[%dma_start3A_92] : memref<31744xf32, #tpu.memory_space<vmem>> -> memref<1024xf32, #tpu.memory_space<vmem>>
    %dma_start3A_94 = tpu.memref_slice %arg2[%add3A_91] : memref<1000000xf32, #tpu.memory_space<hbm>> -> memref<1024xf32, #tpu.memory_space<hbm>>
    %dma_start3A_95 = arith.constant 11264 : i32
    %dma_start3A_96 = tpu.memref_slice %arg4[%dma_start3A_95] : memref<31744xf32, #tpu.memory_space<vmem>> -> memref<1024xf32, #tpu.memory_space<vmem>>
    %dma_start3A_97 = tpu.memref_slice %arg2[%add3A_91] : memref<1000000xf32, #tpu.memory_space<hbm>> -> memref<1024xf32, #tpu.memory_space<hbm>>
    tpu.enqueue_dma source(%dma_start3A_97 : memref<1024xf32, #tpu.memory_space<hbm>>) target(%dma_start3A_96 : memref<1024xf32, #tpu.memory_space<vmem>>) target_semaphore(%arg6 : memref<!tpu.dma_semaphore, #tpu.memory_space<semaphore_mem>>)
    %add3A_98 = arith.constant 393216 : i32
    %add3A_99 = arith.addi %mul3A_2, %add3A_98 : i32
    %dma_start3A_100 = arith.constant 12288 : i32
    %dma_start3A_101 = tpu.memref_slice %arg4[%dma_start3A_100] : memref<31744xf32, #tpu.memory_space<vmem>> -> memref<1024xf32, #tpu.memory_space<vmem>>
    %dma_start3A_102 = tpu.memref_slice %arg2[%add3A_99] : memref<1000000xf32, #tpu.memory_space<hbm>> -> memref<1024xf32, #tpu.memory_space<hbm>>
    %dma_start3A_103 = arith.constant 12288 : i32
    %dma_start3A_104 = tpu.memref_slice %arg4[%dma_start3A_103] : memref<31744xf32, #tpu.memory_space<vmem>> -> memref<1024xf32, #tpu.memory_space<vmem>>
    %dma_start3A_105 = tpu.memref_slice %arg2[%add3A_99] : memref<1000000xf32, #tpu.memory_space<hbm>> -> memref<1024xf32, #tpu.memory_space<hbm>>
    tpu.enqueue_dma source(%dma_start3A_105 : memref<1024xf32, #tpu.memory_space<hbm>>) target(%dma_start3A_104 : memref<1024xf32, #tpu.memory_space<vmem>>) target_semaphore(%arg6 : memref<!tpu.dma_semaphore, #tpu.memory_space<semaphore_mem>>)
    %add3A_106 = arith.constant 425984 : i32
    %add3A_107 = arith.addi %mul3A_2, %add3A_106 : i32
    %dma_start3A_108 = arith.constant 13312 : i32
    %dma_start3A_109 = tpu.memref_slice %arg4[%dma_start3A_108] : memref<31744xf32, #tpu.memory_space<vmem>> -> memref<1024xf32, #tpu.memory_space<vmem>>
    %dma_start3A_110 = tpu.memref_slice %arg2[%add3A_107] : memref<1000000xf32, #tpu.memory_space<hbm>> -> memref<1024xf32, #tpu.memory_space<hbm>>
    %dma_start3A_111 = arith.constant 13312 : i32
    %dma_start3A_112 = tpu.memref_slice %arg4[%dma_start3A_111] : memref<31744xf32, #tpu.memory_space<vmem>> -> memref<1024xf32, #tpu.memory_space<vmem>>
    %dma_start3A_113 = tpu.memref_slice %arg2[%add3A_107] : memref<1000000xf32, #tpu.memory_space<hbm>> -> memref<1024xf32, #tpu.memory_space<hbm>>
    tpu.enqueue_dma source(%dma_start3A_113 : memref<1024xf32, #tpu.memory_space<hbm>>) target(%dma_start3A_112 : memref<1024xf32, #tpu.memory_space<vmem>>) target_semaphore(%arg6 : memref<!tpu.dma_semaphore, #tpu.memory_space<semaphore_mem>>)
    %add3A_114 = arith.constant 458752 : i32
    %add3A_115 = arith.addi %mul3A_2, %add3A_114 : i32
    %dma_start3A_116 = arith.constant 14336 : i32
    %dma_start3A_117 = tpu.memref_slice %arg4[%dma_start3A_116] : memref<31744xf32, #tpu.memory_space<vmem>> -> memref<1024xf32, #tpu.memory_space<vmem>>
    %dma_start3A_118 = tpu.memref_slice %arg2[%add3A_115] : memref<1000000xf32, #tpu.memory_space<hbm>> -> memref<1024xf32, #tpu.memory_space<hbm>>
    %dma_start3A_119 = arith.constant 14336 : i32
    %dma_start3A_120 = tpu.memref_slice %arg4[%dma_start3A_119] : memref<31744xf32, #tpu.memory_space<vmem>> -> memref<1024xf32, #tpu.memory_space<vmem>>
    %dma_start3A_121 = tpu.memref_slice %arg2[%add3A_115] : memref<1000000xf32, #tpu.memory_space<hbm>> -> memref<1024xf32, #tpu.memory_space<hbm>>
    tpu.enqueue_dma source(%dma_start3A_121 : memref<1024xf32, #tpu.memory_space<hbm>>) target(%dma_start3A_120 : memref<1024xf32, #tpu.memory_space<vmem>>) target_semaphore(%arg6 : memref<!tpu.dma_semaphore, #tpu.memory_space<semaphore_mem>>)
    %add3A_122 = arith.constant 491520 : i32
    %add3A_123 = arith.addi %mul3A_2, %add3A_122 : i32
    %dma_start3A_124 = arith.constant 15360 : i32
    %dma_start3A_125 = tpu.memref_slice %arg4[%dma_start3A_124] : memref<31744xf32, #tpu.memory_space<vmem>> -> memref<1024xf32, #tpu.memory_space<vmem>>
    %dma_start3A_126 = tpu.memref_slice %arg2[%add3A_123] : memref<1000000xf32, #tpu.memory_space<hbm>> -> memref<1024xf32, #tpu.memory_space<hbm>>
    %dma_start3A_127 = arith.constant 15360 : i32
    %dma_start3A_128 = tpu.memref_slice %arg4[%dma_start3A_127] : memref<31744xf32, #tpu.memory_space<vmem>> -> memref<1024xf32, #tpu.memory_space<vmem>>
    %dma_start3A_129 = tpu.memref_slice %arg2[%add3A_123] : memref<1000000xf32, #tpu.memory_space<hbm>> -> memref<1024xf32, #tpu.memory_space<hbm>>
    tpu.enqueue_dma source(%dma_start3A_129 : memref<1024xf32, #tpu.memory_space<hbm>>) target(%dma_start3A_128 : memref<1024xf32, #tpu.memory_space<vmem>>) target_semaphore(%arg6 : memref<!tpu.dma_semaphore, #tpu.memory_space<semaphore_mem>>)
    %add3A_130 = arith.constant 524288 : i32
    %add3A_131 = arith.addi %mul3A_2, %add3A_130 : i32
    %dma_start3A_132 = arith.constant 16384 : i32
    %dma_start3A_133 = tpu.memref_slice %arg4[%dma_start3A_132] : memref<31744xf32, #tpu.memory_space<vmem>> -> memref<1024xf32, #tpu.memory_space<vmem>>
    %dma_start3A_134 = tpu.memref_slice %arg2[%add3A_131] : memref<1000000xf32, #tpu.memory_space<hbm>> -> memref<1024xf32, #tpu.memory_space<hbm>>
    %dma_start3A_135 = arith.constant 16384 : i32
    %dma_start3A_136 = tpu.memref_slice %arg4[%dma_start3A_135] : memref<31744xf32, #tpu.memory_space<vmem>> -> memref<1024xf32, #tpu.memory_space<vmem>>
    %dma_start3A_137 = tpu.memref_slice %arg2[%add3A_131] : memref<1000000xf32, #tpu.memory_space<hbm>> -> memref<1024xf32, #tpu.memory_space<hbm>>
    tpu.enqueue_dma source(%dma_start3A_137 : memref<1024xf32, #tpu.memory_space<hbm>>) target(%dma_start3A_136 : memref<1024xf32, #tpu.memory_space<vmem>>) target_semaphore(%arg6 : memref<!tpu.dma_semaphore, #tpu.memory_space<semaphore_mem>>)
    %add3A_138 = arith.constant 557056 : i32
    %add3A_139 = arith.addi %mul3A_2, %add3A_138 : i32
    %dma_start3A_140 = arith.constant 17408 : i32
    %dma_start3A_141 = tpu.memref_slice %arg4[%dma_start3A_140] : memref<31744xf32, #tpu.memory_space<vmem>> -> memref<1024xf32, #tpu.memory_space<vmem>>
    %dma_start3A_142 = tpu.memref_slice %arg2[%add3A_139] : memref<1000000xf32, #tpu.memory_space<hbm>> -> memref<1024xf32, #tpu.memory_space<hbm>>
    %dma_start3A_143 = arith.constant 17408 : i32
    %dma_start3A_144 = tpu.memref_slice %arg4[%dma_start3A_143] : memref<31744xf32, #tpu.memory_space<vmem>> -> memref<1024xf32, #tpu.memory_space<vmem>>
    %dma_start3A_145 = tpu.memref_slice %arg2[%add3A_139] : memref<1000000xf32, #tpu.memory_space<hbm>> -> memref<1024xf32, #tpu.memory_space<hbm>>
    tpu.enqueue_dma source(%dma_start3A_145 : memref<1024xf32, #tpu.memory_space<hbm>>) target(%dma_start3A_144 : memref<1024xf32, #tpu.memory_space<vmem>>) target_semaphore(%arg6 : memref<!tpu.dma_semaphore, #tpu.memory_space<semaphore_mem>>)
    %add3A_146 = arith.constant 589824 : i32
    %add3A_147 = arith.addi %mul3A_2, %add3A_146 : i32
    %dma_start3A_148 = arith.constant 18432 : i32
    %dma_start3A_149 = tpu.memref_slice %arg4[%dma_start3A_148] : memref<31744xf32, #tpu.memory_space<vmem>> -> memref<1024xf32, #tpu.memory_space<vmem>>
    %dma_start3A_150 = tpu.memref_slice %arg2[%add3A_147] : memref<1000000xf32, #tpu.memory_space<hbm>> -> memref<1024xf32, #tpu.memory_space<hbm>>
    %dma_start3A_151 = arith.constant 18432 : i32
    %dma_start3A_152 = tpu.memref_slice %arg4[%dma_start3A_151] : memref<31744xf32, #tpu.memory_space<vmem>> -> memref<1024xf32, #tpu.memory_space<vmem>>
    %dma_start3A_153 = tpu.memref_slice %arg2[%add3A_147] : memref<1000000xf32, #tpu.memory_space<hbm>> -> memref<1024xf32, #tpu.memory_space<hbm>>
    tpu.enqueue_dma source(%dma_start3A_153 : memref<1024xf32, #tpu.memory_space<hbm>>) target(%dma_start3A_152 : memref<1024xf32, #tpu.memory_space<vmem>>) target_semaphore(%arg6 : memref<!tpu.dma_semaphore, #tpu.memory_space<semaphore_mem>>)
    %add3A_154 = arith.constant 622592 : i32
    %add3A_155 = arith.addi %mul3A_2, %add3A_154 : i32
    %dma_start3A_156 = arith.constant 19456 : i32
    %dma_start3A_157 = tpu.memref_slice %arg4[%dma_start3A_156] : memref<31744xf32, #tpu.memory_space<vmem>> -> memref<1024xf32, #tpu.memory_space<vmem>>
    %dma_start3A_158 = tpu.memref_slice %arg2[%add3A_155] : memref<1000000xf32, #tpu.memory_space<hbm>> -> memref<1024xf32, #tpu.memory_space<hbm>>
    %dma_start3A_159 = arith.constant 19456 : i32
    %dma_start3A_160 = tpu.memref_slice %arg4[%dma_start3A_159] : memref<31744xf32, #tpu.memory_space<vmem>> -> memref<1024xf32, #tpu.memory_space<vmem>>
    %dma_start3A_161 = tpu.memref_slice %arg2[%add3A_155] : memref<1000000xf32, #tpu.memory_space<hbm>> -> memref<1024xf32, #tpu.memory_space<hbm>>
    tpu.enqueue_dma source(%dma_start3A_161 : memref<1024xf32, #tpu.memory_space<hbm>>) target(%dma_start3A_160 : memref<1024xf32, #tpu.memory_space<vmem>>) target_semaphore(%arg6 : memref<!tpu.dma_semaphore, #tpu.memory_space<semaphore_mem>>)
    %add3A_162 = arith.constant 655360 : i32
    %add3A_163 = arith.addi %mul3A_2, %add3A_162 : i32
    %dma_start3A_164 = arith.constant 20480 : i32
    %dma_start3A_165 = tpu.memref_slice %arg4[%dma_start3A_164] : memref<31744xf32, #tpu.memory_space<vmem>> -> memref<1024xf32, #tpu.memory_space<vmem>>
    %dma_start3A_166 = tpu.memref_slice %arg2[%add3A_163] : memref<1000000xf32, #tpu.memory_space<hbm>> -> memref<1024xf32, #tpu.memory_space<hbm>>
    %dma_start3A_167 = arith.constant 20480 : i32
    %dma_start3A_168 = tpu.memref_slice %arg4[%dma_start3A_167] : memref<31744xf32, #tpu.memory_space<vmem>> -> memref<1024xf32, #tpu.memory_space<vmem>>
    %dma_start3A_169 = tpu.memref_slice %arg2[%add3A_163] : memref<1000000xf32, #tpu.memory_space<hbm>> -> memref<1024xf32, #tpu.memory_space<hbm>>
    tpu.enqueue_dma source(%dma_start3A_169 : memref<1024xf32, #tpu.memory_space<hbm>>) target(%dma_start3A_168 : memref<1024xf32, #tpu.memory_space<vmem>>) target_semaphore(%arg6 : memref<!tpu.dma_semaphore, #tpu.memory_space<semaphore_mem>>)
    %add3A_170 = arith.constant 688128 : i32
    %add3A_171 = arith.addi %mul3A_2, %add3A_170 : i32
    %dma_start3A_172 = arith.constant 21504 : i32
    %dma_start3A_173 = tpu.memref_slice %arg4[%dma_start3A_172] : memref<31744xf32, #tpu.memory_space<vmem>> -> memref<1024xf32, #tpu.memory_space<vmem>>
    %dma_start3A_174 = tpu.memref_slice %arg2[%add3A_171] : memref<1000000xf32, #tpu.memory_space<hbm>> -> memref<1024xf32, #tpu.memory_space<hbm>>
    %dma_start3A_175 = arith.constant 21504 : i32
    %dma_start3A_176 = tpu.memref_slice %arg4[%dma_start3A_175] : memref<31744xf32, #tpu.memory_space<vmem>> -> memref<1024xf32, #tpu.memory_space<vmem>>
    %dma_start3A_177 = tpu.memref_slice %arg2[%add3A_171] : memref<1000000xf32, #tpu.memory_space<hbm>> -> memref<1024xf32, #tpu.memory_space<hbm>>
    tpu.enqueue_dma source(%dma_start3A_177 : memref<1024xf32, #tpu.memory_space<hbm>>) target(%dma_start3A_176 : memref<1024xf32, #tpu.memory_space<vmem>>) target_semaphore(%arg6 : memref<!tpu.dma_semaphore, #tpu.memory_space<semaphore_mem>>)
    %add3A_178 = arith.constant 720896 : i32
    %add3A_179 = arith.addi %mul3A_2, %add3A_178 : i32
    %dma_start3A_180 = arith.constant 22528 : i32
    %dma_start3A_181 = tpu.memref_slice %arg4[%dma_start3A_180] : memref<31744xf32, #tpu.memory_space<vmem>> -> memref<1024xf32, #tpu.memory_space<vmem>>
    %dma_start3A_182 = tpu.memref_slice %arg2[%add3A_179] : memref<1000000xf32, #tpu.memory_space<hbm>> -> memref<1024xf32, #tpu.memory_space<hbm>>
    %dma_start3A_183 = arith.constant 22528 : i32
    %dma_start3A_184 = tpu.memref_slice %arg4[%dma_start3A_183] : memref<31744xf32, #tpu.memory_space<vmem>> -> memref<1024xf32, #tpu.memory_space<vmem>>
    %dma_start3A_185 = tpu.memref_slice %arg2[%add3A_179] : memref<1000000xf32, #tpu.memory_space<hbm>> -> memref<1024xf32, #tpu.memory_space<hbm>>
    tpu.enqueue_dma source(%dma_start3A_185 : memref<1024xf32, #tpu.memory_space<hbm>>) target(%dma_start3A_184 : memref<1024xf32, #tpu.memory_space<vmem>>) target_semaphore(%arg6 : memref<!tpu.dma_semaphore, #tpu.memory_space<semaphore_mem>>)
    %add3A_186 = arith.constant 753664 : i32
    %add3A_187 = arith.addi %mul3A_2, %add3A_186 : i32
    %dma_start3A_188 = arith.constant 23552 : i32
    %dma_start3A_189 = tpu.memref_slice %arg4[%dma_start3A_188] : memref<31744xf32, #tpu.memory_space<vmem>> -> memref<1024xf32, #tpu.memory_space<vmem>>
    %dma_start3A_190 = tpu.memref_slice %arg2[%add3A_187] : memref<1000000xf32, #tpu.memory_space<hbm>> -> memref<1024xf32, #tpu.memory_space<hbm>>
    %dma_start3A_191 = arith.constant 23552 : i32
    %dma_start3A_192 = tpu.memref_slice %arg4[%dma_start3A_191] : memref<31744xf32, #tpu.memory_space<vmem>> -> memref<1024xf32, #tpu.memory_space<vmem>>
    %dma_start3A_193 = tpu.memref_slice %arg2[%add3A_187] : memref<1000000xf32, #tpu.memory_space<hbm>> -> memref<1024xf32, #tpu.memory_space<hbm>>
    tpu.enqueue_dma source(%dma_start3A_193 : memref<1024xf32, #tpu.memory_space<hbm>>) target(%dma_start3A_192 : memref<1024xf32, #tpu.memory_space<vmem>>) target_semaphore(%arg6 : memref<!tpu.dma_semaphore, #tpu.memory_space<semaphore_mem>>)
    %add3A_194 = arith.constant 786432 : i32
    %add3A_195 = arith.addi %mul3A_2, %add3A_194 : i32
    %dma_start3A_196 = arith.constant 24576 : i32
    %dma_start3A_197 = tpu.memref_slice %arg4[%dma_start3A_196] : memref<31744xf32, #tpu.memory_space<vmem>> -> memref<1024xf32, #tpu.memory_space<vmem>>
    %dma_start3A_198 = tpu.memref_slice %arg2[%add3A_195] : memref<1000000xf32, #tpu.memory_space<hbm>> -> memref<1024xf32, #tpu.memory_space<hbm>>
    %dma_start3A_199 = arith.constant 24576 : i32
    %dma_start3A_200 = tpu.memref_slice %arg4[%dma_start3A_199] : memref<31744xf32, #tpu.memory_space<vmem>> -> memref<1024xf32, #tpu.memory_space<vmem>>
    %dma_start3A_201 = tpu.memref_slice %arg2[%add3A_195] : memref<1000000xf32, #tpu.memory_space<hbm>> -> memref<1024xf32, #tpu.memory_space<hbm>>
    tpu.enqueue_dma source(%dma_start3A_201 : memref<1024xf32, #tpu.memory_space<hbm>>) target(%dma_start3A_200 : memref<1024xf32, #tpu.memory_space<vmem>>) target_semaphore(%arg6 : memref<!tpu.dma_semaphore, #tpu.memory_space<semaphore_mem>>)
    %add3A_202 = arith.constant 819200 : i32
    %add3A_203 = arith.addi %mul3A_2, %add3A_202 : i32
    %dma_start3A_204 = arith.constant 25600 : i32
    %dma_start3A_205 = tpu.memref_slice %arg4[%dma_start3A_204] : memref<31744xf32, #tpu.memory_space<vmem>> -> memref<1024xf32, #tpu.memory_space<vmem>>
    %dma_start3A_206 = tpu.memref_slice %arg2[%add3A_203] : memref<1000000xf32, #tpu.memory_space<hbm>> -> memref<1024xf32, #tpu.memory_space<hbm>>
    %dma_start3A_207 = arith.constant 25600 : i32
    %dma_start3A_208 = tpu.memref_slice %arg4[%dma_start3A_207] : memref<31744xf32, #tpu.memory_space<vmem>> -> memref<1024xf32, #tpu.memory_space<vmem>>
    %dma_start3A_209 = tpu.memref_slice %arg2[%add3A_203] : memref<1000000xf32, #tpu.memory_space<hbm>> -> memref<1024xf32, #tpu.memory_space<hbm>>
    tpu.enqueue_dma source(%dma_start3A_209 : memref<1024xf32, #tpu.memory_space<hbm>>) target(%dma_start3A_208 : memref<1024xf32, #tpu.memory_space<vmem>>) target_semaphore(%arg6 : memref<!tpu.dma_semaphore, #tpu.memory_space<semaphore_mem>>)
    %add3A_210 = arith.constant 851968 : i32
    %add3A_211 = arith.addi %mul3A_2, %add3A_210 : i32
    %dma_start3A_212 = arith.constant 26624 : i32
    %dma_start3A_213 = tpu.memref_slice %arg4[%dma_start3A_212] : memref<31744xf32, #tpu.memory_space<vmem>> -> memref<1024xf32, #tpu.memory_space<vmem>>
    %dma_start3A_214 = tpu.memref_slice %arg2[%add3A_211] : memref<1000000xf32, #tpu.memory_space<hbm>> -> memref<1024xf32, #tpu.memory_space<hbm>>
    %dma_start3A_215 = arith.constant 26624 : i32
    %dma_start3A_216 = tpu.memref_slice %arg4[%dma_start3A_215] : memref<31744xf32, #tpu.memory_space<vmem>> -> memref<1024xf32, #tpu.memory_space<vmem>>
    %dma_start3A_217 = tpu.memref_slice %arg2[%add3A_211] : memref<1000000xf32, #tpu.memory_space<hbm>> -> memref<1024xf32, #tpu.memory_space<hbm>>
    tpu.enqueue_dma source(%dma_start3A_217 : memref<1024xf32, #tpu.memory_space<hbm>>) target(%dma_start3A_216 : memref<1024xf32, #tpu.memory_space<vmem>>) target_semaphore(%arg6 : memref<!tpu.dma_semaphore, #tpu.memory_space<semaphore_mem>>)
    %add3A_218 = arith.constant 884736 : i32
    %add3A_219 = arith.addi %mul3A_2, %add3A_218 : i32
    %dma_start3A_220 = arith.constant 27648 : i32
    %dma_start3A_221 = tpu.memref_slice %arg4[%dma_start3A_220] : memref<31744xf32, #tpu.memory_space<vmem>> -> memref<1024xf32, #tpu.memory_space<vmem>>
    %dma_start3A_222 = tpu.memref_slice %arg2[%add3A_219] : memref<1000000xf32, #tpu.memory_space<hbm>> -> memref<1024xf32, #tpu.memory_space<hbm>>
    %dma_start3A_223 = arith.constant 27648 : i32
    %dma_start3A_224 = tpu.memref_slice %arg4[%dma_start3A_223] : memref<31744xf32, #tpu.memory_space<vmem>> -> memref<1024xf32, #tpu.memory_space<vmem>>
    %dma_start3A_225 = tpu.memref_slice %arg2[%add3A_219] : memref<1000000xf32, #tpu.memory_space<hbm>> -> memref<1024xf32, #tpu.memory_space<hbm>>
    tpu.enqueue_dma source(%dma_start3A_225 : memref<1024xf32, #tpu.memory_space<hbm>>) target(%dma_start3A_224 : memref<1024xf32, #tpu.memory_space<vmem>>) target_semaphore(%arg6 : memref<!tpu.dma_semaphore, #tpu.memory_space<semaphore_mem>>)
    %add3A_226 = arith.constant 917504 : i32
    %add3A_227 = arith.addi %mul3A_2, %add3A_226 : i32
    %dma_start3A_228 = arith.constant 28672 : i32
    %dma_start3A_229 = tpu.memref_slice %arg4[%dma_start3A_228] : memref<31744xf32, #tpu.memory_space<vmem>> -> memref<1024xf32, #tpu.memory_space<vmem>>
    %dma_start3A_230 = tpu.memref_slice %arg2[%add3A_227] : memref<1000000xf32, #tpu.memory_space<hbm>> -> memref<1024xf32, #tpu.memory_space<hbm>>
    %dma_start3A_231 = arith.constant 28672 : i32
    %dma_start3A_232 = tpu.memref_slice %arg4[%dma_start3A_231] : memref<31744xf32, #tpu.memory_space<vmem>> -> memref<1024xf32, #tpu.memory_space<vmem>>
    %dma_start3A_233 = tpu.memref_slice %arg2[%add3A_227] : memref<1000000xf32, #tpu.memory_space<hbm>> -> memref<1024xf32, #tpu.memory_space<hbm>>
    tpu.enqueue_dma source(%dma_start3A_233 : memref<1024xf32, #tpu.memory_space<hbm>>) target(%dma_start3A_232 : memref<1024xf32, #tpu.memory_space<vmem>>) target_semaphore(%arg6 : memref<!tpu.dma_semaphore, #tpu.memory_space<semaphore_mem>>)
    %add3A_234 = arith.constant 950272 : i32
    %add3A_235 = arith.addi %mul3A_2, %add3A_234 : i32
    %dma_start3A_236 = arith.constant 29696 : i32
    %dma_start3A_237 = tpu.memref_slice %arg4[%dma_start3A_236] : memref<31744xf32, #tpu.memory_space<vmem>> -> memref<1024xf32, #tpu.memory_space<vmem>>
    %dma_start3A_238 = tpu.memref_slice %arg2[%add3A_235] : memref<1000000xf32, #tpu.memory_space<hbm>> -> memref<1024xf32, #tpu.memory_space<hbm>>
    %dma_start3A_239 = arith.constant 29696 : i32
    %dma_start3A_240 = tpu.memref_slice %arg4[%dma_start3A_239] : memref<31744xf32, #tpu.memory_space<vmem>> -> memref<1024xf32, #tpu.memory_space<vmem>>
    %dma_start3A_241 = tpu.memref_slice %arg2[%add3A_235] : memref<1000000xf32, #tpu.memory_space<hbm>> -> memref<1024xf32, #tpu.memory_space<hbm>>
    tpu.enqueue_dma source(%dma_start3A_241 : memref<1024xf32, #tpu.memory_space<hbm>>) target(%dma_start3A_240 : memref<1024xf32, #tpu.memory_space<vmem>>) target_semaphore(%arg6 : memref<!tpu.dma_semaphore, #tpu.memory_space<semaphore_mem>>)
    %broadcast_in_dim3A = arith.constant 0.000000e+00 : f32
    %broadcast_in_dim3A_242 = vector.broadcast %broadcast_in_dim3A : f32 to vector<16xf32>
    %lt3A = arith.constant 16 : i32
    %lt3A_243 = arith.cmpi slt, %add3A, %lt3A : i32
    %convert_element_type3A = arith.extui %lt3A_243 : i1 to i32
    %cond3A = arith.constant 0 : i32
    %cond3A_244 = arith.cmpi ne, %convert_element_type3A, %cond3A : i32
    scf.if %cond3A_244 {
      %add3A_438 = arith.constant 983040 : i32
      %add3A_439 = arith.addi %mul3A_2, %add3A_438 : i32
      "tpu.region"() ({
        %run_scoped3A = tpu.sem_alloc : memref<!tpu.dma_semaphore, #tpu.memory_space<semaphore_mem>>
        %dma_start3A_440 = arith.constant 30720 : i32
        %dma_start3A_441 = tpu.memref_slice %arg4[%dma_start3A_440] : memref<31744xf32, #tpu.memory_space<vmem>> -> memref<1024xf32, #tpu.memory_space<vmem>>
        %dma_start3A_442 = tpu.memref_slice %arg2[%add3A_439] : memref<1000000xf32, #tpu.memory_space<hbm>> -> memref<1024xf32, #tpu.memory_space<hbm>>
        %dma_start3A_443 = arith.constant 30720 : i32
        %dma_start3A_444 = tpu.memref_slice %arg4[%dma_start3A_443] : memref<31744xf32, #tpu.memory_space<vmem>> -> memref<1024xf32, #tpu.memory_space<vmem>>
        %dma_start3A_445 = tpu.memref_slice %arg2[%add3A_439] : memref<1000000xf32, #tpu.memory_space<hbm>> -> memref<1024xf32, #tpu.memory_space<hbm>>
        tpu.enqueue_dma source(%dma_start3A_445 : memref<1024xf32, #tpu.memory_space<hbm>>) target(%dma_start3A_444 : memref<1024xf32, #tpu.memory_space<vmem>>) target_semaphore(%run_scoped3A : memref<!tpu.dma_semaphore, #tpu.memory_space<semaphore_mem>>)
        %dma_wait3A_446 = arith.constant 30720 : i32
        %dma_wait3A_447 = tpu.memref_slice %arg4[%dma_wait3A_446] : memref<31744xf32, #tpu.memory_space<vmem>> -> memref<1024xf32, #tpu.memory_space<vmem>>
        %dma_wait3A_448 = tpu.memref_slice %arg2[%add3A_439] : memref<1000000xf32, #tpu.memory_space<hbm>> -> memref<1024xf32, #tpu.memory_space<hbm>>
        %dma_wait3A_449 = arith.constant 30720 : i32
        %dma_wait3A_450 = tpu.memref_slice %arg4[%dma_wait3A_449] : memref<31744xf32, #tpu.memory_space<vmem>> -> memref<1024xf32, #tpu.memory_space<vmem>>
        %dma_wait3A_451 = tpu.memref_slice %arg2[%add3A_439] : memref<1000000xf32, #tpu.memory_space<hbm>> -> memref<1024xf32, #tpu.memory_space<hbm>>
        tpu.wait_dma2 semaphore(%run_scoped3A : memref<!tpu.dma_semaphore, #tpu.memory_space<semaphore_mem>>) src(%dma_wait3A_451 : memref<1024xf32, #tpu.memory_space<hbm>>) dst(%dma_wait3A_450 : memref<1024xf32, #tpu.memory_space<vmem>>)
        tpu.yield
      }) : () -> ()
    } else {
    }
    %eq3A = arith.constant 16 : i32
    %eq3A_245 = arith.cmpi eq, %add3A, %eq3A : i32
    %convert_element_type3A_246 = arith.extui %eq3A_245 : i1 to i32
    %cond3A_247 = arith.constant 0 : i32
    %cond3A_248 = arith.cmpi ne, %convert_element_type3A_246, %cond3A_247 : i32
    scf.if %cond3A_248 {
      %add3A_438 = arith.constant 983040 : i32
      %add3A_439 = arith.addi %mul3A_2, %add3A_438 : i32
      "tpu.region"() ({
        %run_scoped3A = tpu.sem_alloc : memref<!tpu.dma_semaphore, #tpu.memory_space<semaphore_mem>>
        %dma_start3A_447 = arith.constant 30720 : i32
        %dma_start3A_448 = tpu.memref_slice %arg4[%dma_start3A_447] : memref<31744xf32, #tpu.memory_space<vmem>> -> memref<576xf32, #tpu.memory_space<vmem>>
        %dma_start3A_449 = tpu.memref_slice %arg2[%add3A_439] : memref<1000000xf32, #tpu.memory_space<hbm>> -> memref<576xf32, #tpu.memory_space<hbm>>
        %dma_start3A_450 = arith.constant 30720 : i32
        %dma_start3A_451 = tpu.memref_slice %arg4[%dma_start3A_450] : memref<31744xf32, #tpu.memory_space<vmem>> -> memref<576xf32, #tpu.memory_space<vmem>>
        %dma_start3A_452 = tpu.memref_slice %arg2[%add3A_439] : memref<1000000xf32, #tpu.memory_space<hbm>> -> memref<576xf32, #tpu.memory_space<hbm>>
        tpu.enqueue_dma source(%dma_start3A_452 : memref<576xf32, #tpu.memory_space<hbm>>) target(%dma_start3A_451 : memref<576xf32, #tpu.memory_space<vmem>>) target_semaphore(%run_scoped3A : memref<!tpu.dma_semaphore, #tpu.memory_space<semaphore_mem>>)
        %dma_wait3A_453 = arith.constant 30720 : i32
        %dma_wait3A_454 = tpu.memref_slice %arg4[%dma_wait3A_453] : memref<31744xf32, #tpu.memory_space<vmem>> -> memref<576xf32, #tpu.memory_space<vmem>>
        %dma_wait3A_455 = tpu.memref_slice %arg2[%add3A_439] : memref<1000000xf32, #tpu.memory_space<hbm>> -> memref<576xf32, #tpu.memory_space<hbm>>
        %dma_wait3A_456 = arith.constant 30720 : i32
        %dma_wait3A_457 = tpu.memref_slice %arg4[%dma_wait3A_456] : memref<31744xf32, #tpu.memory_space<vmem>> -> memref<576xf32, #tpu.memory_space<vmem>>
        %dma_wait3A_458 = tpu.memref_slice %arg2[%add3A_439] : memref<1000000xf32, #tpu.memory_space<hbm>> -> memref<576xf32, #tpu.memory_space<hbm>>
        tpu.wait_dma2 semaphore(%run_scoped3A : memref<!tpu.dma_semaphore, #tpu.memory_space<semaphore_mem>>) src(%dma_wait3A_458 : memref<576xf32, #tpu.memory_space<hbm>>) dst(%dma_wait3A_457 : memref<576xf32, #tpu.memory_space<vmem>>)
        tpu.yield
      }) : () -> ()
      %scan3A_440 = arith.constant 31296 : i32
      %scan3A_441 = arith.constant 0 : i32
      %scan3A_442 = arith.constant 28 : i32
      %scan3A_443 = arith.addi %scan3A_441, %scan3A_442 : i32
      %scan3A_444 = arith.constant 1 : i32
      %scan3A_445 = scf.for %scan3A_447 = %scan3A_441 to %scan3A_443 step %scan3A_444 iter_args(%scan3A_448 = %scan3A_440) -> (i32)  : i32 {
        %swap3A = arith.index_cast %scan3A_448 : i32 to index
        %swap3A_449 = tpu.vector_load %arg4[%swap3A] {strides = array<i32>} : memref<31744xf32, #tpu.memory_space<vmem>>, vector<16xf32>,
        tpu.vector_store %arg4[%swap3A], %broadcast_in_dim3A_242 {strides = array<i32>} : memref<31744xf32, #tpu.memory_space<vmem>>, vector<16xf32>,
        %add3A_450 = arith.constant 16 : i32
        %add3A_451 = arith.addi %scan3A_448, %add3A_450 : i32
        scf.yield %add3A_451 : i32
      }
      %scan3A_446 = arith.constant 28 : i32
    } else {
    }
    %gt3A = arith.constant 16 : i32
    %gt3A_249 = arith.cmpi sgt, %add3A, %gt3A : i32
    %convert_element_type3A_250 = arith.extui %gt3A_249 : i1 to i32
    %cond3A_251 = arith.constant 0 : i32
    %cond3A_252 = arith.cmpi ne, %convert_element_type3A_250, %cond3A_251 : i32
    scf.if %cond3A_252 {
      %scan3A_438 = arith.constant 30720 : i32
      %scan3A_439 = arith.constant 0 : i32
      %scan3A_440 = arith.constant 64 : i32
      %scan3A_441 = arith.addi %scan3A_439, %scan3A_440 : i32
      %scan3A_442 = arith.constant 1 : i32
      %scan3A_443 = scf.for %scan3A_445 = %scan3A_439 to %scan3A_441 step %scan3A_442 iter_args(%scan3A_446 = %scan3A_438) -> (i32)  : i32 {
        %swap3A = arith.index_cast %scan3A_446 : i32 to index
        %swap3A_447 = tpu.vector_load %arg4[%swap3A] {strides = array<i32>} : memref<31744xf32, #tpu.memory_space<vmem>>, vector<16xf32>,
        tpu.vector_store %arg4[%swap3A], %broadcast_in_dim3A_242 {strides = array<i32>} : memref<31744xf32, #tpu.memory_space<vmem>>, vector<16xf32>,
        %add3A_448 = arith.constant 16 : i32
        %add3A_449 = arith.addi %scan3A_446, %add3A_448 : i32
        scf.yield %add3A_449 : i32
      }
      %scan3A_444 = arith.constant 64 : i32
    } else {
    }
    %dma_wait3A = arith.constant 0 : i32
    %dma_wait3A_253 = tpu.memref_slice %arg4[%dma_wait3A] : memref<31744xf32, #tpu.memory_space<vmem>> -> memref<1024xf32, #tpu.memory_space<vmem>>
    %dma_wait3A_254 = tpu.memref_slice %arg2[%add3A_4] : memref<1000000xf32, #tpu.memory_space<hbm>> -> memref<1024xf32, #tpu.memory_space<hbm>>
    %dma_wait3A_255 = arith.constant 0 : i32
    %dma_wait3A_256 = tpu.memref_slice %arg4[%dma_wait3A_255] : memref<31744xf32, #tpu.memory_space<vmem>> -> memref<1024xf32, #tpu.memory_space<vmem>>
    %dma_wait3A_257 = tpu.memref_slice %arg2[%add3A_4] : memref<1000000xf32, #tpu.memory_space<hbm>> -> memref<1024xf32, #tpu.memory_space<hbm>>
    tpu.wait_dma2 semaphore(%arg6 : memref<!tpu.dma_semaphore, #tpu.memory_space<semaphore_mem>>) src(%dma_wait3A_257 : memref<1024xf32, #tpu.memory_space<hbm>>) dst(%dma_wait3A_256 : memref<1024xf32, #tpu.memory_space<vmem>>)
    %dma_wait3A_258 = arith.constant 1024 : i32
    %dma_wait3A_259 = tpu.memref_slice %arg4[%dma_wait3A_258] : memref<31744xf32, #tpu.memory_space<vmem>> -> memref<1024xf32, #tpu.memory_space<vmem>>
    %dma_wait3A_260 = tpu.memref_slice %arg2[%add3A_11] : memref<1000000xf32, #tpu.memory_space<hbm>> -> memref<1024xf32, #tpu.memory_space<hbm>>
    %dma_wait3A_261 = arith.constant 1024 : i32
    %dma_wait3A_262 = tpu.memref_slice %arg4[%dma_wait3A_261] : memref<31744xf32, #tpu.memory_space<vmem>> -> memref<1024xf32, #tpu.memory_space<vmem>>
    %dma_wait3A_263 = tpu.memref_slice %arg2[%add3A_11] : memref<1000000xf32, #tpu.memory_space<hbm>> -> memref<1024xf32, #tpu.memory_space<hbm>>
    tpu.wait_dma2 semaphore(%arg6 : memref<!tpu.dma_semaphore, #tpu.memory_space<semaphore_mem>>) src(%dma_wait3A_263 : memref<1024xf32, #tpu.memory_space<hbm>>) dst(%dma_wait3A_262 : memref<1024xf32, #tpu.memory_space<vmem>>)
    %dma_wait3A_264 = arith.constant 2048 : i32
    %dma_wait3A_265 = tpu.memref_slice %arg4[%dma_wait3A_264] : memref<31744xf32, #tpu.memory_space<vmem>> -> memref<1024xf32, #tpu.memory_space<vmem>>
    %dma_wait3A_266 = tpu.memref_slice %arg2[%add3A_19] : memref<1000000xf32, #tpu.memory_space<hbm>> -> memref<1024xf32, #tpu.memory_space<hbm>>
    %dma_wait3A_267 = arith.constant 2048 : i32
    %dma_wait3A_268 = tpu.memref_slice %arg4[%dma_wait3A_267] : memref<31744xf32, #tpu.memory_space<vmem>> -> memref<1024xf32, #tpu.memory_space<vmem>>
    %dma_wait3A_269 = tpu.memref_slice %arg2[%add3A_19] : memref<1000000xf32, #tpu.memory_space<hbm>> -> memref<1024xf32, #tpu.memory_space<hbm>>
    tpu.wait_dma2 semaphore(%arg6 : memref<!tpu.dma_semaphore, #tpu.memory_space<semaphore_mem>>) src(%dma_wait3A_269 : memref<1024xf32, #tpu.memory_space<hbm>>) dst(%dma_wait3A_268 : memref<1024xf32, #tpu.memory_space<vmem>>)
    %dma_wait3A_270 = arith.constant 3072 : i32
    %dma_wait3A_271 = tpu.memref_slice %arg4[%dma_wait3A_270] : memref<31744xf32, #tpu.memory_space<vmem>> -> memref<1024xf32, #tpu.memory_space<vmem>>
    %dma_wait3A_272 = tpu.memref_slice %arg2[%add3A_27] : memref<1000000xf32, #tpu.memory_space<hbm>> -> memref<1024xf32, #tpu.memory_space<hbm>>
    %dma_wait3A_273 = arith.constant 3072 : i32
    %dma_wait3A_274 = tpu.memref_slice %arg4[%dma_wait3A_273] : memref<31744xf32, #tpu.memory_space<vmem>> -> memref<1024xf32, #tpu.memory_space<vmem>>
    %dma_wait3A_275 = tpu.memref_slice %arg2[%add3A_27] : memref<1000000xf32, #tpu.memory_space<hbm>> -> memref<1024xf32, #tpu.memory_space<hbm>>
    tpu.wait_dma2 semaphore(%arg6 : memref<!tpu.dma_semaphore, #tpu.memory_space<semaphore_mem>>) src(%dma_wait3A_275 : memref<1024xf32, #tpu.memory_space<hbm>>) dst(%dma_wait3A_274 : memref<1024xf32, #tpu.memory_space<vmem>>)
    %dma_wait3A_276 = arith.constant 4096 : i32
    %dma_wait3A_277 = tpu.memref_slice %arg4[%dma_wait3A_276] : memref<31744xf32, #tpu.memory_space<vmem>> -> memref<1024xf32, #tpu.memory_space<vmem>>
    %dma_wait3A_278 = tpu.memref_slice %arg2[%add3A_35] : memref<1000000xf32, #tpu.memory_space<hbm>> -> memref<1024xf32, #tpu.memory_space<hbm>>
    %dma_wait3A_279 = arith.constant 4096 : i32
    %dma_wait3A_280 = tpu.memref_slice %arg4[%dma_wait3A_279] : memref<31744xf32, #tpu.memory_space<vmem>> -> memref<1024xf32, #tpu.memory_space<vmem>>
    %dma_wait3A_281 = tpu.memref_slice %arg2[%add3A_35] : memref<1000000xf32, #tpu.memory_space<hbm>> -> memref<1024xf32, #tpu.memory_space<hbm>>
    tpu.wait_dma2 semaphore(%arg6 : memref<!tpu.dma_semaphore, #tpu.memory_space<semaphore_mem>>) src(%dma_wait3A_281 : memref<1024xf32, #tpu.memory_space<hbm>>) dst(%dma_wait3A_280 : memref<1024xf32, #tpu.memory_space<vmem>>)
    %dma_wait3A_282 = arith.constant 5120 : i32
    %dma_wait3A_283 = tpu.memref_slice %arg4[%dma_wait3A_282] : memref<31744xf32, #tpu.memory_space<vmem>> -> memref<1024xf32, #tpu.memory_space<vmem>>
    %dma_wait3A_284 = tpu.memref_slice %arg2[%add3A_43] : memref<1000000xf32, #tpu.memory_space<hbm>> -> memref<1024xf32, #tpu.memory_space<hbm>>
    %dma_wait3A_285 = arith.constant 5120 : i32
    %dma_wait3A_286 = tpu.memref_slice %arg4[%dma_wait3A_285] : memref<31744xf32, #tpu.memory_space<vmem>> -> memref<1024xf32, #tpu.memory_space<vmem>>
    %dma_wait3A_287 = tpu.memref_slice %arg2[%add3A_43] : memref<1000000xf32, #tpu.memory_space<hbm>> -> memref<1024xf32, #tpu.memory_space<hbm>>
    tpu.wait_dma2 semaphore(%arg6 : memref<!tpu.dma_semaphore, #tpu.memory_space<semaphore_mem>>) src(%dma_wait3A_287 : memref<1024xf32, #tpu.memory_space<hbm>>) dst(%dma_wait3A_286 : memref<1024xf32, #tpu.memory_space<vmem>>)
    %dma_wait3A_288 = arith.constant 6144 : i32
    %dma_wait3A_289 = tpu.memref_slice %arg4[%dma_wait3A_288] : memref<31744xf32, #tpu.memory_space<vmem>> -> memref<1024xf32, #tpu.memory_space<vmem>>
    %dma_wait3A_290 = tpu.memref_slice %arg2[%add3A_51] : memref<1000000xf32, #tpu.memory_space<hbm>> -> memref<1024xf32, #tpu.memory_space<hbm>>
    %dma_wait3A_291 = arith.constant 6144 : i32
    %dma_wait3A_292 = tpu.memref_slice %arg4[%dma_wait3A_291] : memref<31744xf32, #tpu.memory_space<vmem>> -> memref<1024xf32, #tpu.memory_space<vmem>>
    %dma_wait3A_293 = tpu.memref_slice %arg2[%add3A_51] : memref<1000000xf32, #tpu.memory_space<hbm>> -> memref<1024xf32, #tpu.memory_space<hbm>>
    tpu.wait_dma2 semaphore(%arg6 : memref<!tpu.dma_semaphore, #tpu.memory_space<semaphore_mem>>) src(%dma_wait3A_293 : memref<1024xf32, #tpu.memory_space<hbm>>) dst(%dma_wait3A_292 : memref<1024xf32, #tpu.memory_space<vmem>>)
    %dma_wait3A_294 = arith.constant 7168 : i32
    %dma_wait3A_295 = tpu.memref_slice %arg4[%dma_wait3A_294] : memref<31744xf32, #tpu.memory_space<vmem>> -> memref<1024xf32, #tpu.memory_space<vmem>>
    %dma_wait3A_296 = tpu.memref_slice %arg2[%add3A_59] : memref<1000000xf32, #tpu.memory_space<hbm>> -> memref<1024xf32, #tpu.memory_space<hbm>>
    %dma_wait3A_297 = arith.constant 7168 : i32
    %dma_wait3A_298 = tpu.memref_slice %arg4[%dma_wait3A_297] : memref<31744xf32, #tpu.memory_space<vmem>> -> memref<1024xf32, #tpu.memory_space<vmem>>
    %dma_wait3A_299 = tpu.memref_slice %arg2[%add3A_59] : memref<1000000xf32, #tpu.memory_space<hbm>> -> memref<1024xf32, #tpu.memory_space<hbm>>
    tpu.wait_dma2 semaphore(%arg6 : memref<!tpu.dma_semaphore, #tpu.memory_space<semaphore_mem>>) src(%dma_wait3A_299 : memref<1024xf32, #tpu.memory_space<hbm>>) dst(%dma_wait3A_298 : memref<1024xf32, #tpu.memory_space<vmem>>)
    %dma_wait3A_300 = arith.constant 8192 : i32
    %dma_wait3A_301 = tpu.memref_slice %arg4[%dma_wait3A_300] : memref<31744xf32, #tpu.memory_space<vmem>> -> memref<1024xf32, #tpu.memory_space<vmem>>
    %dma_wait3A_302 = tpu.memref_slice %arg2[%add3A_67] : memref<1000000xf32, #tpu.memory_space<hbm>> -> memref<1024xf32, #tpu.memory_space<hbm>>
    %dma_wait3A_303 = arith.constant 8192 : i32
    %dma_wait3A_304 = tpu.memref_slice %arg4[%dma_wait3A_303] : memref<31744xf32, #tpu.memory_space<vmem>> -> memref<1024xf32, #tpu.memory_space<vmem>>
    %dma_wait3A_305 = tpu.memref_slice %arg2[%add3A_67] : memref<1000000xf32, #tpu.memory_space<hbm>> -> memref<1024xf32, #tpu.memory_space<hbm>>
    tpu.wait_dma2 semaphore(%arg6 : memref<!tpu.dma_semaphore, #tpu.memory_space<semaphore_mem>>) src(%dma_wait3A_305 : memref<1024xf32, #tpu.memory_space<hbm>>) dst(%dma_wait3A_304 : memref<1024xf32, #tpu.memory_space<vmem>>)
    %dma_wait3A_306 = arith.constant 9216 : i32
    %dma_wait3A_307 = tpu.memref_slice %arg4[%dma_wait3A_306] : memref<31744xf32, #tpu.memory_space<vmem>> -> memref<1024xf32, #tpu.memory_space<vmem>>
    %dma_wait3A_308 = tpu.memref_slice %arg2[%add3A_75] : memref<1000000xf32, #tpu.memory_space<hbm>> -> memref<1024xf32, #tpu.memory_space<hbm>>
    %dma_wait3A_309 = arith.constant 9216 : i32
    %dma_wait3A_310 = tpu.memref_slice %arg4[%dma_wait3A_309] : memref<31744xf32, #tpu.memory_space<vmem>> -> memref<1024xf32, #tpu.memory_space<vmem>>
    %dma_wait3A_311 = tpu.memref_slice %arg2[%add3A_75] : memref<1000000xf32, #tpu.memory_space<hbm>> -> memref<1024xf32, #tpu.memory_space<hbm>>
    tpu.wait_dma2 semaphore(%arg6 : memref<!tpu.dma_semaphore, #tpu.memory_space<semaphore_mem>>) src(%dma_wait3A_311 : memref<1024xf32, #tpu.memory_space<hbm>>) dst(%dma_wait3A_310 : memref<1024xf32, #tpu.memory_space<vmem>>)
    %dma_wait3A_312 = arith.constant 10240 : i32
    %dma_wait3A_313 = tpu.memref_slice %arg4[%dma_wait3A_312] : memref<31744xf32, #tpu.memory_space<vmem>> -> memref<1024xf32, #tpu.memory_space<vmem>>
    %dma_wait3A_314 = tpu.memref_slice %arg2[%add3A_83] : memref<1000000xf32, #tpu.memory_space<hbm>> -> memref<1024xf32, #tpu.memory_space<hbm>>
    %dma_wait3A_315 = arith.constant 10240 : i32
    %dma_wait3A_316 = tpu.memref_slice %arg4[%dma_wait3A_315] : memref<31744xf32, #tpu.memory_space<vmem>> -> memref<1024xf32, #tpu.memory_space<vmem>>
    %dma_wait3A_317 = tpu.memref_slice %arg2[%add3A_83] : memref<1000000xf32, #tpu.memory_space<hbm>> -> memref<1024xf32, #tpu.memory_space<hbm>>
    tpu.wait_dma2 semaphore(%arg6 : memref<!tpu.dma_semaphore, #tpu.memory_space<semaphore_mem>>) src(%dma_wait3A_317 : memref<1024xf32, #tpu.memory_space<hbm>>) dst(%dma_wait3A_316 : memref<1024xf32, #tpu.memory_space<vmem>>)
    %dma_wait3A_318 = arith.constant 11264 : i32
    %dma_wait3A_319 = tpu.memref_slice %arg4[%dma_wait3A_318] : memref<31744xf32, #tpu.memory_space<vmem>> -> memref<1024xf32, #tpu.memory_space<vmem>>
    %dma_wait3A_320 = tpu.memref_slice %arg2[%add3A_91] : memref<1000000xf32, #tpu.memory_space<hbm>> -> memref<1024xf32, #tpu.memory_space<hbm>>
    %dma_wait3A_321 = arith.constant 11264 : i32
    %dma_wait3A_322 = tpu.memref_slice %arg4[%dma_wait3A_321] : memref<31744xf32, #tpu.memory_space<vmem>> -> memref<1024xf32, #tpu.memory_space<vmem>>
    %dma_wait3A_323 = tpu.memref_slice %arg2[%add3A_91] : memref<1000000xf32, #tpu.memory_space<hbm>> -> memref<1024xf32, #tpu.memory_space<hbm>>
    tpu.wait_dma2 semaphore(%arg6 : memref<!tpu.dma_semaphore, #tpu.memory_space<semaphore_mem>>) src(%dma_wait3A_323 : memref<1024xf32, #tpu.memory_space<hbm>>) dst(%dma_wait3A_322 : memref<1024xf32, #tpu.memory_space<vmem>>)
    %dma_wait3A_324 = arith.constant 12288 : i32
    %dma_wait3A_325 = tpu.memref_slice %arg4[%dma_wait3A_324] : memref<31744xf32, #tpu.memory_space<vmem>> -> memref<1024xf32, #tpu.memory_space<vmem>>
    %dma_wait3A_326 = tpu.memref_slice %arg2[%add3A_99] : memref<1000000xf32, #tpu.memory_space<hbm>> -> memref<1024xf32, #tpu.memory_space<hbm>>
    %dma_wait3A_327 = arith.constant 12288 : i32
    %dma_wait3A_328 = tpu.memref_slice %arg4[%dma_wait3A_327] : memref<31744xf32, #tpu.memory_space<vmem>> -> memref<1024xf32, #tpu.memory_space<vmem>>
    %dma_wait3A_329 = tpu.memref_slice %arg2[%add3A_99] : memref<1000000xf32, #tpu.memory_space<hbm>> -> memref<1024xf32, #tpu.memory_space<hbm>>
    tpu.wait_dma2 semaphore(%arg6 : memref<!tpu.dma_semaphore, #tpu.memory_space<semaphore_mem>>) src(%dma_wait3A_329 : memref<1024xf32, #tpu.memory_space<hbm>>) dst(%dma_wait3A_328 : memref<1024xf32, #tpu.memory_space<vmem>>)
    %dma_wait3A_330 = arith.constant 13312 : i32
    %dma_wait3A_331 = tpu.memref_slice %arg4[%dma_wait3A_330] : memref<31744xf32, #tpu.memory_space<vmem>> -> memref<1024xf32, #tpu.memory_space<vmem>>
    %dma_wait3A_332 = tpu.memref_slice %arg2[%add3A_107] : memref<1000000xf32, #tpu.memory_space<hbm>> -> memref<1024xf32, #tpu.memory_space<hbm>>
    %dma_wait3A_333 = arith.constant 13312 : i32
    %dma_wait3A_334 = tpu.memref_slice %arg4[%dma_wait3A_333] : memref<31744xf32, #tpu.memory_space<vmem>> -> memref<1024xf32, #tpu.memory_space<vmem>>
    %dma_wait3A_335 = tpu.memref_slice %arg2[%add3A_107] : memref<1000000xf32, #tpu.memory_space<hbm>> -> memref<1024xf32, #tpu.memory_space<hbm>>
    tpu.wait_dma2 semaphore(%arg6 : memref<!tpu.dma_semaphore, #tpu.memory_space<semaphore_mem>>) src(%dma_wait3A_335 : memref<1024xf32, #tpu.memory_space<hbm>>) dst(%dma_wait3A_334 : memref<1024xf32, #tpu.memory_space<vmem>>)
    %dma_wait3A_336 = arith.constant 14336 : i32
    %dma_wait3A_337 = tpu.memref_slice %arg4[%dma_wait3A_336] : memref<31744xf32, #tpu.memory_space<vmem>> -> memref<1024xf32, #tpu.memory_space<vmem>>
    %dma_wait3A_338 = tpu.memref_slice %arg2[%add3A_115] : memref<1000000xf32, #tpu.memory_space<hbm>> -> memref<1024xf32, #tpu.memory_space<hbm>>
    %dma_wait3A_339 = arith.constant 14336 : i32
    %dma_wait3A_340 = tpu.memref_slice %arg4[%dma_wait3A_339] : memref<31744xf32, #tpu.memory_space<vmem>> -> memref<1024xf32, #tpu.memory_space<vmem>>
    %dma_wait3A_341 = tpu.memref_slice %arg2[%add3A_115] : memref<1000000xf32, #tpu.memory_space<hbm>> -> memref<1024xf32, #tpu.memory_space<hbm>>
    tpu.wait_dma2 semaphore(%arg6 : memref<!tpu.dma_semaphore, #tpu.memory_space<semaphore_mem>>) src(%dma_wait3A_341 : memref<1024xf32, #tpu.memory_space<hbm>>) dst(%dma_wait3A_340 : memref<1024xf32, #tpu.memory_space<vmem>>)
    %dma_wait3A_342 = arith.constant 15360 : i32
    %dma_wait3A_343 = tpu.memref_slice %arg4[%dma_wait3A_342] : memref<31744xf32, #tpu.memory_space<vmem>> -> memref<1024xf32, #tpu.memory_space<vmem>>
    %dma_wait3A_344 = tpu.memref_slice %arg2[%add3A_123] : memref<1000000xf32, #tpu.memory_space<hbm>> -> memref<1024xf32, #tpu.memory_space<hbm>>
    %dma_wait3A_345 = arith.constant 15360 : i32
    %dma_wait3A_346 = tpu.memref_slice %arg4[%dma_wait3A_345] : memref<31744xf32, #tpu.memory_space<vmem>> -> memref<1024xf32, #tpu.memory_space<vmem>>
    %dma_wait3A_347 = tpu.memref_slice %arg2[%add3A_123] : memref<1000000xf32, #tpu.memory_space<hbm>> -> memref<1024xf32, #tpu.memory_space<hbm>>
    tpu.wait_dma2 semaphore(%arg6 : memref<!tpu.dma_semaphore, #tpu.memory_space<semaphore_mem>>) src(%dma_wait3A_347 : memref<1024xf32, #tpu.memory_space<hbm>>) dst(%dma_wait3A_346 : memref<1024xf32, #tpu.memory_space<vmem>>)
    %dma_wait3A_348 = arith.constant 16384 : i32
    %dma_wait3A_349 = tpu.memref_slice %arg4[%dma_wait3A_348] : memref<31744xf32, #tpu.memory_space<vmem>> -> memref<1024xf32, #tpu.memory_space<vmem>>
    %dma_wait3A_350 = tpu.memref_slice %arg2[%add3A_131] : memref<1000000xf32, #tpu.memory_space<hbm>> -> memref<1024xf32, #tpu.memory_space<hbm>>
    %dma_wait3A_351 = arith.constant 16384 : i32
    %dma_wait3A_352 = tpu.memref_slice %arg4[%dma_wait3A_351] : memref<31744xf32, #tpu.memory_space<vmem>> -> memref<1024xf32, #tpu.memory_space<vmem>>
    %dma_wait3A_353 = tpu.memref_slice %arg2[%add3A_131] : memref<1000000xf32, #tpu.memory_space<hbm>> -> memref<1024xf32, #tpu.memory_space<hbm>>
    tpu.wait_dma2 semaphore(%arg6 : memref<!tpu.dma_semaphore, #tpu.memory_space<semaphore_mem>>) src(%dma_wait3A_353 : memref<1024xf32, #tpu.memory_space<hbm>>) dst(%dma_wait3A_352 : memref<1024xf32, #tpu.memory_space<vmem>>)
    %dma_wait3A_354 = arith.constant 17408 : i32
    %dma_wait3A_355 = tpu.memref_slice %arg4[%dma_wait3A_354] : memref<31744xf32, #tpu.memory_space<vmem>> -> memref<1024xf32, #tpu.memory_space<vmem>>
    %dma_wait3A_356 = tpu.memref_slice %arg2[%add3A_139] : memref<1000000xf32, #tpu.memory_space<hbm>> -> memref<1024xf32, #tpu.memory_space<hbm>>
    %dma_wait3A_357 = arith.constant 17408 : i32
    %dma_wait3A_358 = tpu.memref_slice %arg4[%dma_wait3A_357] : memref<31744xf32, #tpu.memory_space<vmem>> -> memref<1024xf32, #tpu.memory_space<vmem>>
    %dma_wait3A_359 = tpu.memref_slice %arg2[%add3A_139] : memref<1000000xf32, #tpu.memory_space<hbm>> -> memref<1024xf32, #tpu.memory_space<hbm>>
    tpu.wait_dma2 semaphore(%arg6 : memref<!tpu.dma_semaphore, #tpu.memory_space<semaphore_mem>>) src(%dma_wait3A_359 : memref<1024xf32, #tpu.memory_space<hbm>>) dst(%dma_wait3A_358 : memref<1024xf32, #tpu.memory_space<vmem>>)
    %dma_wait3A_360 = arith.constant 18432 : i32
    %dma_wait3A_361 = tpu.memref_slice %arg4[%dma_wait3A_360] : memref<31744xf32, #tpu.memory_space<vmem>> -> memref<1024xf32, #tpu.memory_space<vmem>>
    %dma_wait3A_362 = tpu.memref_slice %arg2[%add3A_147] : memref<1000000xf32, #tpu.memory_space<hbm>> -> memref<1024xf32, #tpu.memory_space<hbm>>
    %dma_wait3A_363 = arith.constant 18432 : i32
    %dma_wait3A_364 = tpu.memref_slice %arg4[%dma_wait3A_363] : memref<31744xf32, #tpu.memory_space<vmem>> -> memref<1024xf32, #tpu.memory_space<vmem>>
    %dma_wait3A_365 = tpu.memref_slice %arg2[%add3A_147] : memref<1000000xf32, #tpu.memory_space<hbm>> -> memref<1024xf32, #tpu.memory_space<hbm>>
    tpu.wait_dma2 semaphore(%arg6 : memref<!tpu.dma_semaphore, #tpu.memory_space<semaphore_mem>>) src(%dma_wait3A_365 : memref<1024xf32, #tpu.memory_space<hbm>>) dst(%dma_wait3A_364 : memref<1024xf32, #tpu.memory_space<vmem>>)
    %dma_wait3A_366 = arith.constant 19456 : i32
    %dma_wait3A_367 = tpu.memref_slice %arg4[%dma_wait3A_366] : memref<31744xf32, #tpu.memory_space<vmem>> -> memref<1024xf32, #tpu.memory_space<vmem>>
    %dma_wait3A_368 = tpu.memref_slice %arg2[%add3A_155] : memref<1000000xf32, #tpu.memory_space<hbm>> -> memref<1024xf32, #tpu.memory_space<hbm>>
    %dma_wait3A_369 = arith.constant 19456 : i32
    %dma_wait3A_370 = tpu.memref_slice %arg4[%dma_wait3A_369] : memref<31744xf32, #tpu.memory_space<vmem>> -> memref<1024xf32, #tpu.memory_space<vmem>>
    %dma_wait3A_371 = tpu.memref_slice %arg2[%add3A_155] : memref<1000000xf32, #tpu.memory_space<hbm>> -> memref<1024xf32, #tpu.memory_space<hbm>>
    tpu.wait_dma2 semaphore(%arg6 : memref<!tpu.dma_semaphore, #tpu.memory_space<semaphore_mem>>) src(%dma_wait3A_371 : memref<1024xf32, #tpu.memory_space<hbm>>) dst(%dma_wait3A_370 : memref<1024xf32, #tpu.memory_space<vmem>>)
    %dma_wait3A_372 = arith.constant 20480 : i32
    %dma_wait3A_373 = tpu.memref_slice %arg4[%dma_wait3A_372] : memref<31744xf32, #tpu.memory_space<vmem>> -> memref<1024xf32, #tpu.memory_space<vmem>>
    %dma_wait3A_374 = tpu.memref_slice %arg2[%add3A_163] : memref<1000000xf32, #tpu.memory_space<hbm>> -> memref<1024xf32, #tpu.memory_space<hbm>>
    %dma_wait3A_375 = arith.constant 20480 : i32
    %dma_wait3A_376 = tpu.memref_slice %arg4[%dma_wait3A_375] : memref<31744xf32, #tpu.memory_space<vmem>> -> memref<1024xf32, #tpu.memory_space<vmem>>
    %dma_wait3A_377 = tpu.memref_slice %arg2[%add3A_163] : memref<1000000xf32, #tpu.memory_space<hbm>> -> memref<1024xf32, #tpu.memory_space<hbm>>
    tpu.wait_dma2 semaphore(%arg6 : memref<!tpu.dma_semaphore, #tpu.memory_space<semaphore_mem>>) src(%dma_wait3A_377 : memref<1024xf32, #tpu.memory_space<hbm>>) dst(%dma_wait3A_376 : memref<1024xf32, #tpu.memory_space<vmem>>)
    %dma_wait3A_378 = arith.constant 21504 : i32
    %dma_wait3A_379 = tpu.memref_slice %arg4[%dma_wait3A_378] : memref<31744xf32, #tpu.memory_space<vmem>> -> memref<1024xf32, #tpu.memory_space<vmem>>
    %dma_wait3A_380 = tpu.memref_slice %arg2[%add3A_171] : memref<1000000xf32, #tpu.memory_space<hbm>> -> memref<1024xf32, #tpu.memory_space<hbm>>
    %dma_wait3A_381 = arith.constant 21504 : i32
    %dma_wait3A_382 = tpu.memref_slice %arg4[%dma_wait3A_381] : memref<31744xf32, #tpu.memory_space<vmem>> -> memref<1024xf32, #tpu.memory_space<vmem>>
    %dma_wait3A_383 = tpu.memref_slice %arg2[%add3A_171] : memref<1000000xf32, #tpu.memory_space<hbm>> -> memref<1024xf32, #tpu.memory_space<hbm>>
    tpu.wait_dma2 semaphore(%arg6 : memref<!tpu.dma_semaphore, #tpu.memory_space<semaphore_mem>>) src(%dma_wait3A_383 : memref<1024xf32, #tpu.memory_space<hbm>>) dst(%dma_wait3A_382 : memref<1024xf32, #tpu.memory_space<vmem>>)
    %dma_wait3A_384 = arith.constant 22528 : i32
    %dma_wait3A_385 = tpu.memref_slice %arg4[%dma_wait3A_384] : memref<31744xf32, #tpu.memory_space<vmem>> -> memref<1024xf32, #tpu.memory_space<vmem>>
    %dma_wait3A_386 = tpu.memref_slice %arg2[%add3A_179] : memref<1000000xf32, #tpu.memory_space<hbm>> -> memref<1024xf32, #tpu.memory_space<hbm>>
    %dma_wait3A_387 = arith.constant 22528 : i32
    %dma_wait3A_388 = tpu.memref_slice %arg4[%dma_wait3A_387] : memref<31744xf32, #tpu.memory_space<vmem>> -> memref<1024xf32, #tpu.memory_space<vmem>>
    %dma_wait3A_389 = tpu.memref_slice %arg2[%add3A_179] : memref<1000000xf32, #tpu.memory_space<hbm>> -> memref<1024xf32, #tpu.memory_space<hbm>>
    tpu.wait_dma2 semaphore(%arg6 : memref<!tpu.dma_semaphore, #tpu.memory_space<semaphore_mem>>) src(%dma_wait3A_389 : memref<1024xf32, #tpu.memory_space<hbm>>) dst(%dma_wait3A_388 : memref<1024xf32, #tpu.memory_space<vmem>>)
    %dma_wait3A_390 = arith.constant 23552 : i32
    %dma_wait3A_391 = tpu.memref_slice %arg4[%dma_wait3A_390] : memref<31744xf32, #tpu.memory_space<vmem>> -> memref<1024xf32, #tpu.memory_space<vmem>>
    %dma_wait3A_392 = tpu.memref_slice %arg2[%add3A_187] : memref<1000000xf32, #tpu.memory_space<hbm>> -> memref<1024xf32, #tpu.memory_space<hbm>>
    %dma_wait3A_393 = arith.constant 23552 : i32
    %dma_wait3A_394 = tpu.memref_slice %arg4[%dma_wait3A_393] : memref<31744xf32, #tpu.memory_space<vmem>> -> memref<1024xf32, #tpu.memory_space<vmem>>
    %dma_wait3A_395 = tpu.memref_slice %arg2[%add3A_187] : memref<1000000xf32, #tpu.memory_space<hbm>> -> memref<1024xf32, #tpu.memory_space<hbm>>
    tpu.wait_dma2 semaphore(%arg6 : memref<!tpu.dma_semaphore, #tpu.memory_space<semaphore_mem>>) src(%dma_wait3A_395 : memref<1024xf32, #tpu.memory_space<hbm>>) dst(%dma_wait3A_394 : memref<1024xf32, #tpu.memory_space<vmem>>)
    %dma_wait3A_396 = arith.constant 24576 : i32
    %dma_wait3A_397 = tpu.memref_slice %arg4[%dma_wait3A_396] : memref<31744xf32, #tpu.memory_space<vmem>> -> memref<1024xf32, #tpu.memory_space<vmem>>
    %dma_wait3A_398 = tpu.memref_slice %arg2[%add3A_195] : memref<1000000xf32, #tpu.memory_space<hbm>> -> memref<1024xf32, #tpu.memory_space<hbm>>
    %dma_wait3A_399 = arith.constant 24576 : i32
    %dma_wait3A_400 = tpu.memref_slice %arg4[%dma_wait3A_399] : memref<31744xf32, #tpu.memory_space<vmem>> -> memref<1024xf32, #tpu.memory_space<vmem>>
    %dma_wait3A_401 = tpu.memref_slice %arg2[%add3A_195] : memref<1000000xf32, #tpu.memory_space<hbm>> -> memref<1024xf32, #tpu.memory_space<hbm>>
    tpu.wait_dma2 semaphore(%arg6 : memref<!tpu.dma_semaphore, #tpu.memory_space<semaphore_mem>>) src(%dma_wait3A_401 : memref<1024xf32, #tpu.memory_space<hbm>>) dst(%dma_wait3A_400 : memref<1024xf32, #tpu.memory_space<vmem>>)
    %dma_wait3A_402 = arith.constant 25600 : i32
    %dma_wait3A_403 = tpu.memref_slice %arg4[%dma_wait3A_402] : memref<31744xf32, #tpu.memory_space<vmem>> -> memref<1024xf32, #tpu.memory_space<vmem>>
    %dma_wait3A_404 = tpu.memref_slice %arg2[%add3A_203] : memref<1000000xf32, #tpu.memory_space<hbm>> -> memref<1024xf32, #tpu.memory_space<hbm>>
    %dma_wait3A_405 = arith.constant 25600 : i32
    %dma_wait3A_406 = tpu.memref_slice %arg4[%dma_wait3A_405] : memref<31744xf32, #tpu.memory_space<vmem>> -> memref<1024xf32, #tpu.memory_space<vmem>>
    %dma_wait3A_407 = tpu.memref_slice %arg2[%add3A_203] : memref<1000000xf32, #tpu.memory_space<hbm>> -> memref<1024xf32, #tpu.memory_space<hbm>>
    tpu.wait_dma2 semaphore(%arg6 : memref<!tpu.dma_semaphore, #tpu.memory_space<semaphore_mem>>) src(%dma_wait3A_407 : memref<1024xf32, #tpu.memory_space<hbm>>) dst(%dma_wait3A_406 : memref<1024xf32, #tpu.memory_space<vmem>>)
    %dma_wait3A_408 = arith.constant 26624 : i32
    %dma_wait3A_409 = tpu.memref_slice %arg4[%dma_wait3A_408] : memref<31744xf32, #tpu.memory_space<vmem>> -> memref<1024xf32, #tpu.memory_space<vmem>>
    %dma_wait3A_410 = tpu.memref_slice %arg2[%add3A_211] : memref<1000000xf32, #tpu.memory_space<hbm>> -> memref<1024xf32, #tpu.memory_space<hbm>>
    %dma_wait3A_411 = arith.constant 26624 : i32
    %dma_wait3A_412 = tpu.memref_slice %arg4[%dma_wait3A_411] : memref<31744xf32, #tpu.memory_space<vmem>> -> memref<1024xf32, #tpu.memory_space<vmem>>
    %dma_wait3A_413 = tpu.memref_slice %arg2[%add3A_211] : memref<1000000xf32, #tpu.memory_space<hbm>> -> memref<1024xf32, #tpu.memory_space<hbm>>
    tpu.wait_dma2 semaphore(%arg6 : memref<!tpu.dma_semaphore, #tpu.memory_space<semaphore_mem>>) src(%dma_wait3A_413 : memref<1024xf32, #tpu.memory_space<hbm>>) dst(%dma_wait3A_412 : memref<1024xf32, #tpu.memory_space<vmem>>)
    %dma_wait3A_414 = arith.constant 27648 : i32
    %dma_wait3A_415 = tpu.memref_slice %arg4[%dma_wait3A_414] : memref<31744xf32, #tpu.memory_space<vmem>> -> memref<1024xf32, #tpu.memory_space<vmem>>
    %dma_wait3A_416 = tpu.memref_slice %arg2[%add3A_219] : memref<1000000xf32, #tpu.memory_space<hbm>> -> memref<1024xf32, #tpu.memory_space<hbm>>
    %dma_wait3A_417 = arith.constant 27648 : i32
    %dma_wait3A_418 = tpu.memref_slice %arg4[%dma_wait3A_417] : memref<31744xf32, #tpu.memory_space<vmem>> -> memref<1024xf32, #tpu.memory_space<vmem>>
    %dma_wait3A_419 = tpu.memref_slice %arg2[%add3A_219] : memref<1000000xf32, #tpu.memory_space<hbm>> -> memref<1024xf32, #tpu.memory_space<hbm>>
    tpu.wait_dma2 semaphore(%arg6 : memref<!tpu.dma_semaphore, #tpu.memory_space<semaphore_mem>>) src(%dma_wait3A_419 : memref<1024xf32, #tpu.memory_space<hbm>>) dst(%dma_wait3A_418 : memref<1024xf32, #tpu.memory_space<vmem>>)
    %dma_wait3A_420 = arith.constant 28672 : i32
    %dma_wait3A_421 = tpu.memref_slice %arg4[%dma_wait3A_420] : memref<31744xf32, #tpu.memory_space<vmem>> -> memref<1024xf32, #tpu.memory_space<vmem>>
    %dma_wait3A_422 = tpu.memref_slice %arg2[%add3A_227] : memref<1000000xf32, #tpu.memory_space<hbm>> -> memref<1024xf32, #tpu.memory_space<hbm>>
    %dma_wait3A_423 = arith.constant 28672 : i32
    %dma_wait3A_424 = tpu.memref_slice %arg4[%dma_wait3A_423] : memref<31744xf32, #tpu.memory_space<vmem>> -> memref<1024xf32, #tpu.memory_space<vmem>>
    %dma_wait3A_425 = tpu.memref_slice %arg2[%add3A_227] : memref<1000000xf32, #tpu.memory_space<hbm>> -> memref<1024xf32, #tpu.memory_space<hbm>>
    tpu.wait_dma2 semaphore(%arg6 : memref<!tpu.dma_semaphore, #tpu.memory_space<semaphore_mem>>) src(%dma_wait3A_425 : memref<1024xf32, #tpu.memory_space<hbm>>) dst(%dma_wait3A_424 : memref<1024xf32, #tpu.memory_space<vmem>>)
    %dma_wait3A_426 = arith.constant 29696 : i32
    %dma_wait3A_427 = tpu.memref_slice %arg4[%dma_wait3A_426] : memref<31744xf32, #tpu.memory_space<vmem>> -> memref<1024xf32, #tpu.memory_space<vmem>>
    %dma_wait3A_428 = tpu.memref_slice %arg2[%add3A_235] : memref<1000000xf32, #tpu.memory_space<hbm>> -> memref<1024xf32, #tpu.memory_space<hbm>>
    %dma_wait3A_429 = arith.constant 29696 : i32
    %dma_wait3A_430 = tpu.memref_slice %arg4[%dma_wait3A_429] : memref<31744xf32, #tpu.memory_space<vmem>> -> memref<1024xf32, #tpu.memory_space<vmem>>
    %dma_wait3A_431 = tpu.memref_slice %arg2[%add3A_235] : memref<1000000xf32, #tpu.memory_space<hbm>> -> memref<1024xf32, #tpu.memory_space<hbm>>
    tpu.wait_dma2 semaphore(%arg6 : memref<!tpu.dma_semaphore, #tpu.memory_space<semaphore_mem>>) src(%dma_wait3A_431 : memref<1024xf32, #tpu.memory_space<hbm>>) dst(%dma_wait3A_430 : memref<1024xf32, #tpu.memory_space<vmem>>)
    %scan3A = arith.constant 0 : i32
    %scan3A_432 = arith.constant 0 : i32
    %scan3A_433 = arith.constant 64 : i32
    %scan3A_434 = arith.addi %scan3A_432, %scan3A_433 : i32
    %scan3A_435 = arith.constant 1 : i32
    %scan3A_436 = scf.for %scan3A_438 = %scan3A_432 to %scan3A_434 step %scan3A_435 iter_args(%scan3A_439 = %scan3A) -> (i32)  : i32 {
      %broadcast_in_dim3A_440 = arith.constant 0 : i32
      %broadcast_in_dim3A_441 = vector.broadcast %broadcast_in_dim3A_440 : i32 to vector<16xi32>
      %add3A_442 = arith.constant 0 : i32
      %add3A_443 = arith.addi %add3A_442, %scan3A_439 : i32
      %get3A = arith.index_cast %add3A_443 : i32 to index
      %get3A_444 = tpu.vector_load %arg4[%get3A] {strides = array<i32>} : memref<31744xf32, #tpu.memory_space<vmem>>, vector<16xf32>,
      %ne3A = arith.constant 0.000000e+00 : f32
      %ne3A_445 = vector.broadcast %ne3A : f32 to vector<16xf32>
      %ne3A_446 = arith.cmpf one, %get3A_444, %ne3A_445 : vector<16xf32>
      %jit3A = arith.constant 1 : i32
      %jit3A_447 = arith.constant 0 : i32
      %broadcast_in_dim3A_448 = vector.broadcast %jit3A : i32 to vector<16xi32>
      %broadcast_in_dim3A_449 = vector.broadcast %jit3A_447 : i32 to vector<16xi32>
      %select_n3A = arith.select %ne3A_446, %broadcast_in_dim3A_448, %broadcast_in_dim3A_449 : vector<16xi1>, vector<16xi32>
      %or3A = arith.ori %broadcast_in_dim3A_441, %select_n3A : vector<16xi32>
      %add3A_450 = arith.constant 1024 : i32
      %add3A_451 = arith.addi %add3A_450, %scan3A_439 : i32
      %get3A_452 = arith.index_cast %add3A_451 : i32 to index
      %get3A_453 = tpu.vector_load %arg4[%get3A_452] {strides = array<i32>} : memref<31744xf32, #tpu.memory_space<vmem>>, vector<16xf32>,
      %ne3A_454 = arith.constant 0.000000e+00 : f32
      %ne3A_455 = vector.broadcast %ne3A_454 : f32 to vector<16xf32>
      %ne3A_456 = arith.cmpf one, %get3A_453, %ne3A_455 : vector<16xf32>
      %jit3A_457 = arith.constant 2 : i32
      %jit3A_458 = arith.constant 0 : i32
      %broadcast_in_dim3A_459 = vector.broadcast %jit3A_457 : i32 to vector<16xi32>
      %broadcast_in_dim3A_460 = vector.broadcast %jit3A_458 : i32 to vector<16xi32>
      %select_n3A_461 = arith.select %ne3A_456, %broadcast_in_dim3A_459, %broadcast_in_dim3A_460 : vector<16xi1>, vector<16xi32>
      %or3A_462 = arith.ori %or3A, %select_n3A_461 : vector<16xi32>
      %add3A_463 = arith.constant 2048 : i32
      %add3A_464 = arith.addi %add3A_463, %scan3A_439 : i32
      %get3A_465 = arith.index_cast %add3A_464 : i32 to index
      %get3A_466 = tpu.vector_load %arg4[%get3A_465] {strides = array<i32>} : memref<31744xf32, #tpu.memory_space<vmem>>, vector<16xf32>,
      %ne3A_467 = arith.constant 0.000000e+00 : f32
      %ne3A_468 = vector.broadcast %ne3A_467 : f32 to vector<16xf32>
      %ne3A_469 = arith.cmpf one, %get3A_466, %ne3A_468 : vector<16xf32>
      %jit3A_470 = arith.constant 4 : i32
      %jit3A_471 = arith.constant 0 : i32
      %broadcast_in_dim3A_472 = vector.broadcast %jit3A_470 : i32 to vector<16xi32>
      %broadcast_in_dim3A_473 = vector.broadcast %jit3A_471 : i32 to vector<16xi32>
      %select_n3A_474 = arith.select %ne3A_469, %broadcast_in_dim3A_472, %broadcast_in_dim3A_473 : vector<16xi1>, vector<16xi32>
      %or3A_475 = arith.ori %or3A_462, %select_n3A_474 : vector<16xi32>
      %add3A_476 = arith.constant 3072 : i32
      %add3A_477 = arith.addi %add3A_476, %scan3A_439 : i32
      %get3A_478 = arith.index_cast %add3A_477 : i32 to index
      %get3A_479 = tpu.vector_load %arg4[%get3A_478] {strides = array<i32>} : memref<31744xf32, #tpu.memory_space<vmem>>, vector<16xf32>,
      %ne3A_480 = arith.constant 0.000000e+00 : f32
      %ne3A_481 = vector.broadcast %ne3A_480 : f32 to vector<16xf32>
      %ne3A_482 = arith.cmpf one, %get3A_479, %ne3A_481 : vector<16xf32>
      %jit3A_483 = arith.constant 8 : i32
      %jit3A_484 = arith.constant 0 : i32
      %broadcast_in_dim3A_485 = vector.broadcast %jit3A_483 : i32 to vector<16xi32>
      %broadcast_in_dim3A_486 = vector.broadcast %jit3A_484 : i32 to vector<16xi32>
      %select_n3A_487 = arith.select %ne3A_482, %broadcast_in_dim3A_485, %broadcast_in_dim3A_486 : vector<16xi1>, vector<16xi32>
      %or3A_488 = arith.ori %or3A_475, %select_n3A_487 : vector<16xi32>
      %add3A_489 = arith.constant 4096 : i32
      %add3A_490 = arith.addi %add3A_489, %scan3A_439 : i32
      %get3A_491 = arith.index_cast %add3A_490 : i32 to index
      %get3A_492 = tpu.vector_load %arg4[%get3A_491] {strides = array<i32>} : memref<31744xf32, #tpu.memory_space<vmem>>, vector<16xf32>,
      %ne3A_493 = arith.constant 0.000000e+00 : f32
      %ne3A_494 = vector.broadcast %ne3A_493 : f32 to vector<16xf32>
      %ne3A_495 = arith.cmpf one, %get3A_492, %ne3A_494 : vector<16xf32>
      %jit3A_496 = arith.constant 16 : i32
      %jit3A_497 = arith.constant 0 : i32
      %broadcast_in_dim3A_498 = vector.broadcast %jit3A_496 : i32 to vector<16xi32>
      %broadcast_in_dim3A_499 = vector.broadcast %jit3A_497 : i32 to vector<16xi32>
      %select_n3A_500 = arith.select %ne3A_495, %broadcast_in_dim3A_498, %broadcast_in_dim3A_499 : vector<16xi1>, vector<16xi32>
      %or3A_501 = arith.ori %or3A_488, %select_n3A_500 : vector<16xi32>
      %add3A_502 = arith.constant 5120 : i32
      %add3A_503 = arith.addi %add3A_502, %scan3A_439 : i32
      %get3A_504 = arith.index_cast %add3A_503 : i32 to index
      %get3A_505 = tpu.vector_load %arg4[%get3A_504] {strides = array<i32>} : memref<31744xf32, #tpu.memory_space<vmem>>, vector<16xf32>,
      %ne3A_506 = arith.constant 0.000000e+00 : f32
      %ne3A_507 = vector.broadcast %ne3A_506 : f32 to vector<16xf32>
      %ne3A_508 = arith.cmpf one, %get3A_505, %ne3A_507 : vector<16xf32>
      %jit3A_509 = arith.constant 32 : i32
      %jit3A_510 = arith.constant 0 : i32
      %broadcast_in_dim3A_511 = vector.broadcast %jit3A_509 : i32 to vector<16xi32>
      %broadcast_in_dim3A_512 = vector.broadcast %jit3A_510 : i32 to vector<16xi32>
      %select_n3A_513 = arith.select %ne3A_508, %broadcast_in_dim3A_511, %broadcast_in_dim3A_512 : vector<16xi1>, vector<16xi32>
      %or3A_514 = arith.ori %or3A_501, %select_n3A_513 : vector<16xi32>
      %add3A_515 = arith.constant 6144 : i32
      %add3A_516 = arith.addi %add3A_515, %scan3A_439 : i32
      %get3A_517 = arith.index_cast %add3A_516 : i32 to index
      %get3A_518 = tpu.vector_load %arg4[%get3A_517] {strides = array<i32>} : memref<31744xf32, #tpu.memory_space<vmem>>, vector<16xf32>,
      %ne3A_519 = arith.constant 0.000000e+00 : f32
      %ne3A_520 = vector.broadcast %ne3A_519 : f32 to vector<16xf32>
      %ne3A_521 = arith.cmpf one, %get3A_518, %ne3A_520 : vector<16xf32>
      %jit3A_522 = arith.constant 64 : i32
      %jit3A_523 = arith.constant 0 : i32
      %broadcast_in_dim3A_524 = vector.broadcast %jit3A_522 : i32 to vector<16xi32>
      %broadcast_in_dim3A_525 = vector.broadcast %jit3A_523 : i32 to vector<16xi32>
      %select_n3A_526 = arith.select %ne3A_521, %broadcast_in_dim3A_524, %broadcast_in_dim3A_525 : vector<16xi1>, vector<16xi32>
      %or3A_527 = arith.ori %or3A_514, %select_n3A_526 : vector<16xi32>
      %add3A_528 = arith.constant 7168 : i32
      %add3A_529 = arith.addi %add3A_528, %scan3A_439 : i32
      %get3A_530 = arith.index_cast %add3A_529 : i32 to index
      %get3A_531 = tpu.vector_load %arg4[%get3A_530] {strides = array<i32>} : memref<31744xf32, #tpu.memory_space<vmem>>, vector<16xf32>,
      %ne3A_532 = arith.constant 0.000000e+00 : f32
      %ne3A_533 = vector.broadcast %ne3A_532 : f32 to vector<16xf32>
      %ne3A_534 = arith.cmpf one, %get3A_531, %ne3A_533 : vector<16xf32>
      %jit3A_535 = arith.constant 128 : i32
      %jit3A_536 = arith.constant 0 : i32
      %broadcast_in_dim3A_537 = vector.broadcast %jit3A_535 : i32 to vector<16xi32>
      %broadcast_in_dim3A_538 = vector.broadcast %jit3A_536 : i32 to vector<16xi32>
      %select_n3A_539 = arith.select %ne3A_534, %broadcast_in_dim3A_537, %broadcast_in_dim3A_538 : vector<16xi1>, vector<16xi32>
      %or3A_540 = arith.ori %or3A_527, %select_n3A_539 : vector<16xi32>
      %add3A_541 = arith.constant 8192 : i32
      %add3A_542 = arith.addi %add3A_541, %scan3A_439 : i32
      %get3A_543 = arith.index_cast %add3A_542 : i32 to index
      %get3A_544 = tpu.vector_load %arg4[%get3A_543] {strides = array<i32>} : memref<31744xf32, #tpu.memory_space<vmem>>, vector<16xf32>,
      %ne3A_545 = arith.constant 0.000000e+00 : f32
      %ne3A_546 = vector.broadcast %ne3A_545 : f32 to vector<16xf32>
      %ne3A_547 = arith.cmpf one, %get3A_544, %ne3A_546 : vector<16xf32>
      %jit3A_548 = arith.constant 256 : i32
      %jit3A_549 = arith.constant 0 : i32
      %broadcast_in_dim3A_550 = vector.broadcast %jit3A_548 : i32 to vector<16xi32>
      %broadcast_in_dim3A_551 = vector.broadcast %jit3A_549 : i32 to vector<16xi32>
      %select_n3A_552 = arith.select %ne3A_547, %broadcast_in_dim3A_550, %broadcast_in_dim3A_551 : vector<16xi1>, vector<16xi32>
      %or3A_553 = arith.ori %or3A_540, %select_n3A_552 : vector<16xi32>
      %add3A_554 = arith.constant 9216 : i32
      %add3A_555 = arith.addi %add3A_554, %scan3A_439 : i32
      %get3A_556 = arith.index_cast %add3A_555 : i32 to index
      %get3A_557 = tpu.vector_load %arg4[%get3A_556] {strides = array<i32>} : memref<31744xf32, #tpu.memory_space<vmem>>, vector<16xf32>,
      %ne3A_558 = arith.constant 0.000000e+00 : f32
      %ne3A_559 = vector.broadcast %ne3A_558 : f32 to vector<16xf32>
      %ne3A_560 = arith.cmpf one, %get3A_557, %ne3A_559 : vector<16xf32>
      %jit3A_561 = arith.constant 512 : i32
      %jit3A_562 = arith.constant 0 : i32
      %broadcast_in_dim3A_563 = vector.broadcast %jit3A_561 : i32 to vector<16xi32>
      %broadcast_in_dim3A_564 = vector.broadcast %jit3A_562 : i32 to vector<16xi32>
      %select_n3A_565 = arith.select %ne3A_560, %broadcast_in_dim3A_563, %broadcast_in_dim3A_564 : vector<16xi1>, vector<16xi32>
      %or3A_566 = arith.ori %or3A_553, %select_n3A_565 : vector<16xi32>
      %add3A_567 = arith.constant 10240 : i32
      %add3A_568 = arith.addi %add3A_567, %scan3A_439 : i32
      %get3A_569 = arith.index_cast %add3A_568 : i32 to index
      %get3A_570 = tpu.vector_load %arg4[%get3A_569] {strides = array<i32>} : memref<31744xf32, #tpu.memory_space<vmem>>, vector<16xf32>,
      %ne3A_571 = arith.constant 0.000000e+00 : f32
      %ne3A_572 = vector.broadcast %ne3A_571 : f32 to vector<16xf32>
      %ne3A_573 = arith.cmpf one, %get3A_570, %ne3A_572 : vector<16xf32>
      %jit3A_574 = arith.constant 1024 : i32
      %jit3A_575 = arith.constant 0 : i32
      %broadcast_in_dim3A_576 = vector.broadcast %jit3A_574 : i32 to vector<16xi32>
      %broadcast_in_dim3A_577 = vector.broadcast %jit3A_575 : i32 to vector<16xi32>
      %select_n3A_578 = arith.select %ne3A_573, %broadcast_in_dim3A_576, %broadcast_in_dim3A_577 : vector<16xi1>, vector<16xi32>
      %or3A_579 = arith.ori %or3A_566, %select_n3A_578 : vector<16xi32>
      %add3A_580 = arith.constant 11264 : i32
      %add3A_581 = arith.addi %add3A_580, %scan3A_439 : i32
      %get3A_582 = arith.index_cast %add3A_581 : i32 to index
      %get3A_583 = tpu.vector_load %arg4[%get3A_582] {strides = array<i32>} : memref<31744xf32, #tpu.memory_space<vmem>>, vector<16xf32>,
      %ne3A_584 = arith.constant 0.000000e+00 : f32
      %ne3A_585 = vector.broadcast %ne3A_584 : f32 to vector<16xf32>
      %ne3A_586 = arith.cmpf one, %get3A_583, %ne3A_585 : vector<16xf32>
      %jit3A_587 = arith.constant 2048 : i32
      %jit3A_588 = arith.constant 0 : i32
      %broadcast_in_dim3A_589 = vector.broadcast %jit3A_587 : i32 to vector<16xi32>
      %broadcast_in_dim3A_590 = vector.broadcast %jit3A_588 : i32 to vector<16xi32>
      %select_n3A_591 = arith.select %ne3A_586, %broadcast_in_dim3A_589, %broadcast_in_dim3A_590 : vector<16xi1>, vector<16xi32>
      %or3A_592 = arith.ori %or3A_579, %select_n3A_591 : vector<16xi32>
      %add3A_593 = arith.constant 12288 : i32
      %add3A_594 = arith.addi %add3A_593, %scan3A_439 : i32
      %get3A_595 = arith.index_cast %add3A_594 : i32 to index
      %get3A_596 = tpu.vector_load %arg4[%get3A_595] {strides = array<i32>} : memref<31744xf32, #tpu.memory_space<vmem>>, vector<16xf32>,
      %ne3A_597 = arith.constant 0.000000e+00 : f32
      %ne3A_598 = vector.broadcast %ne3A_597 : f32 to vector<16xf32>
      %ne3A_599 = arith.cmpf one, %get3A_596, %ne3A_598 : vector<16xf32>
      %jit3A_600 = arith.constant 4096 : i32
      %jit3A_601 = arith.constant 0 : i32
      %broadcast_in_dim3A_602 = vector.broadcast %jit3A_600 : i32 to vector<16xi32>
      %broadcast_in_dim3A_603 = vector.broadcast %jit3A_601 : i32 to vector<16xi32>
      %select_n3A_604 = arith.select %ne3A_599, %broadcast_in_dim3A_602, %broadcast_in_dim3A_603 : vector<16xi1>, vector<16xi32>
      %or3A_605 = arith.ori %or3A_592, %select_n3A_604 : vector<16xi32>
      %add3A_606 = arith.constant 13312 : i32
      %add3A_607 = arith.addi %add3A_606, %scan3A_439 : i32
      %get3A_608 = arith.index_cast %add3A_607 : i32 to index
      %get3A_609 = tpu.vector_load %arg4[%get3A_608] {strides = array<i32>} : memref<31744xf32, #tpu.memory_space<vmem>>, vector<16xf32>,
      %ne3A_610 = arith.constant 0.000000e+00 : f32
      %ne3A_611 = vector.broadcast %ne3A_610 : f32 to vector<16xf32>
      %ne3A_612 = arith.cmpf one, %get3A_609, %ne3A_611 : vector<16xf32>
      %jit3A_613 = arith.constant 8192 : i32
      %jit3A_614 = arith.constant 0 : i32
      %broadcast_in_dim3A_615 = vector.broadcast %jit3A_613 : i32 to vector<16xi32>
      %broadcast_in_dim3A_616 = vector.broadcast %jit3A_614 : i32 to vector<16xi32>
      %select_n3A_617 = arith.select %ne3A_612, %broadcast_in_dim3A_615, %broadcast_in_dim3A_616 : vector<16xi1>, vector<16xi32>
      %or3A_618 = arith.ori %or3A_605, %select_n3A_617 : vector<16xi32>
      %add3A_619 = arith.constant 14336 : i32
      %add3A_620 = arith.addi %add3A_619, %scan3A_439 : i32
      %get3A_621 = arith.index_cast %add3A_620 : i32 to index
      %get3A_622 = tpu.vector_load %arg4[%get3A_621] {strides = array<i32>} : memref<31744xf32, #tpu.memory_space<vmem>>, vector<16xf32>,
      %ne3A_623 = arith.constant 0.000000e+00 : f32
      %ne3A_624 = vector.broadcast %ne3A_623 : f32 to vector<16xf32>
      %ne3A_625 = arith.cmpf one, %get3A_622, %ne3A_624 : vector<16xf32>
      %jit3A_626 = arith.constant 16384 : i32
      %jit3A_627 = arith.constant 0 : i32
      %broadcast_in_dim3A_628 = vector.broadcast %jit3A_626 : i32 to vector<16xi32>
      %broadcast_in_dim3A_629 = vector.broadcast %jit3A_627 : i32 to vector<16xi32>
      %select_n3A_630 = arith.select %ne3A_625, %broadcast_in_dim3A_628, %broadcast_in_dim3A_629 : vector<16xi1>, vector<16xi32>
      %or3A_631 = arith.ori %or3A_618, %select_n3A_630 : vector<16xi32>
      %add3A_632 = arith.constant 15360 : i32
      %add3A_633 = arith.addi %add3A_632, %scan3A_439 : i32
      %get3A_634 = arith.index_cast %add3A_633 : i32 to index
      %get3A_635 = tpu.vector_load %arg4[%get3A_634] {strides = array<i32>} : memref<31744xf32, #tpu.memory_space<vmem>>, vector<16xf32>,
      %ne3A_636 = arith.constant 0.000000e+00 : f32
      %ne3A_637 = vector.broadcast %ne3A_636 : f32 to vector<16xf32>
      %ne3A_638 = arith.cmpf one, %get3A_635, %ne3A_637 : vector<16xf32>
      %jit3A_639 = arith.constant 32768 : i32
      %jit3A_640 = arith.constant 0 : i32
      %broadcast_in_dim3A_641 = vector.broadcast %jit3A_639 : i32 to vector<16xi32>
      %broadcast_in_dim3A_642 = vector.broadcast %jit3A_640 : i32 to vector<16xi32>
      %select_n3A_643 = arith.select %ne3A_638, %broadcast_in_dim3A_641, %broadcast_in_dim3A_642 : vector<16xi1>, vector<16xi32>
      %or3A_644 = arith.ori %or3A_631, %select_n3A_643 : vector<16xi32>
      %add3A_645 = arith.constant 16384 : i32
      %add3A_646 = arith.addi %add3A_645, %scan3A_439 : i32
      %get3A_647 = arith.index_cast %add3A_646 : i32 to index
      %get3A_648 = tpu.vector_load %arg4[%get3A_647] {strides = array<i32>} : memref<31744xf32, #tpu.memory_space<vmem>>, vector<16xf32>,
      %ne3A_649 = arith.constant 0.000000e+00 : f32
      %ne3A_650 = vector.broadcast %ne3A_649 : f32 to vector<16xf32>
      %ne3A_651 = arith.cmpf one, %get3A_648, %ne3A_650 : vector<16xf32>
      %jit3A_652 = arith.constant 65536 : i32
      %jit3A_653 = arith.constant 0 : i32
      %broadcast_in_dim3A_654 = vector.broadcast %jit3A_652 : i32 to vector<16xi32>
      %broadcast_in_dim3A_655 = vector.broadcast %jit3A_653 : i32 to vector<16xi32>
      %select_n3A_656 = arith.select %ne3A_651, %broadcast_in_dim3A_654, %broadcast_in_dim3A_655 : vector<16xi1>, vector<16xi32>
      %or3A_657 = arith.ori %or3A_644, %select_n3A_656 : vector<16xi32>
      %add3A_658 = arith.constant 17408 : i32
      %add3A_659 = arith.addi %add3A_658, %scan3A_439 : i32
      %get3A_660 = arith.index_cast %add3A_659 : i32 to index
      %get3A_661 = tpu.vector_load %arg4[%get3A_660] {strides = array<i32>} : memref<31744xf32, #tpu.memory_space<vmem>>, vector<16xf32>,
      %ne3A_662 = arith.constant 0.000000e+00 : f32
      %ne3A_663 = vector.broadcast %ne3A_662 : f32 to vector<16xf32>
      %ne3A_664 = arith.cmpf one, %get3A_661, %ne3A_663 : vector<16xf32>
      %jit3A_665 = arith.constant 131072 : i32
      %jit3A_666 = arith.constant 0 : i32
      %broadcast_in_dim3A_667 = vector.broadcast %jit3A_665 : i32 to vector<16xi32>
      %broadcast_in_dim3A_668 = vector.broadcast %jit3A_666 : i32 to vector<16xi32>
      %select_n3A_669 = arith.select %ne3A_664, %broadcast_in_dim3A_667, %broadcast_in_dim3A_668 : vector<16xi1>, vector<16xi32>
      %or3A_670 = arith.ori %or3A_657, %select_n3A_669 : vector<16xi32>
      %add3A_671 = arith.constant 18432 : i32
      %add3A_672 = arith.addi %add3A_671, %scan3A_439 : i32
      %get3A_673 = arith.index_cast %add3A_672 : i32 to index
      %get3A_674 = tpu.vector_load %arg4[%get3A_673] {strides = array<i32>} : memref<31744xf32, #tpu.memory_space<vmem>>, vector<16xf32>,
      %ne3A_675 = arith.constant 0.000000e+00 : f32
      %ne3A_676 = vector.broadcast %ne3A_675 : f32 to vector<16xf32>
      %ne3A_677 = arith.cmpf one, %get3A_674, %ne3A_676 : vector<16xf32>
      %jit3A_678 = arith.constant 262144 : i32
      %jit3A_679 = arith.constant 0 : i32
      %broadcast_in_dim3A_680 = vector.broadcast %jit3A_678 : i32 to vector<16xi32>
      %broadcast_in_dim3A_681 = vector.broadcast %jit3A_679 : i32 to vector<16xi32>
      %select_n3A_682 = arith.select %ne3A_677, %broadcast_in_dim3A_680, %broadcast_in_dim3A_681 : vector<16xi1>, vector<16xi32>
      %or3A_683 = arith.ori %or3A_670, %select_n3A_682 : vector<16xi32>
      %add3A_684 = arith.constant 19456 : i32
      %add3A_685 = arith.addi %add3A_684, %scan3A_439 : i32
      %get3A_686 = arith.index_cast %add3A_685 : i32 to index
      %get3A_687 = tpu.vector_load %arg4[%get3A_686] {strides = array<i32>} : memref<31744xf32, #tpu.memory_space<vmem>>, vector<16xf32>,
      %ne3A_688 = arith.constant 0.000000e+00 : f32
      %ne3A_689 = vector.broadcast %ne3A_688 : f32 to vector<16xf32>
      %ne3A_690 = arith.cmpf one, %get3A_687, %ne3A_689 : vector<16xf32>
      %jit3A_691 = arith.constant 524288 : i32
      %jit3A_692 = arith.constant 0 : i32
      %broadcast_in_dim3A_693 = vector.broadcast %jit3A_691 : i32 to vector<16xi32>
      %broadcast_in_dim3A_694 = vector.broadcast %jit3A_692 : i32 to vector<16xi32>
      %select_n3A_695 = arith.select %ne3A_690, %broadcast_in_dim3A_693, %broadcast_in_dim3A_694 : vector<16xi1>, vector<16xi32>
      %or3A_696 = arith.ori %or3A_683, %select_n3A_695 : vector<16xi32>
      %add3A_697 = arith.constant 20480 : i32
      %add3A_698 = arith.addi %add3A_697, %scan3A_439 : i32
      %get3A_699 = arith.index_cast %add3A_698 : i32 to index
      %get3A_700 = tpu.vector_load %arg4[%get3A_699] {strides = array<i32>} : memref<31744xf32, #tpu.memory_space<vmem>>, vector<16xf32>,
      %ne3A_701 = arith.constant 0.000000e+00 : f32
      %ne3A_702 = vector.broadcast %ne3A_701 : f32 to vector<16xf32>
      %ne3A_703 = arith.cmpf one, %get3A_700, %ne3A_702 : vector<16xf32>
      %jit3A_704 = arith.constant 1048576 : i32
      %jit3A_705 = arith.constant 0 : i32
      %broadcast_in_dim3A_706 = vector.broadcast %jit3A_704 : i32 to vector<16xi32>
      %broadcast_in_dim3A_707 = vector.broadcast %jit3A_705 : i32 to vector<16xi32>
      %select_n3A_708 = arith.select %ne3A_703, %broadcast_in_dim3A_706, %broadcast_in_dim3A_707 : vector<16xi1>, vector<16xi32>
      %or3A_709 = arith.ori %or3A_696, %select_n3A_708 : vector<16xi32>
      %add3A_710 = arith.constant 21504 : i32
      %add3A_711 = arith.addi %add3A_710, %scan3A_439 : i32
      %get3A_712 = arith.index_cast %add3A_711 : i32 to index
      %get3A_713 = tpu.vector_load %arg4[%get3A_712] {strides = array<i32>} : memref<31744xf32, #tpu.memory_space<vmem>>, vector<16xf32>,
      %ne3A_714 = arith.constant 0.000000e+00 : f32
      %ne3A_715 = vector.broadcast %ne3A_714 : f32 to vector<16xf32>
      %ne3A_716 = arith.cmpf one, %get3A_713, %ne3A_715 : vector<16xf32>
      %jit3A_717 = arith.constant 2097152 : i32
      %jit3A_718 = arith.constant 0 : i32
      %broadcast_in_dim3A_719 = vector.broadcast %jit3A_717 : i32 to vector<16xi32>
      %broadcast_in_dim3A_720 = vector.broadcast %jit3A_718 : i32 to vector<16xi32>
      %select_n3A_721 = arith.select %ne3A_716, %broadcast_in_dim3A_719, %broadcast_in_dim3A_720 : vector<16xi1>, vector<16xi32>
      %or3A_722 = arith.ori %or3A_709, %select_n3A_721 : vector<16xi32>
      %add3A_723 = arith.constant 22528 : i32
      %add3A_724 = arith.addi %add3A_723, %scan3A_439 : i32
      %get3A_725 = arith.index_cast %add3A_724 : i32 to index
      %get3A_726 = tpu.vector_load %arg4[%get3A_725] {strides = array<i32>} : memref<31744xf32, #tpu.memory_space<vmem>>, vector<16xf32>,
      %ne3A_727 = arith.constant 0.000000e+00 : f32
      %ne3A_728 = vector.broadcast %ne3A_727 : f32 to vector<16xf32>
      %ne3A_729 = arith.cmpf one, %get3A_726, %ne3A_728 : vector<16xf32>
      %jit3A_730 = arith.constant 4194304 : i32
      %jit3A_731 = arith.constant 0 : i32
      %broadcast_in_dim3A_732 = vector.broadcast %jit3A_730 : i32 to vector<16xi32>
      %broadcast_in_dim3A_733 = vector.broadcast %jit3A_731 : i32 to vector<16xi32>
      %select_n3A_734 = arith.select %ne3A_729, %broadcast_in_dim3A_732, %broadcast_in_dim3A_733 : vector<16xi1>, vector<16xi32>
      %or3A_735 = arith.ori %or3A_722, %select_n3A_734 : vector<16xi32>
      %add3A_736 = arith.constant 23552 : i32
      %add3A_737 = arith.addi %add3A_736, %scan3A_439 : i32
      %get3A_738 = arith.index_cast %add3A_737 : i32 to index
      %get3A_739 = tpu.vector_load %arg4[%get3A_738] {strides = array<i32>} : memref<31744xf32, #tpu.memory_space<vmem>>, vector<16xf32>,
      %ne3A_740 = arith.constant 0.000000e+00 : f32
      %ne3A_741 = vector.broadcast %ne3A_740 : f32 to vector<16xf32>
      %ne3A_742 = arith.cmpf one, %get3A_739, %ne3A_741 : vector<16xf32>
      %jit3A_743 = arith.constant 8388608 : i32
      %jit3A_744 = arith.constant 0 : i32
      %broadcast_in_dim3A_745 = vector.broadcast %jit3A_743 : i32 to vector<16xi32>
      %broadcast_in_dim3A_746 = vector.broadcast %jit3A_744 : i32 to vector<16xi32>
      %select_n3A_747 = arith.select %ne3A_742, %broadcast_in_dim3A_745, %broadcast_in_dim3A_746 : vector<16xi1>, vector<16xi32>
      %or3A_748 = arith.ori %or3A_735, %select_n3A_747 : vector<16xi32>
      %add3A_749 = arith.constant 24576 : i32
      %add3A_750 = arith.addi %add3A_749, %scan3A_439 : i32
      %get3A_751 = arith.index_cast %add3A_750 : i32 to index
      %get3A_752 = tpu.vector_load %arg4[%get3A_751] {strides = array<i32>} : memref<31744xf32, #tpu.memory_space<vmem>>, vector<16xf32>,
      %ne3A_753 = arith.constant 0.000000e+00 : f32
      %ne3A_754 = vector.broadcast %ne3A_753 : f32 to vector<16xf32>
      %ne3A_755 = arith.cmpf one, %get3A_752, %ne3A_754 : vector<16xf32>
      %jit3A_756 = arith.constant 16777216 : i32
      %jit3A_757 = arith.constant 0 : i32
      %broadcast_in_dim3A_758 = vector.broadcast %jit3A_756 : i32 to vector<16xi32>
      %broadcast_in_dim3A_759 = vector.broadcast %jit3A_757 : i32 to vector<16xi32>
      %select_n3A_760 = arith.select %ne3A_755, %broadcast_in_dim3A_758, %broadcast_in_dim3A_759 : vector<16xi1>, vector<16xi32>
      %or3A_761 = arith.ori %or3A_748, %select_n3A_760 : vector<16xi32>
      %add3A_762 = arith.constant 25600 : i32
      %add3A_763 = arith.addi %add3A_762, %scan3A_439 : i32
      %get3A_764 = arith.index_cast %add3A_763 : i32 to index
      %get3A_765 = tpu.vector_load %arg4[%get3A_764] {strides = array<i32>} : memref<31744xf32, #tpu.memory_space<vmem>>, vector<16xf32>,
      %ne3A_766 = arith.constant 0.000000e+00 : f32
      %ne3A_767 = vector.broadcast %ne3A_766 : f32 to vector<16xf32>
      %ne3A_768 = arith.cmpf one, %get3A_765, %ne3A_767 : vector<16xf32>
      %jit3A_769 = arith.constant 33554432 : i32
      %jit3A_770 = arith.constant 0 : i32
      %broadcast_in_dim3A_771 = vector.broadcast %jit3A_769 : i32 to vector<16xi32>
      %broadcast_in_dim3A_772 = vector.broadcast %jit3A_770 : i32 to vector<16xi32>
      %select_n3A_773 = arith.select %ne3A_768, %broadcast_in_dim3A_771, %broadcast_in_dim3A_772 : vector<16xi1>, vector<16xi32>
      %or3A_774 = arith.ori %or3A_761, %select_n3A_773 : vector<16xi32>
      %add3A_775 = arith.constant 26624 : i32
      %add3A_776 = arith.addi %add3A_775, %scan3A_439 : i32
      %get3A_777 = arith.index_cast %add3A_776 : i32 to index
      %get3A_778 = tpu.vector_load %arg4[%get3A_777] {strides = array<i32>} : memref<31744xf32, #tpu.memory_space<vmem>>, vector<16xf32>,
      %ne3A_779 = arith.constant 0.000000e+00 : f32
      %ne3A_780 = vector.broadcast %ne3A_779 : f32 to vector<16xf32>
      %ne3A_781 = arith.cmpf one, %get3A_778, %ne3A_780 : vector<16xf32>
      %jit3A_782 = arith.constant 67108864 : i32
      %jit3A_783 = arith.constant 0 : i32
      %broadcast_in_dim3A_784 = vector.broadcast %jit3A_782 : i32 to vector<16xi32>
      %broadcast_in_dim3A_785 = vector.broadcast %jit3A_783 : i32 to vector<16xi32>
      %select_n3A_786 = arith.select %ne3A_781, %broadcast_in_dim3A_784, %broadcast_in_dim3A_785 : vector<16xi1>, vector<16xi32>
      %or3A_787 = arith.ori %or3A_774, %select_n3A_786 : vector<16xi32>
      %add3A_788 = arith.constant 27648 : i32
      %add3A_789 = arith.addi %add3A_788, %scan3A_439 : i32
      %get3A_790 = arith.index_cast %add3A_789 : i32 to index
      %get3A_791 = tpu.vector_load %arg4[%get3A_790] {strides = array<i32>} : memref<31744xf32, #tpu.memory_space<vmem>>, vector<16xf32>,
      %ne3A_792 = arith.constant 0.000000e+00 : f32
      %ne3A_793 = vector.broadcast %ne3A_792 : f32 to vector<16xf32>
      %ne3A_794 = arith.cmpf one, %get3A_791, %ne3A_793 : vector<16xf32>
      %jit3A_795 = arith.constant 134217728 : i32
      %jit3A_796 = arith.constant 0 : i32
      %broadcast_in_dim3A_797 = vector.broadcast %jit3A_795 : i32 to vector<16xi32>
      %broadcast_in_dim3A_798 = vector.broadcast %jit3A_796 : i32 to vector<16xi32>
      %select_n3A_799 = arith.select %ne3A_794, %broadcast_in_dim3A_797, %broadcast_in_dim3A_798 : vector<16xi1>, vector<16xi32>
      %or3A_800 = arith.ori %or3A_787, %select_n3A_799 : vector<16xi32>
      %add3A_801 = arith.constant 28672 : i32
      %add3A_802 = arith.addi %add3A_801, %scan3A_439 : i32
      %get3A_803 = arith.index_cast %add3A_802 : i32 to index
      %get3A_804 = tpu.vector_load %arg4[%get3A_803] {strides = array<i32>} : memref<31744xf32, #tpu.memory_space<vmem>>, vector<16xf32>,
      %ne3A_805 = arith.constant 0.000000e+00 : f32
      %ne3A_806 = vector.broadcast %ne3A_805 : f32 to vector<16xf32>
      %ne3A_807 = arith.cmpf one, %get3A_804, %ne3A_806 : vector<16xf32>
      %jit3A_808 = arith.constant 268435456 : i32
      %jit3A_809 = arith.constant 0 : i32
      %broadcast_in_dim3A_810 = vector.broadcast %jit3A_808 : i32 to vector<16xi32>
      %broadcast_in_dim3A_811 = vector.broadcast %jit3A_809 : i32 to vector<16xi32>
      %select_n3A_812 = arith.select %ne3A_807, %broadcast_in_dim3A_810, %broadcast_in_dim3A_811 : vector<16xi1>, vector<16xi32>
      %or3A_813 = arith.ori %or3A_800, %select_n3A_812 : vector<16xi32>
      %add3A_814 = arith.constant 29696 : i32
      %add3A_815 = arith.addi %add3A_814, %scan3A_439 : i32
      %get3A_816 = arith.index_cast %add3A_815 : i32 to index
      %get3A_817 = tpu.vector_load %arg4[%get3A_816] {strides = array<i32>} : memref<31744xf32, #tpu.memory_space<vmem>>, vector<16xf32>,
      %ne3A_818 = arith.constant 0.000000e+00 : f32
      %ne3A_819 = vector.broadcast %ne3A_818 : f32 to vector<16xf32>
      %ne3A_820 = arith.cmpf one, %get3A_817, %ne3A_819 : vector<16xf32>
      %jit3A_821 = arith.constant 536870912 : i32
      %jit3A_822 = arith.constant 0 : i32
      %broadcast_in_dim3A_823 = vector.broadcast %jit3A_821 : i32 to vector<16xi32>
      %broadcast_in_dim3A_824 = vector.broadcast %jit3A_822 : i32 to vector<16xi32>
      %select_n3A_825 = arith.select %ne3A_820, %broadcast_in_dim3A_823, %broadcast_in_dim3A_824 : vector<16xi1>, vector<16xi32>
      %or3A_826 = arith.ori %or3A_813, %select_n3A_825 : vector<16xi32>
      %add3A_827 = arith.constant 30720 : i32
      %add3A_828 = arith.addi %add3A_827, %scan3A_439 : i32
      %get3A_829 = arith.index_cast %add3A_828 : i32 to index
      %get3A_830 = tpu.vector_load %arg4[%get3A_829] {strides = array<i32>} : memref<31744xf32, #tpu.memory_space<vmem>>, vector<16xf32>,
      %ne3A_831 = arith.constant 0.000000e+00 : f32
      %ne3A_832 = vector.broadcast %ne3A_831 : f32 to vector<16xf32>
      %ne3A_833 = arith.cmpf one, %get3A_830, %ne3A_832 : vector<16xf32>
      %jit3A_834 = arith.constant 1073741824 : i32
      %jit3A_835 = arith.constant 0 : i32
      %broadcast_in_dim3A_836 = vector.broadcast %jit3A_834 : i32 to vector<16xi32>
      %broadcast_in_dim3A_837 = vector.broadcast %jit3A_835 : i32 to vector<16xi32>
      %select_n3A_838 = arith.select %ne3A_833, %broadcast_in_dim3A_836, %broadcast_in_dim3A_837 : vector<16xi1>, vector<16xi32>
      %or3A_839 = arith.ori %or3A_826, %select_n3A_838 : vector<16xi32>
      %swap3A = arith.index_cast %scan3A_439 : i32 to index
      %swap3A_840 = tpu.vector_load %arg5[%swap3A] {strides = array<i32>} : memref<1024xi32, #tpu.memory_space<vmem>>, vector<16xi32>,
      tpu.vector_store %arg5[%swap3A], %or3A_839 {strides = array<i32>} : memref<1024xi32, #tpu.memory_space<vmem>>, vector<16xi32>,
      %add3A_841 = arith.constant 16 : i32
      %add3A_842 = arith.addi %scan3A_439, %add3A_841 : i32
      scf.yield %add3A_842 : i32
    }
    %scan3A_437 = arith.constant 64 : i32
    "tpu.region"() ({
      %run_scoped3A = tpu.sem_alloc : memref<!tpu.dma_semaphore, #tpu.memory_space<semaphore_mem>>
      %dma_start3A_438 = tpu.memref_slice %arg3[%mul3A_2] : memref<32768xi32, #tpu.memory_space<hbm>> -> memref<1024xi32, #tpu.memory_space<hbm>>
      %dma_start3A_439 = tpu.memref_slice %arg3[%mul3A_2] : memref<32768xi32, #tpu.memory_space<hbm>> -> memref<1024xi32, #tpu.memory_space<hbm>>
      tpu.enqueue_dma source(%arg5 : memref<1024xi32, #tpu.memory_space<vmem>>) target(%dma_start3A_439 : memref<1024xi32, #tpu.memory_space<hbm>>) target_semaphore(%run_scoped3A : memref<!tpu.dma_semaphore, #tpu.memory_space<semaphore_mem>>)
      %dma_wait3A_440 = tpu.memref_slice %arg3[%mul3A_2] : memref<32768xi32, #tpu.memory_space<hbm>> -> memref<1024xi32, #tpu.memory_space<hbm>>
      %dma_wait3A_441 = tpu.memref_slice %arg3[%mul3A_2] : memref<32768xi32, #tpu.memory_space<hbm>> -> memref<1024xi32, #tpu.memory_space<hbm>>
      tpu.wait_dma2 semaphore(%run_scoped3A : memref<!tpu.dma_semaphore, #tpu.memory_space<semaphore_mem>>) src(%arg5 : memref<1024xi32, #tpu.memory_space<vmem>>) dst(%dma_wait3A_441 : memref<1024xi32, #tpu.memory_space<hbm>>)
      tpu.yield
    }) : () -> ()
    return
  }
}

#map = affine_map<(d0, d1) -> (0)>
module attributes {stable_mosaic.version = 14 : i64} {
  func.func @_lookup_sc_body(%arg0: i32, %arg1: i32, %arg2: memref<32768xi32, #tpu.memory_space<hbm>>, %arg3: memref<1638400xi32, #tpu.memory_space<hbm>>, %arg4: memref<1638400xi32, #tpu.memory_space<hbm>>, %arg5: memref<32768xi32, #tpu.memory_space<vmem>>, %arg6: memref<6400xi32, #tpu.memory_space<vmem>>, %arg7: memref<6400xi32, #tpu.memory_space<vmem>>, %arg8: memref<6400xi32, #tpu.memory_space<vmem>>, %arg9: memref<6400xi32, #tpu.memory_space<vmem>>, %arg10: memref<!tpu.dma_semaphore, #tpu.memory_space<semaphore_mem>>, %arg11: memref<!tpu.dma_semaphore, #tpu.memory_space<semaphore_mem>>, %arg12: memref<!tpu.dma_semaphore, #tpu.memory_space<semaphore_mem>>, %arg13: memref<!tpu.dma_semaphore, #tpu.memory_space<semaphore_mem>>, %arg14: memref<!tpu.dma_semaphore, #tpu.memory_space<semaphore_mem>>) attributes {dimension_semantics = [#tpu.dimension_semantics<core_parallel>, #tpu.dimension_semantics<subcore_parallel>], iteration_bounds = array<i64: 2, 16>, scalar_prefetch = 0 : i64, scratch_operands = 10 : i64, tpu.core_type = #tpu.core_type<sc_vector_subcore>, window_params = [{transform_indices = #map}, {transform_indices = #map}, {transform_indices = #map}]} {
    %mul3A = arith.constant 16 : i32
    %mul3A_0 = arith.muli %arg0, %mul3A : i32
    %add3A = arith.addi %mul3A_0, %arg1 : i32
    %mul3A_1 = arith.constant 51200 : i32
    %mul3A_2 = arith.muli %add3A, %mul3A_1 : i32
    %dma_start3A = tpu.memref_slice %arg3[%mul3A_2] : memref<1638400xi32, #tpu.memory_space<hbm>> -> memref<6400xi32, #tpu.memory_space<hbm>>
    %dma_start3A_3 = tpu.memref_slice %arg3[%mul3A_2] : memref<1638400xi32, #tpu.memory_space<hbm>> -> memref<6400xi32, #tpu.memory_space<hbm>>
    tpu.enqueue_dma source(%dma_start3A_3 : memref<6400xi32, #tpu.memory_space<hbm>>) target(%arg6 : memref<6400xi32, #tpu.memory_space<vmem>>) target_semaphore(%arg11 : memref<!tpu.dma_semaphore, #tpu.memory_space<semaphore_mem>>)
    tpu.enqueue_dma source(%arg2 : memref<32768xi32, #tpu.memory_space<hbm>>) target(%arg5 : memref<32768xi32, #tpu.memory_space<vmem>>) target_semaphore(%arg10 : memref<!tpu.dma_semaphore, #tpu.memory_space<semaphore_mem>>)
    tpu.wait_dma2 semaphore(%arg10 : memref<!tpu.dma_semaphore, #tpu.memory_space<semaphore_mem>>) src(%arg2 : memref<32768xi32, #tpu.memory_space<hbm>>) dst(%arg5 : memref<32768xi32, #tpu.memory_space<vmem>>)
    %add3A_4 = arith.constant 6400 : i32
    %add3A_5 = arith.addi %mul3A_2, %add3A_4 : i32
    %dma_start3A_6 = tpu.memref_slice %arg3[%add3A_5] : memref<1638400xi32, #tpu.memory_space<hbm>> -> memref<6400xi32, #tpu.memory_space<hbm>>
    %dma_start3A_7 = tpu.memref_slice %arg3[%add3A_5] : memref<1638400xi32, #tpu.memory_space<hbm>> -> memref<6400xi32, #tpu.memory_space<hbm>>
    tpu.enqueue_dma source(%dma_start3A_7 : memref<6400xi32, #tpu.memory_space<hbm>>) target(%arg7 : memref<6400xi32, #tpu.memory_space<vmem>>) target_semaphore(%arg12 : memref<!tpu.dma_semaphore, #tpu.memory_space<semaphore_mem>>)
    %dma_wait3A = tpu.memref_slice %arg3[%mul3A_2] : memref<1638400xi32, #tpu.memory_space<hbm>> -> memref<6400xi32, #tpu.memory_space<hbm>>
    %dma_wait3A_8 = tpu.memref_slice %arg3[%mul3A_2] : memref<1638400xi32, #tpu.memory_space<hbm>> -> memref<6400xi32, #tpu.memory_space<hbm>>
    tpu.wait_dma2 semaphore(%arg11 : memref<!tpu.dma_semaphore, #tpu.memory_space<semaphore_mem>>) src(%dma_wait3A_8 : memref<6400xi32, #tpu.memory_space<hbm>>) dst(%arg6 : memref<6400xi32, #tpu.memory_space<vmem>>)
    %scan3A = arith.constant 0 : i32
    %scan3A_9 = arith.constant 0 : i32
    %scan3A_10 = arith.constant 100 : i32
    %scan3A_11 = arith.addi %scan3A_9, %scan3A_10 : i32
    %scan3A_12 = arith.constant 1 : i32
    %scan3A_13 = scf.for %scan3A_150 = %scan3A_9 to %scan3A_11 step %scan3A_12 iter_args(%scan3A_151 = %scan3A) -> (i32)  : i32 {
      %add3A_152 = arith.constant 0 : i32
      %add3A_153 = arith.addi %scan3A_151, %add3A_152 : i32
      %get3A = arith.index_cast %add3A_153 : i32 to index
      %get3A_154 = tpu.vector_load %arg6[%get3A] {strides = array<i32>} : memref<6400xi32, #tpu.memory_space<vmem>>, vector<16xi32>,
      %bitcast3A = vector.bitcast %get3A_154 : vector<16xi32> to vector<16xi32>
      %and3A = arith.constant 32767 : i32
      %and3A_155 = vector.broadcast %and3A : i32 to vector<16xi32>
      %and3A_156 = arith.andi %bitcast3A, %and3A_155 : vector<16xi32>
      %shift_right_logical3A = arith.constant 15 : i32
      %shift_right_logical3A_157 = vector.broadcast %shift_right_logical3A : i32 to vector<16xi32>
      %shift_right_logical3A_158 = arith.shrui %bitcast3A, %shift_right_logical3A_157 : vector<16xi32>
      %gather3A = tpu.vector_load_idx %arg5[%and3A_156] : memref<32768xi32, #tpu.memory_space<vmem>>[vector<16xi32>], vector<16xi32>,
      %shift_right_logical3A_159 = arith.shrui %gather3A, %shift_right_logical3A_158 : vector<16xi32>
      %and3A_160 = arith.constant 1 : i32
      %and3A_161 = vector.broadcast %and3A_160 : i32 to vector<16xi32>
      %and3A_162 = arith.andi %shift_right_logical3A_159, %and3A_161 : vector<16xi32>
      %xor3A = arith.constant 1 : i32
      %xor3A_163 = vector.broadcast %xor3A : i32 to vector<16xi32>
      %xor3A_164 = arith.xori %and3A_162, %xor3A_163 : vector<16xi32>
      %bitcast3A_165 = vector.bitcast %xor3A_164 : vector<16xi32> to vector<16xi32>
      %swap3A = arith.index_cast %add3A_153 : i32 to index
      %swap3A_166 = tpu.vector_load %arg8[%swap3A] {strides = array<i32>} : memref<6400xi32, #tpu.memory_space<vmem>>, vector<16xi32>,
      tpu.vector_store %arg8[%swap3A], %bitcast3A_165 {strides = array<i32>} : memref<6400xi32, #tpu.memory_space<vmem>>, vector<16xi32>,
      %add3A_167 = arith.constant 16 : i32
      %add3A_168 = arith.addi %scan3A_151, %add3A_167 : i32
      %get3A_169 = arith.index_cast %add3A_168 : i32 to index
      %get3A_170 = tpu.vector_load %arg6[%get3A_169] {strides = array<i32>} : memref<6400xi32, #tpu.memory_space<vmem>>, vector<16xi32>,
      %bitcast3A_171 = vector.bitcast %get3A_170 : vector<16xi32> to vector<16xi32>
      %and3A_172 = arith.constant 32767 : i32
      %and3A_173 = vector.broadcast %and3A_172 : i32 to vector<16xi32>
      %and3A_174 = arith.andi %bitcast3A_171, %and3A_173 : vector<16xi32>
      %shift_right_logical3A_175 = arith.constant 15 : i32
      %shift_right_logical3A_176 = vector.broadcast %shift_right_logical3A_175 : i32 to vector<16xi32>
      %shift_right_logical3A_177 = arith.shrui %bitcast3A_171, %shift_right_logical3A_176 : vector<16xi32>
      %gather3A_178 = tpu.vector_load_idx %arg5[%and3A_174] : memref<32768xi32, #tpu.memory_space<vmem>>[vector<16xi32>], vector<16xi32>,
      %shift_right_logical3A_179 = arith.shrui %gather3A_178, %shift_right_logical3A_177 : vector<16xi32>
      %and3A_180 = arith.constant 1 : i32
      %and3A_181 = vector.broadcast %and3A_180 : i32 to vector<16xi32>
      %and3A_182 = arith.andi %shift_right_logical3A_179, %and3A_181 : vector<16xi32>
      %xor3A_183 = arith.constant 1 : i32
      %xor3A_184 = vector.broadcast %xor3A_183 : i32 to vector<16xi32>
      %xor3A_185 = arith.xori %and3A_182, %xor3A_184 : vector<16xi32>
      %bitcast3A_186 = vector.bitcast %xor3A_185 : vector<16xi32> to vector<16xi32>
      %swap3A_187 = arith.index_cast %add3A_168 : i32 to index
      %swap3A_188 = tpu.vector_load %arg8[%swap3A_187] {strides = array<i32>} : memref<6400xi32, #tpu.memory_space<vmem>>, vector<16xi32>,
      tpu.vector_store %arg8[%swap3A_187], %bitcast3A_186 {strides = array<i32>} : memref<6400xi32, #tpu.memory_space<vmem>>, vector<16xi32>,
      %add3A_189 = arith.constant 32 : i32
      %add3A_190 = arith.addi %scan3A_151, %add3A_189 : i32
      %get3A_191 = arith.index_cast %add3A_190 : i32 to index
      %get3A_192 = tpu.vector_load %arg6[%get3A_191] {strides = array<i32>} : memref<6400xi32, #tpu.memory_space<vmem>>, vector<16xi32>,
      %bitcast3A_193 = vector.bitcast %get3A_192 : vector<16xi32> to vector<16xi32>
      %and3A_194 = arith.constant 32767 : i32
      %and3A_195 = vector.broadcast %and3A_194 : i32 to vector<16xi32>
      %and3A_196 = arith.andi %bitcast3A_193, %and3A_195 : vector<16xi32>
      %shift_right_logical3A_197 = arith.constant 15 : i32
      %shift_right_logical3A_198 = vector.broadcast %shift_right_logical3A_197 : i32 to vector<16xi32>
      %shift_right_logical3A_199 = arith.shrui %bitcast3A_193, %shift_right_logical3A_198 : vector<16xi32>
      %gather3A_200 = tpu.vector_load_idx %arg5[%and3A_196] : memref<32768xi32, #tpu.memory_space<vmem>>[vector<16xi32>], vector<16xi32>,
      %shift_right_logical3A_201 = arith.shrui %gather3A_200, %shift_right_logical3A_199 : vector<16xi32>
      %and3A_202 = arith.constant 1 : i32
      %and3A_203 = vector.broadcast %and3A_202 : i32 to vector<16xi32>
      %and3A_204 = arith.andi %shift_right_logical3A_201, %and3A_203 : vector<16xi32>
      %xor3A_205 = arith.constant 1 : i32
      %xor3A_206 = vector.broadcast %xor3A_205 : i32 to vector<16xi32>
      %xor3A_207 = arith.xori %and3A_204, %xor3A_206 : vector<16xi32>
      %bitcast3A_208 = vector.bitcast %xor3A_207 : vector<16xi32> to vector<16xi32>
      %swap3A_209 = arith.index_cast %add3A_190 : i32 to index
      %swap3A_210 = tpu.vector_load %arg8[%swap3A_209] {strides = array<i32>} : memref<6400xi32, #tpu.memory_space<vmem>>, vector<16xi32>,
      tpu.vector_store %arg8[%swap3A_209], %bitcast3A_208 {strides = array<i32>} : memref<6400xi32, #tpu.memory_space<vmem>>, vector<16xi32>,
      %add3A_211 = arith.constant 48 : i32
      %add3A_212 = arith.addi %scan3A_151, %add3A_211 : i32
      %get3A_213 = arith.index_cast %add3A_212 : i32 to index
      %get3A_214 = tpu.vector_load %arg6[%get3A_213] {strides = array<i32>} : memref<6400xi32, #tpu.memory_space<vmem>>, vector<16xi32>,
      %bitcast3A_215 = vector.bitcast %get3A_214 : vector<16xi32> to vector<16xi32>
      %and3A_216 = arith.constant 32767 : i32
      %and3A_217 = vector.broadcast %and3A_216 : i32 to vector<16xi32>
      %and3A_218 = arith.andi %bitcast3A_215, %and3A_217 : vector<16xi32>
      %shift_right_logical3A_219 = arith.constant 15 : i32
      %shift_right_logical3A_220 = vector.broadcast %shift_right_logical3A_219 : i32 to vector<16xi32>
      %shift_right_logical3A_221 = arith.shrui %bitcast3A_215, %shift_right_logical3A_220 : vector<16xi32>
      %gather3A_222 = tpu.vector_load_idx %arg5[%and3A_218] : memref<32768xi32, #tpu.memory_space<vmem>>[vector<16xi32>], vector<16xi32>,
      %shift_right_logical3A_223 = arith.shrui %gather3A_222, %shift_right_logical3A_221 : vector<16xi32>
      %and3A_224 = arith.constant 1 : i32
      %and3A_225 = vector.broadcast %and3A_224 : i32 to vector<16xi32>
      %and3A_226 = arith.andi %shift_right_logical3A_223, %and3A_225 : vector<16xi32>
      %xor3A_227 = arith.constant 1 : i32
      %xor3A_228 = vector.broadcast %xor3A_227 : i32 to vector<16xi32>
      %xor3A_229 = arith.xori %and3A_226, %xor3A_228 : vector<16xi32>
      %bitcast3A_230 = vector.bitcast %xor3A_229 : vector<16xi32> to vector<16xi32>
      %swap3A_231 = arith.index_cast %add3A_212 : i32 to index
      %swap3A_232 = tpu.vector_load %arg8[%swap3A_231] {strides = array<i32>} : memref<6400xi32, #tpu.memory_space<vmem>>, vector<16xi32>,
      tpu.vector_store %arg8[%swap3A_231], %bitcast3A_230 {strides = array<i32>} : memref<6400xi32, #tpu.memory_space<vmem>>, vector<16xi32>,
      %add3A_233 = arith.constant 64 : i32
      %add3A_234 = arith.addi %scan3A_151, %add3A_233 : i32
      scf.yield %add3A_234 : i32
    }
    %scan3A_14 = arith.constant 100 : i32
    %add3A_15 = arith.constant 0 : i32
    %add3A_16 = arith.addi %mul3A_2, %add3A_15 : i32
    %dma_start3A_17 = tpu.memref_slice %arg4[%add3A_16] : memref<1638400xi32, #tpu.memory_space<hbm>> -> memref<6400xi32, #tpu.memory_space<hbm>>
    %dma_start3A_18 = tpu.memref_slice %arg4[%add3A_16] : memref<1638400xi32, #tpu.memory_space<hbm>> -> memref<6400xi32, #tpu.memory_space<hbm>>
    tpu.enqueue_dma source(%arg8 : memref<6400xi32, #tpu.memory_space<vmem>>) target(%dma_start3A_18 : memref<6400xi32, #tpu.memory_space<hbm>>) target_semaphore(%arg13 : memref<!tpu.dma_semaphore, #tpu.memory_space<semaphore_mem>>)
    %add3A_19 = arith.constant 12800 : i32
    %add3A_20 = arith.addi %mul3A_2, %add3A_19 : i32
    %dma_start3A_21 = tpu.memref_slice %arg3[%add3A_20] : memref<1638400xi32, #tpu.memory_space<hbm>> -> memref<6400xi32, #tpu.memory_space<hbm>>
    %dma_start3A_22 = tpu.memref_slice %arg3[%add3A_20] : memref<1638400xi32, #tpu.memory_space<hbm>> -> memref<6400xi32, #tpu.memory_space<hbm>>
    tpu.enqueue_dma source(%dma_start3A_22 : memref<6400xi32, #tpu.memory_space<hbm>>) target(%arg6 : memref<6400xi32, #tpu.memory_space<vmem>>) target_semaphore(%arg11 : memref<!tpu.dma_semaphore, #tpu.memory_space<semaphore_mem>>)
    %dma_wait3A_23 = tpu.memref_slice %arg3[%add3A_5] : memref<1638400xi32, #tpu.memory_space<hbm>> -> memref<6400xi32, #tpu.memory_space<hbm>>
    %dma_wait3A_24 = tpu.memref_slice %arg3[%add3A_5] : memref<1638400xi32, #tpu.memory_space<hbm>> -> memref<6400xi32, #tpu.memory_space<hbm>>
    tpu.wait_dma2 semaphore(%arg12 : memref<!tpu.dma_semaphore, #tpu.memory_space<semaphore_mem>>) src(%dma_wait3A_24 : memref<6400xi32, #tpu.memory_space<hbm>>) dst(%arg7 : memref<6400xi32, #tpu.memory_space<vmem>>)
    %scan3A_25 = arith.constant 0 : i32
    %scan3A_26 = arith.constant 0 : i32
    %scan3A_27 = arith.constant 100 : i32
    %scan3A_28 = arith.addi %scan3A_26, %scan3A_27 : i32
    %scan3A_29 = arith.constant 1 : i32
    %scan3A_30 = scf.for %scan3A_150 = %scan3A_26 to %scan3A_28 step %scan3A_29 iter_args(%scan3A_151 = %scan3A_25) -> (i32)  : i32 {
      %add3A_152 = arith.constant 0 : i32
      %add3A_153 = arith.addi %scan3A_151, %add3A_152 : i32
      %get3A = arith.index_cast %add3A_153 : i32 to index
      %get3A_154 = tpu.vector_load %arg7[%get3A] {strides = array<i32>} : memref<6400xi32, #tpu.memory_space<vmem>>, vector<16xi32>,
      %bitcast3A = vector.bitcast %get3A_154 : vector<16xi32> to vector<16xi32>
      %and3A = arith.constant 32767 : i32
      %and3A_155 = vector.broadcast %and3A : i32 to vector<16xi32>
      %and3A_156 = arith.andi %bitcast3A, %and3A_155 : vector<16xi32>
      %shift_right_logical3A = arith.constant 15 : i32
      %shift_right_logical3A_157 = vector.broadcast %shift_right_logical3A : i32 to vector<16xi32>
      %shift_right_logical3A_158 = arith.shrui %bitcast3A, %shift_right_logical3A_157 : vector<16xi32>
      %gather3A = tpu.vector_load_idx %arg5[%and3A_156] : memref<32768xi32, #tpu.memory_space<vmem>>[vector<16xi32>], vector<16xi32>,
      %shift_right_logical3A_159 = arith.shrui %gather3A, %shift_right_logical3A_158 : vector<16xi32>
      %and3A_160 = arith.constant 1 : i32
      %and3A_161 = vector.broadcast %and3A_160 : i32 to vector<16xi32>
      %and3A_162 = arith.andi %shift_right_logical3A_159, %and3A_161 : vector<16xi32>
      %xor3A = arith.constant 1 : i32
      %xor3A_163 = vector.broadcast %xor3A : i32 to vector<16xi32>
      %xor3A_164 = arith.xori %and3A_162, %xor3A_163 : vector<16xi32>
      %bitcast3A_165 = vector.bitcast %xor3A_164 : vector<16xi32> to vector<16xi32>
      %swap3A = arith.index_cast %add3A_153 : i32 to index
      %swap3A_166 = tpu.vector_load %arg9[%swap3A] {strides = array<i32>} : memref<6400xi32, #tpu.memory_space<vmem>>, vector<16xi32>,
      tpu.vector_store %arg9[%swap3A], %bitcast3A_165 {strides = array<i32>} : memref<6400xi32, #tpu.memory_space<vmem>>, vector<16xi32>,
      %add3A_167 = arith.constant 16 : i32
      %add3A_168 = arith.addi %scan3A_151, %add3A_167 : i32
      %get3A_169 = arith.index_cast %add3A_168 : i32 to index
      %get3A_170 = tpu.vector_load %arg7[%get3A_169] {strides = array<i32>} : memref<6400xi32, #tpu.memory_space<vmem>>, vector<16xi32>,
      %bitcast3A_171 = vector.bitcast %get3A_170 : vector<16xi32> to vector<16xi32>
      %and3A_172 = arith.constant 32767 : i32
      %and3A_173 = vector.broadcast %and3A_172 : i32 to vector<16xi32>
      %and3A_174 = arith.andi %bitcast3A_171, %and3A_173 : vector<16xi32>
      %shift_right_logical3A_175 = arith.constant 15 : i32
      %shift_right_logical3A_176 = vector.broadcast %shift_right_logical3A_175 : i32 to vector<16xi32>
      %shift_right_logical3A_177 = arith.shrui %bitcast3A_171, %shift_right_logical3A_176 : vector<16xi32>
      %gather3A_178 = tpu.vector_load_idx %arg5[%and3A_174] : memref<32768xi32, #tpu.memory_space<vmem>>[vector<16xi32>], vector<16xi32>,
      %shift_right_logical3A_179 = arith.shrui %gather3A_178, %shift_right_logical3A_177 : vector<16xi32>
      %and3A_180 = arith.constant 1 : i32
      %and3A_181 = vector.broadcast %and3A_180 : i32 to vector<16xi32>
      %and3A_182 = arith.andi %shift_right_logical3A_179, %and3A_181 : vector<16xi32>
      %xor3A_183 = arith.constant 1 : i32
      %xor3A_184 = vector.broadcast %xor3A_183 : i32 to vector<16xi32>
      %xor3A_185 = arith.xori %and3A_182, %xor3A_184 : vector<16xi32>
      %bitcast3A_186 = vector.bitcast %xor3A_185 : vector<16xi32> to vector<16xi32>
      %swap3A_187 = arith.index_cast %add3A_168 : i32 to index
      %swap3A_188 = tpu.vector_load %arg9[%swap3A_187] {strides = array<i32>} : memref<6400xi32, #tpu.memory_space<vmem>>, vector<16xi32>,
      tpu.vector_store %arg9[%swap3A_187], %bitcast3A_186 {strides = array<i32>} : memref<6400xi32, #tpu.memory_space<vmem>>, vector<16xi32>,
      %add3A_189 = arith.constant 32 : i32
      %add3A_190 = arith.addi %scan3A_151, %add3A_189 : i32
      %get3A_191 = arith.index_cast %add3A_190 : i32 to index
      %get3A_192 = tpu.vector_load %arg7[%get3A_191] {strides = array<i32>} : memref<6400xi32, #tpu.memory_space<vmem>>, vector<16xi32>,
      %bitcast3A_193 = vector.bitcast %get3A_192 : vector<16xi32> to vector<16xi32>
      %and3A_194 = arith.constant 32767 : i32
      %and3A_195 = vector.broadcast %and3A_194 : i32 to vector<16xi32>
      %and3A_196 = arith.andi %bitcast3A_193, %and3A_195 : vector<16xi32>
      %shift_right_logical3A_197 = arith.constant 15 : i32
      %shift_right_logical3A_198 = vector.broadcast %shift_right_logical3A_197 : i32 to vector<16xi32>
      %shift_right_logical3A_199 = arith.shrui %bitcast3A_193, %shift_right_logical3A_198 : vector<16xi32>
      %gather3A_200 = tpu.vector_load_idx %arg5[%and3A_196] : memref<32768xi32, #tpu.memory_space<vmem>>[vector<16xi32>], vector<16xi32>,
      %shift_right_logical3A_201 = arith.shrui %gather3A_200, %shift_right_logical3A_199 : vector<16xi32>
      %and3A_202 = arith.constant 1 : i32
      %and3A_203 = vector.broadcast %and3A_202 : i32 to vector<16xi32>
      %and3A_204 = arith.andi %shift_right_logical3A_201, %and3A_203 : vector<16xi32>
      %xor3A_205 = arith.constant 1 : i32
      %xor3A_206 = vector.broadcast %xor3A_205 : i32 to vector<16xi32>
      %xor3A_207 = arith.xori %and3A_204, %xor3A_206 : vector<16xi32>
      %bitcast3A_208 = vector.bitcast %xor3A_207 : vector<16xi32> to vector<16xi32>
      %swap3A_209 = arith.index_cast %add3A_190 : i32 to index
      %swap3A_210 = tpu.vector_load %arg9[%swap3A_209] {strides = array<i32>} : memref<6400xi32, #tpu.memory_space<vmem>>, vector<16xi32>,
      tpu.vector_store %arg9[%swap3A_209], %bitcast3A_208 {strides = array<i32>} : memref<6400xi32, #tpu.memory_space<vmem>>, vector<16xi32>,
      %add3A_211 = arith.constant 48 : i32
      %add3A_212 = arith.addi %scan3A_151, %add3A_211 : i32
      %get3A_213 = arith.index_cast %add3A_212 : i32 to index
      %get3A_214 = tpu.vector_load %arg7[%get3A_213] {strides = array<i32>} : memref<6400xi32, #tpu.memory_space<vmem>>, vector<16xi32>,
      %bitcast3A_215 = vector.bitcast %get3A_214 : vector<16xi32> to vector<16xi32>
      %and3A_216 = arith.constant 32767 : i32
      %and3A_217 = vector.broadcast %and3A_216 : i32 to vector<16xi32>
      %and3A_218 = arith.andi %bitcast3A_215, %and3A_217 : vector<16xi32>
      %shift_right_logical3A_219 = arith.constant 15 : i32
      %shift_right_logical3A_220 = vector.broadcast %shift_right_logical3A_219 : i32 to vector<16xi32>
      %shift_right_logical3A_221 = arith.shrui %bitcast3A_215, %shift_right_logical3A_220 : vector<16xi32>
      %gather3A_222 = tpu.vector_load_idx %arg5[%and3A_218] : memref<32768xi32, #tpu.memory_space<vmem>>[vector<16xi32>], vector<16xi32>,
      %shift_right_logical3A_223 = arith.shrui %gather3A_222, %shift_right_logical3A_221 : vector<16xi32>
      %and3A_224 = arith.constant 1 : i32
      %and3A_225 = vector.broadcast %and3A_224 : i32 to vector<16xi32>
      %and3A_226 = arith.andi %shift_right_logical3A_223, %and3A_225 : vector<16xi32>
      %xor3A_227 = arith.constant 1 : i32
      %xor3A_228 = vector.broadcast %xor3A_227 : i32 to vector<16xi32>
      %xor3A_229 = arith.xori %and3A_226, %xor3A_228 : vector<16xi32>
      %bitcast3A_230 = vector.bitcast %xor3A_229 : vector<16xi32> to vector<16xi32>
      %swap3A_231 = arith.index_cast %add3A_212 : i32 to index
      %swap3A_232 = tpu.vector_load %arg9[%swap3A_231] {strides = array<i32>} : memref<6400xi32, #tpu.memory_space<vmem>>, vector<16xi32>,
      tpu.vector_store %arg9[%swap3A_231], %bitcast3A_230 {strides = array<i32>} : memref<6400xi32, #tpu.memory_space<vmem>>, vector<16xi32>,
      %add3A_233 = arith.constant 64 : i32
      %add3A_234 = arith.addi %scan3A_151, %add3A_233 : i32
      scf.yield %add3A_234 : i32
    }
    %scan3A_31 = arith.constant 100 : i32
    %add3A_32 = arith.constant 6400 : i32
    %add3A_33 = arith.addi %mul3A_2, %add3A_32 : i32
    %dma_start3A_34 = tpu.memref_slice %arg4[%add3A_33] : memref<1638400xi32, #tpu.memory_space<hbm>> -> memref<6400xi32, #tpu.memory_space<hbm>>
    %dma_start3A_35 = tpu.memref_slice %arg4[%add3A_33] : memref<1638400xi32, #tpu.memory_space<hbm>> -> memref<6400xi32, #tpu.memory_space<hbm>>
    tpu.enqueue_dma source(%arg9 : memref<6400xi32, #tpu.memory_space<vmem>>) target(%dma_start3A_35 : memref<6400xi32, #tpu.memory_space<hbm>>) target_semaphore(%arg14 : memref<!tpu.dma_semaphore, #tpu.memory_space<semaphore_mem>>)
    %add3A_36 = arith.constant 19200 : i32
    %add3A_37 = arith.addi %mul3A_2, %add3A_36 : i32
    %dma_start3A_38 = tpu.memref_slice %arg3[%add3A_37] : memref<1638400xi32, #tpu.memory_space<hbm>> -> memref<6400xi32, #tpu.memory_space<hbm>>
    %dma_start3A_39 = tpu.memref_slice %arg3[%add3A_37] : memref<1638400xi32, #tpu.memory_space<hbm>> -> memref<6400xi32, #tpu.memory_space<hbm>>
    tpu.enqueue_dma source(%dma_start3A_39 : memref<6400xi32, #tpu.memory_space<hbm>>) target(%arg7 : memref<6400xi32, #tpu.memory_space<vmem>>) target_semaphore(%arg12 : memref<!tpu.dma_semaphore, #tpu.memory_space<semaphore_mem>>)
    %dma_wait3A_40 = tpu.memref_slice %arg3[%add3A_20] : memref<1638400xi32, #tpu.memory_space<hbm>> -> memref<6400xi32, #tpu.memory_space<hbm>>
    %dma_wait3A_41 = tpu.memref_slice %arg3[%add3A_20] : memref<1638400xi32, #tpu.memory_space<hbm>> -> memref<6400xi32, #tpu.memory_space<hbm>>
    tpu.wait_dma2 semaphore(%arg11 : memref<!tpu.dma_semaphore, #tpu.memory_space<semaphore_mem>>) src(%dma_wait3A_41 : memref<6400xi32, #tpu.memory_space<hbm>>) dst(%arg6 : memref<6400xi32, #tpu.memory_space<vmem>>)
    %dma_wait3A_42 = tpu.memref_slice %arg4[%add3A_16] : memref<1638400xi32, #tpu.memory_space<hbm>> -> memref<6400xi32, #tpu.memory_space<hbm>>
    %dma_wait3A_43 = tpu.memref_slice %arg4[%add3A_16] : memref<1638400xi32, #tpu.memory_space<hbm>> -> memref<6400xi32, #tpu.memory_space<hbm>>
    tpu.wait_dma2 semaphore(%arg13 : memref<!tpu.dma_semaphore, #tpu.memory_space<semaphore_mem>>) src(%arg8 : memref<6400xi32, #tpu.memory_space<vmem>>) dst(%dma_wait3A_43 : memref<6400xi32, #tpu.memory_space<hbm>>)
    %scan3A_44 = arith.constant 0 : i32
    %scan3A_45 = arith.constant 0 : i32
    %scan3A_46 = arith.constant 100 : i32
    %scan3A_47 = arith.addi %scan3A_45, %scan3A_46 : i32
    %scan3A_48 = arith.constant 1 : i32
    %scan3A_49 = scf.for %scan3A_150 = %scan3A_45 to %scan3A_47 step %scan3A_48 iter_args(%scan3A_151 = %scan3A_44) -> (i32)  : i32 {
      %add3A_152 = arith.constant 0 : i32
      %add3A_153 = arith.addi %scan3A_151, %add3A_152 : i32
      %get3A = arith.index_cast %add3A_153 : i32 to index
      %get3A_154 = tpu.vector_load %arg6[%get3A] {strides = array<i32>} : memref<6400xi32, #tpu.memory_space<vmem>>, vector<16xi32>,
      %bitcast3A = vector.bitcast %get3A_154 : vector<16xi32> to vector<16xi32>
      %and3A = arith.constant 32767 : i32
      %and3A_155 = vector.broadcast %and3A : i32 to vector<16xi32>
      %and3A_156 = arith.andi %bitcast3A, %and3A_155 : vector<16xi32>
      %shift_right_logical3A = arith.constant 15 : i32
      %shift_right_logical3A_157 = vector.broadcast %shift_right_logical3A : i32 to vector<16xi32>
      %shift_right_logical3A_158 = arith.shrui %bitcast3A, %shift_right_logical3A_157 : vector<16xi32>
      %gather3A = tpu.vector_load_idx %arg5[%and3A_156] : memref<32768xi32, #tpu.memory_space<vmem>>[vector<16xi32>], vector<16xi32>,
      %shift_right_logical3A_159 = arith.shrui %gather3A, %shift_right_logical3A_158 : vector<16xi32>
      %and3A_160 = arith.constant 1 : i32
      %and3A_161 = vector.broadcast %and3A_160 : i32 to vector<16xi32>
      %and3A_162 = arith.andi %shift_right_logical3A_159, %and3A_161 : vector<16xi32>
      %xor3A = arith.constant 1 : i32
      %xor3A_163 = vector.broadcast %xor3A : i32 to vector<16xi32>
      %xor3A_164 = arith.xori %and3A_162, %xor3A_163 : vector<16xi32>
      %bitcast3A_165 = vector.bitcast %xor3A_164 : vector<16xi32> to vector<16xi32>
      %swap3A = arith.index_cast %add3A_153 : i32 to index
      %swap3A_166 = tpu.vector_load %arg8[%swap3A] {strides = array<i32>} : memref<6400xi32, #tpu.memory_space<vmem>>, vector<16xi32>,
      tpu.vector_store %arg8[%swap3A], %bitcast3A_165 {strides = array<i32>} : memref<6400xi32, #tpu.memory_space<vmem>>, vector<16xi32>,
      %add3A_167 = arith.constant 16 : i32
      %add3A_168 = arith.addi %scan3A_151, %add3A_167 : i32
      %get3A_169 = arith.index_cast %add3A_168 : i32 to index
      %get3A_170 = tpu.vector_load %arg6[%get3A_169] {strides = array<i32>} : memref<6400xi32, #tpu.memory_space<vmem>>, vector<16xi32>,
      %bitcast3A_171 = vector.bitcast %get3A_170 : vector<16xi32> to vector<16xi32>
      %and3A_172 = arith.constant 32767 : i32
      %and3A_173 = vector.broadcast %and3A_172 : i32 to vector<16xi32>
      %and3A_174 = arith.andi %bitcast3A_171, %and3A_173 : vector<16xi32>
      %shift_right_logical3A_175 = arith.constant 15 : i32
      %shift_right_logical3A_176 = vector.broadcast %shift_right_logical3A_175 : i32 to vector<16xi32>
      %shift_right_logical3A_177 = arith.shrui %bitcast3A_171, %shift_right_logical3A_176 : vector<16xi32>
      %gather3A_178 = tpu.vector_load_idx %arg5[%and3A_174] : memref<32768xi32, #tpu.memory_space<vmem>>[vector<16xi32>], vector<16xi32>,
      %shift_right_logical3A_179 = arith.shrui %gather3A_178, %shift_right_logical3A_177 : vector<16xi32>
      %and3A_180 = arith.constant 1 : i32
      %and3A_181 = vector.broadcast %and3A_180 : i32 to vector<16xi32>
      %and3A_182 = arith.andi %shift_right_logical3A_179, %and3A_181 : vector<16xi32>
      %xor3A_183 = arith.constant 1 : i32
      %xor3A_184 = vector.broadcast %xor3A_183 : i32 to vector<16xi32>
      %xor3A_185 = arith.xori %and3A_182, %xor3A_184 : vector<16xi32>
      %bitcast3A_186 = vector.bitcast %xor3A_185 : vector<16xi32> to vector<16xi32>
      %swap3A_187 = arith.index_cast %add3A_168 : i32 to index
      %swap3A_188 = tpu.vector_load %arg8[%swap3A_187] {strides = array<i32>} : memref<6400xi32, #tpu.memory_space<vmem>>, vector<16xi32>,
      tpu.vector_store %arg8[%swap3A_187], %bitcast3A_186 {strides = array<i32>} : memref<6400xi32, #tpu.memory_space<vmem>>, vector<16xi32>,
      %add3A_189 = arith.constant 32 : i32
      %add3A_190 = arith.addi %scan3A_151, %add3A_189 : i32
      %get3A_191 = arith.index_cast %add3A_190 : i32 to index
      %get3A_192 = tpu.vector_load %arg6[%get3A_191] {strides = array<i32>} : memref<6400xi32, #tpu.memory_space<vmem>>, vector<16xi32>,
      %bitcast3A_193 = vector.bitcast %get3A_192 : vector<16xi32> to vector<16xi32>
      %and3A_194 = arith.constant 32767 : i32
      %and3A_195 = vector.broadcast %and3A_194 : i32 to vector<16xi32>
      %and3A_196 = arith.andi %bitcast3A_193, %and3A_195 : vector<16xi32>
      %shift_right_logical3A_197 = arith.constant 15 : i32
      %shift_right_logical3A_198 = vector.broadcast %shift_right_logical3A_197 : i32 to vector<16xi32>
      %shift_right_logical3A_199 = arith.shrui %bitcast3A_193, %shift_right_logical3A_198 : vector<16xi32>
      %gather3A_200 = tpu.vector_load_idx %arg5[%and3A_196] : memref<32768xi32, #tpu.memory_space<vmem>>[vector<16xi32>], vector<16xi32>,
      %shift_right_logical3A_201 = arith.shrui %gather3A_200, %shift_right_logical3A_199 : vector<16xi32>
      %and3A_202 = arith.constant 1 : i32
      %and3A_203 = vector.broadcast %and3A_202 : i32 to vector<16xi32>
      %and3A_204 = arith.andi %shift_right_logical3A_201, %and3A_203 : vector<16xi32>
      %xor3A_205 = arith.constant 1 : i32
      %xor3A_206 = vector.broadcast %xor3A_205 : i32 to vector<16xi32>
      %xor3A_207 = arith.xori %and3A_204, %xor3A_206 : vector<16xi32>
      %bitcast3A_208 = vector.bitcast %xor3A_207 : vector<16xi32> to vector<16xi32>
      %swap3A_209 = arith.index_cast %add3A_190 : i32 to index
      %swap3A_210 = tpu.vector_load %arg8[%swap3A_209] {strides = array<i32>} : memref<6400xi32, #tpu.memory_space<vmem>>, vector<16xi32>,
      tpu.vector_store %arg8[%swap3A_209], %bitcast3A_208 {strides = array<i32>} : memref<6400xi32, #tpu.memory_space<vmem>>, vector<16xi32>,
      %add3A_211 = arith.constant 48 : i32
      %add3A_212 = arith.addi %scan3A_151, %add3A_211 : i32
      %get3A_213 = arith.index_cast %add3A_212 : i32 to index
      %get3A_214 = tpu.vector_load %arg6[%get3A_213] {strides = array<i32>} : memref<6400xi32, #tpu.memory_space<vmem>>, vector<16xi32>,
      %bitcast3A_215 = vector.bitcast %get3A_214 : vector<16xi32> to vector<16xi32>
      %and3A_216 = arith.constant 32767 : i32
      %and3A_217 = vector.broadcast %and3A_216 : i32 to vector<16xi32>
      %and3A_218 = arith.andi %bitcast3A_215, %and3A_217 : vector<16xi32>
      %shift_right_logical3A_219 = arith.constant 15 : i32
      %shift_right_logical3A_220 = vector.broadcast %shift_right_logical3A_219 : i32 to vector<16xi32>
      %shift_right_logical3A_221 = arith.shrui %bitcast3A_215, %shift_right_logical3A_220 : vector<16xi32>
      %gather3A_222 = tpu.vector_load_idx %arg5[%and3A_218] : memref<32768xi32, #tpu.memory_space<vmem>>[vector<16xi32>], vector<16xi32>,
      %shift_right_logical3A_223 = arith.shrui %gather3A_222, %shift_right_logical3A_221 : vector<16xi32>
      %and3A_224 = arith.constant 1 : i32
      %and3A_225 = vector.broadcast %and3A_224 : i32 to vector<16xi32>
      %and3A_226 = arith.andi %shift_right_logical3A_223, %and3A_225 : vector<16xi32>
      %xor3A_227 = arith.constant 1 : i32
      %xor3A_228 = vector.broadcast %xor3A_227 : i32 to vector<16xi32>
      %xor3A_229 = arith.xori %and3A_226, %xor3A_228 : vector<16xi32>
      %bitcast3A_230 = vector.bitcast %xor3A_229 : vector<16xi32> to vector<16xi32>
      %swap3A_231 = arith.index_cast %add3A_212 : i32 to index
      %swap3A_232 = tpu.vector_load %arg8[%swap3A_231] {strides = array<i32>} : memref<6400xi32, #tpu.memory_space<vmem>>, vector<16xi32>,
      tpu.vector_store %arg8[%swap3A_231], %bitcast3A_230 {strides = array<i32>} : memref<6400xi32, #tpu.memory_space<vmem>>, vector<16xi32>,
      %add3A_233 = arith.constant 64 : i32
      %add3A_234 = arith.addi %scan3A_151, %add3A_233 : i32
      scf.yield %add3A_234 : i32
    }
    %scan3A_50 = arith.constant 100 : i32
    %add3A_51 = arith.constant 12800 : i32
    %add3A_52 = arith.addi %mul3A_2, %add3A_51 : i32
    %dma_start3A_53 = tpu.memref_slice %arg4[%add3A_52] : memref<1638400xi32, #tpu.memory_space<hbm>> -> memref<6400xi32, #tpu.memory_space<hbm>>
    %dma_start3A_54 = tpu.memref_slice %arg4[%add3A_52] : memref<1638400xi32, #tpu.memory_space<hbm>> -> memref<6400xi32, #tpu.memory_space<hbm>>
    tpu.enqueue_dma source(%arg8 : memref<6400xi32, #tpu.memory_space<vmem>>) target(%dma_start3A_54 : memref<6400xi32, #tpu.memory_space<hbm>>) target_semaphore(%arg13 : memref<!tpu.dma_semaphore, #tpu.memory_space<semaphore_mem>>)
    %add3A_55 = arith.constant 25600 : i32
    %add3A_56 = arith.addi %mul3A_2, %add3A_55 : i32
    %dma_start3A_57 = tpu.memref_slice %arg3[%add3A_56] : memref<1638400xi32, #tpu.memory_space<hbm>> -> memref<6400xi32, #tpu.memory_space<hbm>>
    %dma_start3A_58 = tpu.memref_slice %arg3[%add3A_56] : memref<1638400xi32, #tpu.memory_space<hbm>> -> memref<6400xi32, #tpu.memory_space<hbm>>
    tpu.enqueue_dma source(%dma_start3A_58 : memref<6400xi32, #tpu.memory_space<hbm>>) target(%arg6 : memref<6400xi32, #tpu.memory_space<vmem>>) target_semaphore(%arg11 : memref<!tpu.dma_semaphore, #tpu.memory_space<semaphore_mem>>)
    %dma_wait3A_59 = tpu.memref_slice %arg3[%add3A_37] : memref<1638400xi32, #tpu.memory_space<hbm>> -> memref<6400xi32, #tpu.memory_space<hbm>>
    %dma_wait3A_60 = tpu.memref_slice %arg3[%add3A_37] : memref<1638400xi32, #tpu.memory_space<hbm>> -> memref<6400xi32, #tpu.memory_space<hbm>>
    tpu.wait_dma2 semaphore(%arg12 : memref<!tpu.dma_semaphore, #tpu.memory_space<semaphore_mem>>) src(%dma_wait3A_60 : memref<6400xi32, #tpu.memory_space<hbm>>) dst(%arg7 : memref<6400xi32, #tpu.memory_space<vmem>>)
    %dma_wait3A_61 = tpu.memref_slice %arg4[%add3A_33] : memref<1638400xi32, #tpu.memory_space<hbm>> -> memref<6400xi32, #tpu.memory_space<hbm>>
    %dma_wait3A_62 = tpu.memref_slice %arg4[%add3A_33] : memref<1638400xi32, #tpu.memory_space<hbm>> -> memref<6400xi32, #tpu.memory_space<hbm>>
    tpu.wait_dma2 semaphore(%arg14 : memref<!tpu.dma_semaphore, #tpu.memory_space<semaphore_mem>>) src(%arg9 : memref<6400xi32, #tpu.memory_space<vmem>>) dst(%dma_wait3A_62 : memref<6400xi32, #tpu.memory_space<hbm>>)
    %scan3A_63 = arith.constant 0 : i32
    %scan3A_64 = arith.constant 0 : i32
    %scan3A_65 = arith.constant 100 : i32
    %scan3A_66 = arith.addi %scan3A_64, %scan3A_65 : i32
    %scan3A_67 = arith.constant 1 : i32
    %scan3A_68 = scf.for %scan3A_150 = %scan3A_64 to %scan3A_66 step %scan3A_67 iter_args(%scan3A_151 = %scan3A_63) -> (i32)  : i32 {
      %add3A_152 = arith.constant 0 : i32
      %add3A_153 = arith.addi %scan3A_151, %add3A_152 : i32
      %get3A = arith.index_cast %add3A_153 : i32 to index
      %get3A_154 = tpu.vector_load %arg7[%get3A] {strides = array<i32>} : memref<6400xi32, #tpu.memory_space<vmem>>, vector<16xi32>,
      %bitcast3A = vector.bitcast %get3A_154 : vector<16xi32> to vector<16xi32>
      %and3A = arith.constant 32767 : i32
      %and3A_155 = vector.broadcast %and3A : i32 to vector<16xi32>
      %and3A_156 = arith.andi %bitcast3A, %and3A_155 : vector<16xi32>
      %shift_right_logical3A = arith.constant 15 : i32
      %shift_right_logical3A_157 = vector.broadcast %shift_right_logical3A : i32 to vector<16xi32>
      %shift_right_logical3A_158 = arith.shrui %bitcast3A, %shift_right_logical3A_157 : vector<16xi32>
      %gather3A = tpu.vector_load_idx %arg5[%and3A_156] : memref<32768xi32, #tpu.memory_space<vmem>>[vector<16xi32>], vector<16xi32>,
      %shift_right_logical3A_159 = arith.shrui %gather3A, %shift_right_logical3A_158 : vector<16xi32>
      %and3A_160 = arith.constant 1 : i32
      %and3A_161 = vector.broadcast %and3A_160 : i32 to vector<16xi32>
      %and3A_162 = arith.andi %shift_right_logical3A_159, %and3A_161 : vector<16xi32>
      %xor3A = arith.constant 1 : i32
      %xor3A_163 = vector.broadcast %xor3A : i32 to vector<16xi32>
      %xor3A_164 = arith.xori %and3A_162, %xor3A_163 : vector<16xi32>
      %bitcast3A_165 = vector.bitcast %xor3A_164 : vector<16xi32> to vector<16xi32>
      %swap3A = arith.index_cast %add3A_153 : i32 to index
      %swap3A_166 = tpu.vector_load %arg9[%swap3A] {strides = array<i32>} : memref<6400xi32, #tpu.memory_space<vmem>>, vector<16xi32>,
      tpu.vector_store %arg9[%swap3A], %bitcast3A_165 {strides = array<i32>} : memref<6400xi32, #tpu.memory_space<vmem>>, vector<16xi32>,
      %add3A_167 = arith.constant 16 : i32
      %add3A_168 = arith.addi %scan3A_151, %add3A_167 : i32
      %get3A_169 = arith.index_cast %add3A_168 : i32 to index
      %get3A_170 = tpu.vector_load %arg7[%get3A_169] {strides = array<i32>} : memref<6400xi32, #tpu.memory_space<vmem>>, vector<16xi32>,
      %bitcast3A_171 = vector.bitcast %get3A_170 : vector<16xi32> to vector<16xi32>
      %and3A_172 = arith.constant 32767 : i32
      %and3A_173 = vector.broadcast %and3A_172 : i32 to vector<16xi32>
      %and3A_174 = arith.andi %bitcast3A_171, %and3A_173 : vector<16xi32>
      %shift_right_logical3A_175 = arith.constant 15 : i32
      %shift_right_logical3A_176 = vector.broadcast %shift_right_logical3A_175 : i32 to vector<16xi32>
      %shift_right_logical3A_177 = arith.shrui %bitcast3A_171, %shift_right_logical3A_176 : vector<16xi32>
      %gather3A_178 = tpu.vector_load_idx %arg5[%and3A_174] : memref<32768xi32, #tpu.memory_space<vmem>>[vector<16xi32>], vector<16xi32>,
      %shift_right_logical3A_179 = arith.shrui %gather3A_178, %shift_right_logical3A_177 : vector<16xi32>
      %and3A_180 = arith.constant 1 : i32
      %and3A_181 = vector.broadcast %and3A_180 : i32 to vector<16xi32>
      %and3A_182 = arith.andi %shift_right_logical3A_179, %and3A_181 : vector<16xi32>
      %xor3A_183 = arith.constant 1 : i32
      %xor3A_184 = vector.broadcast %xor3A_183 : i32 to vector<16xi32>
      %xor3A_185 = arith.xori %and3A_182, %xor3A_184 : vector<16xi32>
      %bitcast3A_186 = vector.bitcast %xor3A_185 : vector<16xi32> to vector<16xi32>
      %swap3A_187 = arith.index_cast %add3A_168 : i32 to index
      %swap3A_188 = tpu.vector_load %arg9[%swap3A_187] {strides = array<i32>} : memref<6400xi32, #tpu.memory_space<vmem>>, vector<16xi32>,
      tpu.vector_store %arg9[%swap3A_187], %bitcast3A_186 {strides = array<i32>} : memref<6400xi32, #tpu.memory_space<vmem>>, vector<16xi32>,
      %add3A_189 = arith.constant 32 : i32
      %add3A_190 = arith.addi %scan3A_151, %add3A_189 : i32
      %get3A_191 = arith.index_cast %add3A_190 : i32 to index
      %get3A_192 = tpu.vector_load %arg7[%get3A_191] {strides = array<i32>} : memref<6400xi32, #tpu.memory_space<vmem>>, vector<16xi32>,
      %bitcast3A_193 = vector.bitcast %get3A_192 : vector<16xi32> to vector<16xi32>
      %and3A_194 = arith.constant 32767 : i32
      %and3A_195 = vector.broadcast %and3A_194 : i32 to vector<16xi32>
      %and3A_196 = arith.andi %bitcast3A_193, %and3A_195 : vector<16xi32>
      %shift_right_logical3A_197 = arith.constant 15 : i32
      %shift_right_logical3A_198 = vector.broadcast %shift_right_logical3A_197 : i32 to vector<16xi32>
      %shift_right_logical3A_199 = arith.shrui %bitcast3A_193, %shift_right_logical3A_198 : vector<16xi32>
      %gather3A_200 = tpu.vector_load_idx %arg5[%and3A_196] : memref<32768xi32, #tpu.memory_space<vmem>>[vector<16xi32>], vector<16xi32>,
      %shift_right_logical3A_201 = arith.shrui %gather3A_200, %shift_right_logical3A_199 : vector<16xi32>
      %and3A_202 = arith.constant 1 : i32
      %and3A_203 = vector.broadcast %and3A_202 : i32 to vector<16xi32>
      %and3A_204 = arith.andi %shift_right_logical3A_201, %and3A_203 : vector<16xi32>
      %xor3A_205 = arith.constant 1 : i32
      %xor3A_206 = vector.broadcast %xor3A_205 : i32 to vector<16xi32>
      %xor3A_207 = arith.xori %and3A_204, %xor3A_206 : vector<16xi32>
      %bitcast3A_208 = vector.bitcast %xor3A_207 : vector<16xi32> to vector<16xi32>
      %swap3A_209 = arith.index_cast %add3A_190 : i32 to index
      %swap3A_210 = tpu.vector_load %arg9[%swap3A_209] {strides = array<i32>} : memref<6400xi32, #tpu.memory_space<vmem>>, vector<16xi32>,
      tpu.vector_store %arg9[%swap3A_209], %bitcast3A_208 {strides = array<i32>} : memref<6400xi32, #tpu.memory_space<vmem>>, vector<16xi32>,
      %add3A_211 = arith.constant 48 : i32
      %add3A_212 = arith.addi %scan3A_151, %add3A_211 : i32
      %get3A_213 = arith.index_cast %add3A_212 : i32 to index
      %get3A_214 = tpu.vector_load %arg7[%get3A_213] {strides = array<i32>} : memref<6400xi32, #tpu.memory_space<vmem>>, vector<16xi32>,
      %bitcast3A_215 = vector.bitcast %get3A_214 : vector<16xi32> to vector<16xi32>
      %and3A_216 = arith.constant 32767 : i32
      %and3A_217 = vector.broadcast %and3A_216 : i32 to vector<16xi32>
      %and3A_218 = arith.andi %bitcast3A_215, %and3A_217 : vector<16xi32>
      %shift_right_logical3A_219 = arith.constant 15 : i32
      %shift_right_logical3A_220 = vector.broadcast %shift_right_logical3A_219 : i32 to vector<16xi32>
      %shift_right_logical3A_221 = arith.shrui %bitcast3A_215, %shift_right_logical3A_220 : vector<16xi32>
      %gather3A_222 = tpu.vector_load_idx %arg5[%and3A_218] : memref<32768xi32, #tpu.memory_space<vmem>>[vector<16xi32>], vector<16xi32>,
      %shift_right_logical3A_223 = arith.shrui %gather3A_222, %shift_right_logical3A_221 : vector<16xi32>
      %and3A_224 = arith.constant 1 : i32
      %and3A_225 = vector.broadcast %and3A_224 : i32 to vector<16xi32>
      %and3A_226 = arith.andi %shift_right_logical3A_223, %and3A_225 : vector<16xi32>
      %xor3A_227 = arith.constant 1 : i32
      %xor3A_228 = vector.broadcast %xor3A_227 : i32 to vector<16xi32>
      %xor3A_229 = arith.xori %and3A_226, %xor3A_228 : vector<16xi32>
      %bitcast3A_230 = vector.bitcast %xor3A_229 : vector<16xi32> to vector<16xi32>
      %swap3A_231 = arith.index_cast %add3A_212 : i32 to index
      %swap3A_232 = tpu.vector_load %arg9[%swap3A_231] {strides = array<i32>} : memref<6400xi32, #tpu.memory_space<vmem>>, vector<16xi32>,
      tpu.vector_store %arg9[%swap3A_231], %bitcast3A_230 {strides = array<i32>} : memref<6400xi32, #tpu.memory_space<vmem>>, vector<16xi32>,
      %add3A_233 = arith.constant 64 : i32
      %add3A_234 = arith.addi %scan3A_151, %add3A_233 : i32
      scf.yield %add3A_234 : i32
    }
    %scan3A_69 = arith.constant 100 : i32
    %add3A_70 = arith.constant 19200 : i32
    %add3A_71 = arith.addi %mul3A_2, %add3A_70 : i32
    %dma_start3A_72 = tpu.memref_slice %arg4[%add3A_71] : memref<1638400xi32, #tpu.memory_space<hbm>> -> memref<6400xi32, #tpu.memory_space<hbm>>
    %dma_start3A_73 = tpu.memref_slice %arg4[%add3A_71] : memref<1638400xi32, #tpu.memory_space<hbm>> -> memref<6400xi32, #tpu.memory_space<hbm>>
    tpu.enqueue_dma source(%arg9 : memref<6400xi32, #tpu.memory_space<vmem>>) target(%dma_start3A_73 : memref<6400xi32, #tpu.memory_space<hbm>>) target_semaphore(%arg14 : memref<!tpu.dma_semaphore, #tpu.memory_space<semaphore_mem>>)
    %add3A_74 = arith.constant 32000 : i32
    %add3A_75 = arith.addi %mul3A_2, %add3A_74 : i32
    %dma_start3A_76 = tpu.memref_slice %arg3[%add3A_75] : memref<1638400xi32, #tpu.memory_space<hbm>> -> memref<6400xi32, #tpu.memory_space<hbm>>
    %dma_start3A_77 = tpu.memref_slice %arg3[%add3A_75] : memref<1638400xi32, #tpu.memory_space<hbm>> -> memref<6400xi32, #tpu.memory_space<hbm>>
    tpu.enqueue_dma source(%dma_start3A_77 : memref<6400xi32, #tpu.memory_space<hbm>>) target(%arg7 : memref<6400xi32, #tpu.memory_space<vmem>>) target_semaphore(%arg12 : memref<!tpu.dma_semaphore, #tpu.memory_space<semaphore_mem>>)
    %dma_wait3A_78 = tpu.memref_slice %arg3[%add3A_56] : memref<1638400xi32, #tpu.memory_space<hbm>> -> memref<6400xi32, #tpu.memory_space<hbm>>
    %dma_wait3A_79 = tpu.memref_slice %arg3[%add3A_56] : memref<1638400xi32, #tpu.memory_space<hbm>> -> memref<6400xi32, #tpu.memory_space<hbm>>
    tpu.wait_dma2 semaphore(%arg11 : memref<!tpu.dma_semaphore, #tpu.memory_space<semaphore_mem>>) src(%dma_wait3A_79 : memref<6400xi32, #tpu.memory_space<hbm>>) dst(%arg6 : memref<6400xi32, #tpu.memory_space<vmem>>)
    %dma_wait3A_80 = tpu.memref_slice %arg4[%add3A_52] : memref<1638400xi32, #tpu.memory_space<hbm>> -> memref<6400xi32, #tpu.memory_space<hbm>>
    %dma_wait3A_81 = tpu.memref_slice %arg4[%add3A_52] : memref<1638400xi32, #tpu.memory_space<hbm>> -> memref<6400xi32, #tpu.memory_space<hbm>>
    tpu.wait_dma2 semaphore(%arg13 : memref<!tpu.dma_semaphore, #tpu.memory_space<semaphore_mem>>) src(%arg8 : memref<6400xi32, #tpu.memory_space<vmem>>) dst(%dma_wait3A_81 : memref<6400xi32, #tpu.memory_space<hbm>>)
    %scan3A_82 = arith.constant 0 : i32
    %scan3A_83 = arith.constant 0 : i32
    %scan3A_84 = arith.constant 100 : i32
    %scan3A_85 = arith.addi %scan3A_83, %scan3A_84 : i32
    %scan3A_86 = arith.constant 1 : i32
    %scan3A_87 = scf.for %scan3A_150 = %scan3A_83 to %scan3A_85 step %scan3A_86 iter_args(%scan3A_151 = %scan3A_82) -> (i32)  : i32 {
      %add3A_152 = arith.constant 0 : i32
      %add3A_153 = arith.addi %scan3A_151, %add3A_152 : i32
      %get3A = arith.index_cast %add3A_153 : i32 to index
      %get3A_154 = tpu.vector_load %arg6[%get3A] {strides = array<i32>} : memref<6400xi32, #tpu.memory_space<vmem>>, vector<16xi32>,
      %bitcast3A = vector.bitcast %get3A_154 : vector<16xi32> to vector<16xi32>
      %and3A = arith.constant 32767 : i32
      %and3A_155 = vector.broadcast %and3A : i32 to vector<16xi32>
      %and3A_156 = arith.andi %bitcast3A, %and3A_155 : vector<16xi32>
      %shift_right_logical3A = arith.constant 15 : i32
      %shift_right_logical3A_157 = vector.broadcast %shift_right_logical3A : i32 to vector<16xi32>
      %shift_right_logical3A_158 = arith.shrui %bitcast3A, %shift_right_logical3A_157 : vector<16xi32>
      %gather3A = tpu.vector_load_idx %arg5[%and3A_156] : memref<32768xi32, #tpu.memory_space<vmem>>[vector<16xi32>], vector<16xi32>,
      %shift_right_logical3A_159 = arith.shrui %gather3A, %shift_right_logical3A_158 : vector<16xi32>
      %and3A_160 = arith.constant 1 : i32
      %and3A_161 = vector.broadcast %and3A_160 : i32 to vector<16xi32>
      %and3A_162 = arith.andi %shift_right_logical3A_159, %and3A_161 : vector<16xi32>
      %xor3A = arith.constant 1 : i32
      %xor3A_163 = vector.broadcast %xor3A : i32 to vector<16xi32>
      %xor3A_164 = arith.xori %and3A_162, %xor3A_163 : vector<16xi32>
      %bitcast3A_165 = vector.bitcast %xor3A_164 : vector<16xi32> to vector<16xi32>
      %swap3A = arith.index_cast %add3A_153 : i32 to index
      %swap3A_166 = tpu.vector_load %arg8[%swap3A] {strides = array<i32>} : memref<6400xi32, #tpu.memory_space<vmem>>, vector<16xi32>,
      tpu.vector_store %arg8[%swap3A], %bitcast3A_165 {strides = array<i32>} : memref<6400xi32, #tpu.memory_space<vmem>>, vector<16xi32>,
      %add3A_167 = arith.constant 16 : i32
      %add3A_168 = arith.addi %scan3A_151, %add3A_167 : i32
      %get3A_169 = arith.index_cast %add3A_168 : i32 to index
      %get3A_170 = tpu.vector_load %arg6[%get3A_169] {strides = array<i32>} : memref<6400xi32, #tpu.memory_space<vmem>>, vector<16xi32>,
      %bitcast3A_171 = vector.bitcast %get3A_170 : vector<16xi32> to vector<16xi32>
      %and3A_172 = arith.constant 32767 : i32
      %and3A_173 = vector.broadcast %and3A_172 : i32 to vector<16xi32>
      %and3A_174 = arith.andi %bitcast3A_171, %and3A_173 : vector<16xi32>
      %shift_right_logical3A_175 = arith.constant 15 : i32
      %shift_right_logical3A_176 = vector.broadcast %shift_right_logical3A_175 : i32 to vector<16xi32>
      %shift_right_logical3A_177 = arith.shrui %bitcast3A_171, %shift_right_logical3A_176 : vector<16xi32>
      %gather3A_178 = tpu.vector_load_idx %arg5[%and3A_174] : memref<32768xi32, #tpu.memory_space<vmem>>[vector<16xi32>], vector<16xi32>,
      %shift_right_logical3A_179 = arith.shrui %gather3A_178, %shift_right_logical3A_177 : vector<16xi32>
      %and3A_180 = arith.constant 1 : i32
      %and3A_181 = vector.broadcast %and3A_180 : i32 to vector<16xi32>
      %and3A_182 = arith.andi %shift_right_logical3A_179, %and3A_181 : vector<16xi32>
      %xor3A_183 = arith.constant 1 : i32
      %xor3A_184 = vector.broadcast %xor3A_183 : i32 to vector<16xi32>
      %xor3A_185 = arith.xori %and3A_182, %xor3A_184 : vector<16xi32>
      %bitcast3A_186 = vector.bitcast %xor3A_185 : vector<16xi32> to vector<16xi32>
      %swap3A_187 = arith.index_cast %add3A_168 : i32 to index
      %swap3A_188 = tpu.vector_load %arg8[%swap3A_187] {strides = array<i32>} : memref<6400xi32, #tpu.memory_space<vmem>>, vector<16xi32>,
      tpu.vector_store %arg8[%swap3A_187], %bitcast3A_186 {strides = array<i32>} : memref<6400xi32, #tpu.memory_space<vmem>>, vector<16xi32>,
      %add3A_189 = arith.constant 32 : i32
      %add3A_190 = arith.addi %scan3A_151, %add3A_189 : i32
      %get3A_191 = arith.index_cast %add3A_190 : i32 to index
      %get3A_192 = tpu.vector_load %arg6[%get3A_191] {strides = array<i32>} : memref<6400xi32, #tpu.memory_space<vmem>>, vector<16xi32>,
      %bitcast3A_193 = vector.bitcast %get3A_192 : vector<16xi32> to vector<16xi32>
      %and3A_194 = arith.constant 32767 : i32
      %and3A_195 = vector.broadcast %and3A_194 : i32 to vector<16xi32>
      %and3A_196 = arith.andi %bitcast3A_193, %and3A_195 : vector<16xi32>
      %shift_right_logical3A_197 = arith.constant 15 : i32
      %shift_right_logical3A_198 = vector.broadcast %shift_right_logical3A_197 : i32 to vector<16xi32>
      %shift_right_logical3A_199 = arith.shrui %bitcast3A_193, %shift_right_logical3A_198 : vector<16xi32>
      %gather3A_200 = tpu.vector_load_idx %arg5[%and3A_196] : memref<32768xi32, #tpu.memory_space<vmem>>[vector<16xi32>], vector<16xi32>,
      %shift_right_logical3A_201 = arith.shrui %gather3A_200, %shift_right_logical3A_199 : vector<16xi32>
      %and3A_202 = arith.constant 1 : i32
      %and3A_203 = vector.broadcast %and3A_202 : i32 to vector<16xi32>
      %and3A_204 = arith.andi %shift_right_logical3A_201, %and3A_203 : vector<16xi32>
      %xor3A_205 = arith.constant 1 : i32
      %xor3A_206 = vector.broadcast %xor3A_205 : i32 to vector<16xi32>
      %xor3A_207 = arith.xori %and3A_204, %xor3A_206 : vector<16xi32>
      %bitcast3A_208 = vector.bitcast %xor3A_207 : vector<16xi32> to vector<16xi32>
      %swap3A_209 = arith.index_cast %add3A_190 : i32 to index
      %swap3A_210 = tpu.vector_load %arg8[%swap3A_209] {strides = array<i32>} : memref<6400xi32, #tpu.memory_space<vmem>>, vector<16xi32>,
      tpu.vector_store %arg8[%swap3A_209], %bitcast3A_208 {strides = array<i32>} : memref<6400xi32, #tpu.memory_space<vmem>>, vector<16xi32>,
      %add3A_211 = arith.constant 48 : i32
      %add3A_212 = arith.addi %scan3A_151, %add3A_211 : i32
      %get3A_213 = arith.index_cast %add3A_212 : i32 to index
      %get3A_214 = tpu.vector_load %arg6[%get3A_213] {strides = array<i32>} : memref<6400xi32, #tpu.memory_space<vmem>>, vector<16xi32>,
      %bitcast3A_215 = vector.bitcast %get3A_214 : vector<16xi32> to vector<16xi32>
      %and3A_216 = arith.constant 32767 : i32
      %and3A_217 = vector.broadcast %and3A_216 : i32 to vector<16xi32>
      %and3A_218 = arith.andi %bitcast3A_215, %and3A_217 : vector<16xi32>
      %shift_right_logical3A_219 = arith.constant 15 : i32
      %shift_right_logical3A_220 = vector.broadcast %shift_right_logical3A_219 : i32 to vector<16xi32>
      %shift_right_logical3A_221 = arith.shrui %bitcast3A_215, %shift_right_logical3A_220 : vector<16xi32>
      %gather3A_222 = tpu.vector_load_idx %arg5[%and3A_218] : memref<32768xi32, #tpu.memory_space<vmem>>[vector<16xi32>], vector<16xi32>,
      %shift_right_logical3A_223 = arith.shrui %gather3A_222, %shift_right_logical3A_221 : vector<16xi32>
      %and3A_224 = arith.constant 1 : i32
      %and3A_225 = vector.broadcast %and3A_224 : i32 to vector<16xi32>
      %and3A_226 = arith.andi %shift_right_logical3A_223, %and3A_225 : vector<16xi32>
      %xor3A_227 = arith.constant 1 : i32
      %xor3A_228 = vector.broadcast %xor3A_227 : i32 to vector<16xi32>
      %xor3A_229 = arith.xori %and3A_226, %xor3A_228 : vector<16xi32>
      %bitcast3A_230 = vector.bitcast %xor3A_229 : vector<16xi32> to vector<16xi32>
      %swap3A_231 = arith.index_cast %add3A_212 : i32 to index
      %swap3A_232 = tpu.vector_load %arg8[%swap3A_231] {strides = array<i32>} : memref<6400xi32, #tpu.memory_space<vmem>>, vector<16xi32>,
      tpu.vector_store %arg8[%swap3A_231], %bitcast3A_230 {strides = array<i32>} : memref<6400xi32, #tpu.memory_space<vmem>>, vector<16xi32>,
      %add3A_233 = arith.constant 64 : i32
      %add3A_234 = arith.addi %scan3A_151, %add3A_233 : i32
      scf.yield %add3A_234 : i32
    }
    %scan3A_88 = arith.constant 100 : i32
    %add3A_89 = arith.constant 25600 : i32
    %add3A_90 = arith.addi %mul3A_2, %add3A_89 : i32
    %dma_start3A_91 = tpu.memref_slice %arg4[%add3A_90] : memref<1638400xi32, #tpu.memory_space<hbm>> -> memref<6400xi32, #tpu.memory_space<hbm>>
    %dma_start3A_92 = tpu.memref_slice %arg4[%add3A_90] : memref<1638400xi32, #tpu.memory_space<hbm>> -> memref<6400xi32, #tpu.memory_space<hbm>>
    tpu.enqueue_dma source(%arg8 : memref<6400xi32, #tpu.memory_space<vmem>>) target(%dma_start3A_92 : memref<6400xi32, #tpu.memory_space<hbm>>) target_semaphore(%arg13 : memref<!tpu.dma_semaphore, #tpu.memory_space<semaphore_mem>>)
    %add3A_93 = arith.constant 38400 : i32
    %add3A_94 = arith.addi %mul3A_2, %add3A_93 : i32
    %dma_start3A_95 = tpu.memref_slice %arg3[%add3A_94] : memref<1638400xi32, #tpu.memory_space<hbm>> -> memref<6400xi32, #tpu.memory_space<hbm>>
    %dma_start3A_96 = tpu.memref_slice %arg3[%add3A_94] : memref<1638400xi32, #tpu.memory_space<hbm>> -> memref<6400xi32, #tpu.memory_space<hbm>>
    tpu.enqueue_dma source(%dma_start3A_96 : memref<6400xi32, #tpu.memory_space<hbm>>) target(%arg6 : memref<6400xi32, #tpu.memory_space<vmem>>) target_semaphore(%arg11 : memref<!tpu.dma_semaphore, #tpu.memory_space<semaphore_mem>>)
    %dma_wait3A_97 = tpu.memref_slice %arg3[%add3A_75] : memref<1638400xi32, #tpu.memory_space<hbm>> -> memref<6400xi32, #tpu.memory_space<hbm>>
    %dma_wait3A_98 = tpu.memref_slice %arg3[%add3A_75] : memref<1638400xi32, #tpu.memory_space<hbm>> -> memref<6400xi32, #tpu.memory_space<hbm>>
    tpu.wait_dma2 semaphore(%arg12 : memref<!tpu.dma_semaphore, #tpu.memory_space<semaphore_mem>>) src(%dma_wait3A_98 : memref<6400xi32, #tpu.memory_space<hbm>>) dst(%arg7 : memref<6400xi32, #tpu.memory_space<vmem>>)
    %dma_wait3A_99 = tpu.memref_slice %arg4[%add3A_71] : memref<1638400xi32, #tpu.memory_space<hbm>> -> memref<6400xi32, #tpu.memory_space<hbm>>
    %dma_wait3A_100 = tpu.memref_slice %arg4[%add3A_71] : memref<1638400xi32, #tpu.memory_space<hbm>> -> memref<6400xi32, #tpu.memory_space<hbm>>
    tpu.wait_dma2 semaphore(%arg14 : memref<!tpu.dma_semaphore, #tpu.memory_space<semaphore_mem>>) src(%arg9 : memref<6400xi32, #tpu.memory_space<vmem>>) dst(%dma_wait3A_100 : memref<6400xi32, #tpu.memory_space<hbm>>)
    %scan3A_101 = arith.constant 0 : i32
    %scan3A_102 = arith.constant 0 : i32
    %scan3A_103 = arith.constant 100 : i32
    %scan3A_104 = arith.addi %scan3A_102, %scan3A_103 : i32
    %scan3A_105 = arith.constant 1 : i32
    %scan3A_106 = scf.for %scan3A_150 = %scan3A_102 to %scan3A_104 step %scan3A_105 iter_args(%scan3A_151 = %scan3A_101) -> (i32)  : i32 {
      %add3A_152 = arith.constant 0 : i32
      %add3A_153 = arith.addi %scan3A_151, %add3A_152 : i32
      %get3A = arith.index_cast %add3A_153 : i32 to index
      %get3A_154 = tpu.vector_load %arg7[%get3A] {strides = array<i32>} : memref<6400xi32, #tpu.memory_space<vmem>>, vector<16xi32>,
      %bitcast3A = vector.bitcast %get3A_154 : vector<16xi32> to vector<16xi32>
      %and3A = arith.constant 32767 : i32
      %and3A_155 = vector.broadcast %and3A : i32 to vector<16xi32>
      %and3A_156 = arith.andi %bitcast3A, %and3A_155 : vector<16xi32>
      %shift_right_logical3A = arith.constant 15 : i32
      %shift_right_logical3A_157 = vector.broadcast %shift_right_logical3A : i32 to vector<16xi32>
      %shift_right_logical3A_158 = arith.shrui %bitcast3A, %shift_right_logical3A_157 : vector<16xi32>
      %gather3A = tpu.vector_load_idx %arg5[%and3A_156] : memref<32768xi32, #tpu.memory_space<vmem>>[vector<16xi32>], vector<16xi32>,
      %shift_right_logical3A_159 = arith.shrui %gather3A, %shift_right_logical3A_158 : vector<16xi32>
      %and3A_160 = arith.constant 1 : i32
      %and3A_161 = vector.broadcast %and3A_160 : i32 to vector<16xi32>
      %and3A_162 = arith.andi %shift_right_logical3A_159, %and3A_161 : vector<16xi32>
      %xor3A = arith.constant 1 : i32
      %xor3A_163 = vector.broadcast %xor3A : i32 to vector<16xi32>
      %xor3A_164 = arith.xori %and3A_162, %xor3A_163 : vector<16xi32>
      %bitcast3A_165 = vector.bitcast %xor3A_164 : vector<16xi32> to vector<16xi32>
      %swap3A = arith.index_cast %add3A_153 : i32 to index
      %swap3A_166 = tpu.vector_load %arg9[%swap3A] {strides = array<i32>} : memref<6400xi32, #tpu.memory_space<vmem>>, vector<16xi32>,
      tpu.vector_store %arg9[%swap3A], %bitcast3A_165 {strides = array<i32>} : memref<6400xi32, #tpu.memory_space<vmem>>, vector<16xi32>,
      %add3A_167 = arith.constant 16 : i32
      %add3A_168 = arith.addi %scan3A_151, %add3A_167 : i32
      %get3A_169 = arith.index_cast %add3A_168 : i32 to index
      %get3A_170 = tpu.vector_load %arg7[%get3A_169] {strides = array<i32>} : memref<6400xi32, #tpu.memory_space<vmem>>, vector<16xi32>,
      %bitcast3A_171 = vector.bitcast %get3A_170 : vector<16xi32> to vector<16xi32>
      %and3A_172 = arith.constant 32767 : i32
      %and3A_173 = vector.broadcast %and3A_172 : i32 to vector<16xi32>
      %and3A_174 = arith.andi %bitcast3A_171, %and3A_173 : vector<16xi32>
      %shift_right_logical3A_175 = arith.constant 15 : i32
      %shift_right_logical3A_176 = vector.broadcast %shift_right_logical3A_175 : i32 to vector<16xi32>
      %shift_right_logical3A_177 = arith.shrui %bitcast3A_171, %shift_right_logical3A_176 : vector<16xi32>
      %gather3A_178 = tpu.vector_load_idx %arg5[%and3A_174] : memref<32768xi32, #tpu.memory_space<vmem>>[vector<16xi32>], vector<16xi32>,
      %shift_right_logical3A_179 = arith.shrui %gather3A_178, %shift_right_logical3A_177 : vector<16xi32>
      %and3A_180 = arith.constant 1 : i32
      %and3A_181 = vector.broadcast %and3A_180 : i32 to vector<16xi32>
      %and3A_182 = arith.andi %shift_right_logical3A_179, %and3A_181 : vector<16xi32>
      %xor3A_183 = arith.constant 1 : i32
      %xor3A_184 = vector.broadcast %xor3A_183 : i32 to vector<16xi32>
      %xor3A_185 = arith.xori %and3A_182, %xor3A_184 : vector<16xi32>
      %bitcast3A_186 = vector.bitcast %xor3A_185 : vector<16xi32> to vector<16xi32>
      %swap3A_187 = arith.index_cast %add3A_168 : i32 to index
      %swap3A_188 = tpu.vector_load %arg9[%swap3A_187] {strides = array<i32>} : memref<6400xi32, #tpu.memory_space<vmem>>, vector<16xi32>,
      tpu.vector_store %arg9[%swap3A_187], %bitcast3A_186 {strides = array<i32>} : memref<6400xi32, #tpu.memory_space<vmem>>, vector<16xi32>,
      %add3A_189 = arith.constant 32 : i32
      %add3A_190 = arith.addi %scan3A_151, %add3A_189 : i32
      %get3A_191 = arith.index_cast %add3A_190 : i32 to index
      %get3A_192 = tpu.vector_load %arg7[%get3A_191] {strides = array<i32>} : memref<6400xi32, #tpu.memory_space<vmem>>, vector<16xi32>,
      %bitcast3A_193 = vector.bitcast %get3A_192 : vector<16xi32> to vector<16xi32>
      %and3A_194 = arith.constant 32767 : i32
      %and3A_195 = vector.broadcast %and3A_194 : i32 to vector<16xi32>
      %and3A_196 = arith.andi %bitcast3A_193, %and3A_195 : vector<16xi32>
      %shift_right_logical3A_197 = arith.constant 15 : i32
      %shift_right_logical3A_198 = vector.broadcast %shift_right_logical3A_197 : i32 to vector<16xi32>
      %shift_right_logical3A_199 = arith.shrui %bitcast3A_193, %shift_right_logical3A_198 : vector<16xi32>
      %gather3A_200 = tpu.vector_load_idx %arg5[%and3A_196] : memref<32768xi32, #tpu.memory_space<vmem>>[vector<16xi32>], vector<16xi32>,
      %shift_right_logical3A_201 = arith.shrui %gather3A_200, %shift_right_logical3A_199 : vector<16xi32>
      %and3A_202 = arith.constant 1 : i32
      %and3A_203 = vector.broadcast %and3A_202 : i32 to vector<16xi32>
      %and3A_204 = arith.andi %shift_right_logical3A_201, %and3A_203 : vector<16xi32>
      %xor3A_205 = arith.constant 1 : i32
      %xor3A_206 = vector.broadcast %xor3A_205 : i32 to vector<16xi32>
      %xor3A_207 = arith.xori %and3A_204, %xor3A_206 : vector<16xi32>
      %bitcast3A_208 = vector.bitcast %xor3A_207 : vector<16xi32> to vector<16xi32>
      %swap3A_209 = arith.index_cast %add3A_190 : i32 to index
      %swap3A_210 = tpu.vector_load %arg9[%swap3A_209] {strides = array<i32>} : memref<6400xi32, #tpu.memory_space<vmem>>, vector<16xi32>,
      tpu.vector_store %arg9[%swap3A_209], %bitcast3A_208 {strides = array<i32>} : memref<6400xi32, #tpu.memory_space<vmem>>, vector<16xi32>,
      %add3A_211 = arith.constant 48 : i32
      %add3A_212 = arith.addi %scan3A_151, %add3A_211 : i32
      %get3A_213 = arith.index_cast %add3A_212 : i32 to index
      %get3A_214 = tpu.vector_load %arg7[%get3A_213] {strides = array<i32>} : memref<6400xi32, #tpu.memory_space<vmem>>, vector<16xi32>,
      %bitcast3A_215 = vector.bitcast %get3A_214 : vector<16xi32> to vector<16xi32>
      %and3A_216 = arith.constant 32767 : i32
      %and3A_217 = vector.broadcast %and3A_216 : i32 to vector<16xi32>
      %and3A_218 = arith.andi %bitcast3A_215, %and3A_217 : vector<16xi32>
      %shift_right_logical3A_219 = arith.constant 15 : i32
      %shift_right_logical3A_220 = vector.broadcast %shift_right_logical3A_219 : i32 to vector<16xi32>
      %shift_right_logical3A_221 = arith.shrui %bitcast3A_215, %shift_right_logical3A_220 : vector<16xi32>
      %gather3A_222 = tpu.vector_load_idx %arg5[%and3A_218] : memref<32768xi32, #tpu.memory_space<vmem>>[vector<16xi32>], vector<16xi32>,
      %shift_right_logical3A_223 = arith.shrui %gather3A_222, %shift_right_logical3A_221 : vector<16xi32>
      %and3A_224 = arith.constant 1 : i32
      %and3A_225 = vector.broadcast %and3A_224 : i32 to vector<16xi32>
      %and3A_226 = arith.andi %shift_right_logical3A_223, %and3A_225 : vector<16xi32>
      %xor3A_227 = arith.constant 1 : i32
      %xor3A_228 = vector.broadcast %xor3A_227 : i32 to vector<16xi32>
      %xor3A_229 = arith.xori %and3A_226, %xor3A_228 : vector<16xi32>
      %bitcast3A_230 = vector.bitcast %xor3A_229 : vector<16xi32> to vector<16xi32>
      %swap3A_231 = arith.index_cast %add3A_212 : i32 to index
      %swap3A_232 = tpu.vector_load %arg9[%swap3A_231] {strides = array<i32>} : memref<6400xi32, #tpu.memory_space<vmem>>, vector<16xi32>,
      tpu.vector_store %arg9[%swap3A_231], %bitcast3A_230 {strides = array<i32>} : memref<6400xi32, #tpu.memory_space<vmem>>, vector<16xi32>,
      %add3A_233 = arith.constant 64 : i32
      %add3A_234 = arith.addi %scan3A_151, %add3A_233 : i32
      scf.yield %add3A_234 : i32
    }
    %scan3A_107 = arith.constant 100 : i32
    %add3A_108 = arith.constant 32000 : i32
    %add3A_109 = arith.addi %mul3A_2, %add3A_108 : i32
    %dma_start3A_110 = tpu.memref_slice %arg4[%add3A_109] : memref<1638400xi32, #tpu.memory_space<hbm>> -> memref<6400xi32, #tpu.memory_space<hbm>>
    %dma_start3A_111 = tpu.memref_slice %arg4[%add3A_109] : memref<1638400xi32, #tpu.memory_space<hbm>> -> memref<6400xi32, #tpu.memory_space<hbm>>
    tpu.enqueue_dma source(%arg9 : memref<6400xi32, #tpu.memory_space<vmem>>) target(%dma_start3A_111 : memref<6400xi32, #tpu.memory_space<hbm>>) target_semaphore(%arg14 : memref<!tpu.dma_semaphore, #tpu.memory_space<semaphore_mem>>)
    %add3A_112 = arith.constant 44800 : i32
    %add3A_113 = arith.addi %mul3A_2, %add3A_112 : i32
    %dma_start3A_114 = tpu.memref_slice %arg3[%add3A_113] : memref<1638400xi32, #tpu.memory_space<hbm>> -> memref<6400xi32, #tpu.memory_space<hbm>>
    %dma_start3A_115 = tpu.memref_slice %arg3[%add3A_113] : memref<1638400xi32, #tpu.memory_space<hbm>> -> memref<6400xi32, #tpu.memory_space<hbm>>
    tpu.enqueue_dma source(%dma_start3A_115 : memref<6400xi32, #tpu.memory_space<hbm>>) target(%arg7 : memref<6400xi32, #tpu.memory_space<vmem>>) target_semaphore(%arg12 : memref<!tpu.dma_semaphore, #tpu.memory_space<semaphore_mem>>)
    %dma_wait3A_116 = tpu.memref_slice %arg3[%add3A_94] : memref<1638400xi32, #tpu.memory_space<hbm>> -> memref<6400xi32, #tpu.memory_space<hbm>>
    %dma_wait3A_117 = tpu.memref_slice %arg3[%add3A_94] : memref<1638400xi32, #tpu.memory_space<hbm>> -> memref<6400xi32, #tpu.memory_space<hbm>>
    tpu.wait_dma2 semaphore(%arg11 : memref<!tpu.dma_semaphore, #tpu.memory_space<semaphore_mem>>) src(%dma_wait3A_117 : memref<6400xi32, #tpu.memory_space<hbm>>) dst(%arg6 : memref<6400xi32, #tpu.memory_space<vmem>>)
    %dma_wait3A_118 = tpu.memref_slice %arg4[%add3A_90] : memref<1638400xi32, #tpu.memory_space<hbm>> -> memref<6400xi32, #tpu.memory_space<hbm>>
    %dma_wait3A_119 = tpu.memref_slice %arg4[%add3A_90] : memref<1638400xi32, #tpu.memory_space<hbm>> -> memref<6400xi32, #tpu.memory_space<hbm>>
    tpu.wait_dma2 semaphore(%arg13 : memref<!tpu.dma_semaphore, #tpu.memory_space<semaphore_mem>>) src(%arg8 : memref<6400xi32, #tpu.memory_space<vmem>>) dst(%dma_wait3A_119 : memref<6400xi32, #tpu.memory_space<hbm>>)
    %scan3A_120 = arith.constant 0 : i32
    %scan3A_121 = arith.constant 0 : i32
    %scan3A_122 = arith.constant 100 : i32
    %scan3A_123 = arith.addi %scan3A_121, %scan3A_122 : i32
    %scan3A_124 = arith.constant 1 : i32
    %scan3A_125 = scf.for %scan3A_150 = %scan3A_121 to %scan3A_123 step %scan3A_124 iter_args(%scan3A_151 = %scan3A_120) -> (i32)  : i32 {
      %add3A_152 = arith.constant 0 : i32
      %add3A_153 = arith.addi %scan3A_151, %add3A_152 : i32
      %get3A = arith.index_cast %add3A_153 : i32 to index
      %get3A_154 = tpu.vector_load %arg6[%get3A] {strides = array<i32>} : memref<6400xi32, #tpu.memory_space<vmem>>, vector<16xi32>,
      %bitcast3A = vector.bitcast %get3A_154 : vector<16xi32> to vector<16xi32>
      %and3A = arith.constant 32767 : i32
      %and3A_155 = vector.broadcast %and3A : i32 to vector<16xi32>
      %and3A_156 = arith.andi %bitcast3A, %and3A_155 : vector<16xi32>
      %shift_right_logical3A = arith.constant 15 : i32
      %shift_right_logical3A_157 = vector.broadcast %shift_right_logical3A : i32 to vector<16xi32>
      %shift_right_logical3A_158 = arith.shrui %bitcast3A, %shift_right_logical3A_157 : vector<16xi32>
      %gather3A = tpu.vector_load_idx %arg5[%and3A_156] : memref<32768xi32, #tpu.memory_space<vmem>>[vector<16xi32>], vector<16xi32>,
      %shift_right_logical3A_159 = arith.shrui %gather3A, %shift_right_logical3A_158 : vector<16xi32>
      %and3A_160 = arith.constant 1 : i32
      %and3A_161 = vector.broadcast %and3A_160 : i32 to vector<16xi32>
      %and3A_162 = arith.andi %shift_right_logical3A_159, %and3A_161 : vector<16xi32>
      %xor3A = arith.constant 1 : i32
      %xor3A_163 = vector.broadcast %xor3A : i32 to vector<16xi32>
      %xor3A_164 = arith.xori %and3A_162, %xor3A_163 : vector<16xi32>
      %bitcast3A_165 = vector.bitcast %xor3A_164 : vector<16xi32> to vector<16xi32>
      %swap3A = arith.index_cast %add3A_153 : i32 to index
      %swap3A_166 = tpu.vector_load %arg8[%swap3A] {strides = array<i32>} : memref<6400xi32, #tpu.memory_space<vmem>>, vector<16xi32>,
      tpu.vector_store %arg8[%swap3A], %bitcast3A_165 {strides = array<i32>} : memref<6400xi32, #tpu.memory_space<vmem>>, vector<16xi32>,
      %add3A_167 = arith.constant 16 : i32
      %add3A_168 = arith.addi %scan3A_151, %add3A_167 : i32
      %get3A_169 = arith.index_cast %add3A_168 : i32 to index
      %get3A_170 = tpu.vector_load %arg6[%get3A_169] {strides = array<i32>} : memref<6400xi32, #tpu.memory_space<vmem>>, vector<16xi32>,
      %bitcast3A_171 = vector.bitcast %get3A_170 : vector<16xi32> to vector<16xi32>
      %and3A_172 = arith.constant 32767 : i32
      %and3A_173 = vector.broadcast %and3A_172 : i32 to vector<16xi32>
      %and3A_174 = arith.andi %bitcast3A_171, %and3A_173 : vector<16xi32>
      %shift_right_logical3A_175 = arith.constant 15 : i32
      %shift_right_logical3A_176 = vector.broadcast %shift_right_logical3A_175 : i32 to vector<16xi32>
      %shift_right_logical3A_177 = arith.shrui %bitcast3A_171, %shift_right_logical3A_176 : vector<16xi32>
      %gather3A_178 = tpu.vector_load_idx %arg5[%and3A_174] : memref<32768xi32, #tpu.memory_space<vmem>>[vector<16xi32>], vector<16xi32>,
      %shift_right_logical3A_179 = arith.shrui %gather3A_178, %shift_right_logical3A_177 : vector<16xi32>
      %and3A_180 = arith.constant 1 : i32
      %and3A_181 = vector.broadcast %and3A_180 : i32 to vector<16xi32>
      %and3A_182 = arith.andi %shift_right_logical3A_179, %and3A_181 : vector<16xi32>
      %xor3A_183 = arith.constant 1 : i32
      %xor3A_184 = vector.broadcast %xor3A_183 : i32 to vector<16xi32>
      %xor3A_185 = arith.xori %and3A_182, %xor3A_184 : vector<16xi32>
      %bitcast3A_186 = vector.bitcast %xor3A_185 : vector<16xi32> to vector<16xi32>
      %swap3A_187 = arith.index_cast %add3A_168 : i32 to index
      %swap3A_188 = tpu.vector_load %arg8[%swap3A_187] {strides = array<i32>} : memref<6400xi32, #tpu.memory_space<vmem>>, vector<16xi32>,
      tpu.vector_store %arg8[%swap3A_187], %bitcast3A_186 {strides = array<i32>} : memref<6400xi32, #tpu.memory_space<vmem>>, vector<16xi32>,
      %add3A_189 = arith.constant 32 : i32
      %add3A_190 = arith.addi %scan3A_151, %add3A_189 : i32
      %get3A_191 = arith.index_cast %add3A_190 : i32 to index
      %get3A_192 = tpu.vector_load %arg6[%get3A_191] {strides = array<i32>} : memref<6400xi32, #tpu.memory_space<vmem>>, vector<16xi32>,
      %bitcast3A_193 = vector.bitcast %get3A_192 : vector<16xi32> to vector<16xi32>
      %and3A_194 = arith.constant 32767 : i32
      %and3A_195 = vector.broadcast %and3A_194 : i32 to vector<16xi32>
      %and3A_196 = arith.andi %bitcast3A_193, %and3A_195 : vector<16xi32>
      %shift_right_logical3A_197 = arith.constant 15 : i32
      %shift_right_logical3A_198 = vector.broadcast %shift_right_logical3A_197 : i32 to vector<16xi32>
      %shift_right_logical3A_199 = arith.shrui %bitcast3A_193, %shift_right_logical3A_198 : vector<16xi32>
      %gather3A_200 = tpu.vector_load_idx %arg5[%and3A_196] : memref<32768xi32, #tpu.memory_space<vmem>>[vector<16xi32>], vector<16xi32>,
      %shift_right_logical3A_201 = arith.shrui %gather3A_200, %shift_right_logical3A_199 : vector<16xi32>
      %and3A_202 = arith.constant 1 : i32
      %and3A_203 = vector.broadcast %and3A_202 : i32 to vector<16xi32>
      %and3A_204 = arith.andi %shift_right_logical3A_201, %and3A_203 : vector<16xi32>
      %xor3A_205 = arith.constant 1 : i32
      %xor3A_206 = vector.broadcast %xor3A_205 : i32 to vector<16xi32>
      %xor3A_207 = arith.xori %and3A_204, %xor3A_206 : vector<16xi32>
      %bitcast3A_208 = vector.bitcast %xor3A_207 : vector<16xi32> to vector<16xi32>
      %swap3A_209 = arith.index_cast %add3A_190 : i32 to index
      %swap3A_210 = tpu.vector_load %arg8[%swap3A_209] {strides = array<i32>} : memref<6400xi32, #tpu.memory_space<vmem>>, vector<16xi32>,
      tpu.vector_store %arg8[%swap3A_209], %bitcast3A_208 {strides = array<i32>} : memref<6400xi32, #tpu.memory_space<vmem>>, vector<16xi32>,
      %add3A_211 = arith.constant 48 : i32
      %add3A_212 = arith.addi %scan3A_151, %add3A_211 : i32
      %get3A_213 = arith.index_cast %add3A_212 : i32 to index
      %get3A_214 = tpu.vector_load %arg6[%get3A_213] {strides = array<i32>} : memref<6400xi32, #tpu.memory_space<vmem>>, vector<16xi32>,
      %bitcast3A_215 = vector.bitcast %get3A_214 : vector<16xi32> to vector<16xi32>
      %and3A_216 = arith.constant 32767 : i32
      %and3A_217 = vector.broadcast %and3A_216 : i32 to vector<16xi32>
      %and3A_218 = arith.andi %bitcast3A_215, %and3A_217 : vector<16xi32>
      %shift_right_logical3A_219 = arith.constant 15 : i32
      %shift_right_logical3A_220 = vector.broadcast %shift_right_logical3A_219 : i32 to vector<16xi32>
      %shift_right_logical3A_221 = arith.shrui %bitcast3A_215, %shift_right_logical3A_220 : vector<16xi32>
      %gather3A_222 = tpu.vector_load_idx %arg5[%and3A_218] : memref<32768xi32, #tpu.memory_space<vmem>>[vector<16xi32>], vector<16xi32>,
      %shift_right_logical3A_223 = arith.shrui %gather3A_222, %shift_right_logical3A_221 : vector<16xi32>
      %and3A_224 = arith.constant 1 : i32
      %and3A_225 = vector.broadcast %and3A_224 : i32 to vector<16xi32>
      %and3A_226 = arith.andi %shift_right_logical3A_223, %and3A_225 : vector<16xi32>
      %xor3A_227 = arith.constant 1 : i32
      %xor3A_228 = vector.broadcast %xor3A_227 : i32 to vector<16xi32>
      %xor3A_229 = arith.xori %and3A_226, %xor3A_228 : vector<16xi32>
      %bitcast3A_230 = vector.bitcast %xor3A_229 : vector<16xi32> to vector<16xi32>
      %swap3A_231 = arith.index_cast %add3A_212 : i32 to index
      %swap3A_232 = tpu.vector_load %arg8[%swap3A_231] {strides = array<i32>} : memref<6400xi32, #tpu.memory_space<vmem>>, vector<16xi32>,
      tpu.vector_store %arg8[%swap3A_231], %bitcast3A_230 {strides = array<i32>} : memref<6400xi32, #tpu.memory_space<vmem>>, vector<16xi32>,
      %add3A_233 = arith.constant 64 : i32
      %add3A_234 = arith.addi %scan3A_151, %add3A_233 : i32
      scf.yield %add3A_234 : i32
    }
    %scan3A_126 = arith.constant 100 : i32
    %add3A_127 = arith.constant 38400 : i32
    %add3A_128 = arith.addi %mul3A_2, %add3A_127 : i32
    %dma_start3A_129 = tpu.memref_slice %arg4[%add3A_128] : memref<1638400xi32, #tpu.memory_space<hbm>> -> memref<6400xi32, #tpu.memory_space<hbm>>
    %dma_start3A_130 = tpu.memref_slice %arg4[%add3A_128] : memref<1638400xi32, #tpu.memory_space<hbm>> -> memref<6400xi32, #tpu.memory_space<hbm>>
    tpu.enqueue_dma source(%arg8 : memref<6400xi32, #tpu.memory_space<vmem>>) target(%dma_start3A_130 : memref<6400xi32, #tpu.memory_space<hbm>>) target_semaphore(%arg13 : memref<!tpu.dma_semaphore, #tpu.memory_space<semaphore_mem>>)
    %dma_wait3A_131 = tpu.memref_slice %arg3[%add3A_113] : memref<1638400xi32, #tpu.memory_space<hbm>> -> memref<6400xi32, #tpu.memory_space<hbm>>
    %dma_wait3A_132 = tpu.memref_slice %arg3[%add3A_113] : memref<1638400xi32, #tpu.memory_space<hbm>> -> memref<6400xi32, #tpu.memory_space<hbm>>
    tpu.wait_dma2 semaphore(%arg12 : memref<!tpu.dma_semaphore, #tpu.memory_space<semaphore_mem>>) src(%dma_wait3A_132 : memref<6400xi32, #tpu.memory_space<hbm>>) dst(%arg7 : memref<6400xi32, #tpu.memory_space<vmem>>)
    %dma_wait3A_133 = tpu.memref_slice %arg4[%add3A_109] : memref<1638400xi32, #tpu.memory_space<hbm>> -> memref<6400xi32, #tpu.memory_space<hbm>>
    %dma_wait3A_134 = tpu.memref_slice %arg4[%add3A_109] : memref<1638400xi32, #tpu.memory_space<hbm>> -> memref<6400xi32, #tpu.memory_space<hbm>>
    tpu.wait_dma2 semaphore(%arg14 : memref<!tpu.dma_semaphore, #tpu.memory_space<semaphore_mem>>) src(%arg9 : memref<6400xi32, #tpu.memory_space<vmem>>) dst(%dma_wait3A_134 : memref<6400xi32, #tpu.memory_space<hbm>>)
    %scan3A_135 = arith.constant 0 : i32
    %scan3A_136 = arith.constant 0 : i32
    %scan3A_137 = arith.constant 100 : i32
    %scan3A_138 = arith.addi %scan3A_136, %scan3A_137 : i32
    %scan3A_139 = arith.constant 1 : i32
    %scan3A_140 = scf.for %scan3A_150 = %scan3A_136 to %scan3A_138 step %scan3A_139 iter_args(%scan3A_151 = %scan3A_135) -> (i32)  : i32 {
      %add3A_152 = arith.constant 0 : i32
      %add3A_153 = arith.addi %scan3A_151, %add3A_152 : i32
      %get3A = arith.index_cast %add3A_153 : i32 to index
      %get3A_154 = tpu.vector_load %arg7[%get3A] {strides = array<i32>} : memref<6400xi32, #tpu.memory_space<vmem>>, vector<16xi32>,
      %bitcast3A = vector.bitcast %get3A_154 : vector<16xi32> to vector<16xi32>
      %and3A = arith.constant 32767 : i32
      %and3A_155 = vector.broadcast %and3A : i32 to vector<16xi32>
      %and3A_156 = arith.andi %bitcast3A, %and3A_155 : vector<16xi32>
      %shift_right_logical3A = arith.constant 15 : i32
      %shift_right_logical3A_157 = vector.broadcast %shift_right_logical3A : i32 to vector<16xi32>
      %shift_right_logical3A_158 = arith.shrui %bitcast3A, %shift_right_logical3A_157 : vector<16xi32>
      %gather3A = tpu.vector_load_idx %arg5[%and3A_156] : memref<32768xi32, #tpu.memory_space<vmem>>[vector<16xi32>], vector<16xi32>,
      %shift_right_logical3A_159 = arith.shrui %gather3A, %shift_right_logical3A_158 : vector<16xi32>
      %and3A_160 = arith.constant 1 : i32
      %and3A_161 = vector.broadcast %and3A_160 : i32 to vector<16xi32>
      %and3A_162 = arith.andi %shift_right_logical3A_159, %and3A_161 : vector<16xi32>
      %xor3A = arith.constant 1 : i32
      %xor3A_163 = vector.broadcast %xor3A : i32 to vector<16xi32>
      %xor3A_164 = arith.xori %and3A_162, %xor3A_163 : vector<16xi32>
      %bitcast3A_165 = vector.bitcast %xor3A_164 : vector<16xi32> to vector<16xi32>
      %swap3A = arith.index_cast %add3A_153 : i32 to index
      %swap3A_166 = tpu.vector_load %arg9[%swap3A] {strides = array<i32>} : memref<6400xi32, #tpu.memory_space<vmem>>, vector<16xi32>,
      tpu.vector_store %arg9[%swap3A], %bitcast3A_165 {strides = array<i32>} : memref<6400xi32, #tpu.memory_space<vmem>>, vector<16xi32>,
      %add3A_167 = arith.constant 16 : i32
      %add3A_168 = arith.addi %scan3A_151, %add3A_167 : i32
      %get3A_169 = arith.index_cast %add3A_168 : i32 to index
      %get3A_170 = tpu.vector_load %arg7[%get3A_169] {strides = array<i32>} : memref<6400xi32, #tpu.memory_space<vmem>>, vector<16xi32>,
      %bitcast3A_171 = vector.bitcast %get3A_170 : vector<16xi32> to vector<16xi32>
      %and3A_172 = arith.constant 32767 : i32
      %and3A_173 = vector.broadcast %and3A_172 : i32 to vector<16xi32>
      %and3A_174 = arith.andi %bitcast3A_171, %and3A_173 : vector<16xi32>
      %shift_right_logical3A_175 = arith.constant 15 : i32
      %shift_right_logical3A_176 = vector.broadcast %shift_right_logical3A_175 : i32 to vector<16xi32>
      %shift_right_logical3A_177 = arith.shrui %bitcast3A_171, %shift_right_logical3A_176 : vector<16xi32>
      %gather3A_178 = tpu.vector_load_idx %arg5[%and3A_174] : memref<32768xi32, #tpu.memory_space<vmem>>[vector<16xi32>], vector<16xi32>,
      %shift_right_logical3A_179 = arith.shrui %gather3A_178, %shift_right_logical3A_177 : vector<16xi32>
      %and3A_180 = arith.constant 1 : i32
      %and3A_181 = vector.broadcast %and3A_180 : i32 to vector<16xi32>
      %and3A_182 = arith.andi %shift_right_logical3A_179, %and3A_181 : vector<16xi32>
      %xor3A_183 = arith.constant 1 : i32
      %xor3A_184 = vector.broadcast %xor3A_183 : i32 to vector<16xi32>
      %xor3A_185 = arith.xori %and3A_182, %xor3A_184 : vector<16xi32>
      %bitcast3A_186 = vector.bitcast %xor3A_185 : vector<16xi32> to vector<16xi32>
      %swap3A_187 = arith.index_cast %add3A_168 : i32 to index
      %swap3A_188 = tpu.vector_load %arg9[%swap3A_187] {strides = array<i32>} : memref<6400xi32, #tpu.memory_space<vmem>>, vector<16xi32>,
      tpu.vector_store %arg9[%swap3A_187], %bitcast3A_186 {strides = array<i32>} : memref<6400xi32, #tpu.memory_space<vmem>>, vector<16xi32>,
      %add3A_189 = arith.constant 32 : i32
      %add3A_190 = arith.addi %scan3A_151, %add3A_189 : i32
      %get3A_191 = arith.index_cast %add3A_190 : i32 to index
      %get3A_192 = tpu.vector_load %arg7[%get3A_191] {strides = array<i32>} : memref<6400xi32, #tpu.memory_space<vmem>>, vector<16xi32>,
      %bitcast3A_193 = vector.bitcast %get3A_192 : vector<16xi32> to vector<16xi32>
      %and3A_194 = arith.constant 32767 : i32
      %and3A_195 = vector.broadcast %and3A_194 : i32 to vector<16xi32>
      %and3A_196 = arith.andi %bitcast3A_193, %and3A_195 : vector<16xi32>
      %shift_right_logical3A_197 = arith.constant 15 : i32
      %shift_right_logical3A_198 = vector.broadcast %shift_right_logical3A_197 : i32 to vector<16xi32>
      %shift_right_logical3A_199 = arith.shrui %bitcast3A_193, %shift_right_logical3A_198 : vector<16xi32>
      %gather3A_200 = tpu.vector_load_idx %arg5[%and3A_196] : memref<32768xi32, #tpu.memory_space<vmem>>[vector<16xi32>], vector<16xi32>,
      %shift_right_logical3A_201 = arith.shrui %gather3A_200, %shift_right_logical3A_199 : vector<16xi32>
      %and3A_202 = arith.constant 1 : i32
      %and3A_203 = vector.broadcast %and3A_202 : i32 to vector<16xi32>
      %and3A_204 = arith.andi %shift_right_logical3A_201, %and3A_203 : vector<16xi32>
      %xor3A_205 = arith.constant 1 : i32
      %xor3A_206 = vector.broadcast %xor3A_205 : i32 to vector<16xi32>
      %xor3A_207 = arith.xori %and3A_204, %xor3A_206 : vector<16xi32>
      %bitcast3A_208 = vector.bitcast %xor3A_207 : vector<16xi32> to vector<16xi32>
      %swap3A_209 = arith.index_cast %add3A_190 : i32 to index
      %swap3A_210 = tpu.vector_load %arg9[%swap3A_209] {strides = array<i32>} : memref<6400xi32, #tpu.memory_space<vmem>>, vector<16xi32>,
      tpu.vector_store %arg9[%swap3A_209], %bitcast3A_208 {strides = array<i32>} : memref<6400xi32, #tpu.memory_space<vmem>>, vector<16xi32>,
      %add3A_211 = arith.constant 48 : i32
      %add3A_212 = arith.addi %scan3A_151, %add3A_211 : i32
      %get3A_213 = arith.index_cast %add3A_212 : i32 to index
      %get3A_214 = tpu.vector_load %arg7[%get3A_213] {strides = array<i32>} : memref<6400xi32, #tpu.memory_space<vmem>>, vector<16xi32>,
      %bitcast3A_215 = vector.bitcast %get3A_214 : vector<16xi32> to vector<16xi32>
      %and3A_216 = arith.constant 32767 : i32
      %and3A_217 = vector.broadcast %and3A_216 : i32 to vector<16xi32>
      %and3A_218 = arith.andi %bitcast3A_215, %and3A_217 : vector<16xi32>
      %shift_right_logical3A_219 = arith.constant 15 : i32
      %shift_right_logical3A_220 = vector.broadcast %shift_right_logical3A_219 : i32 to vector<16xi32>
      %shift_right_logical3A_221 = arith.shrui %bitcast3A_215, %shift_right_logical3A_220 : vector<16xi32>
      %gather3A_222 = tpu.vector_load_idx %arg5[%and3A_218] : memref<32768xi32, #tpu.memory_space<vmem>>[vector<16xi32>], vector<16xi32>,
      %shift_right_logical3A_223 = arith.shrui %gather3A_222, %shift_right_logical3A_221 : vector<16xi32>
      %and3A_224 = arith.constant 1 : i32
      %and3A_225 = vector.broadcast %and3A_224 : i32 to vector<16xi32>
      %and3A_226 = arith.andi %shift_right_logical3A_223, %and3A_225 : vector<16xi32>
      %xor3A_227 = arith.constant 1 : i32
      %xor3A_228 = vector.broadcast %xor3A_227 : i32 to vector<16xi32>
      %xor3A_229 = arith.xori %and3A_226, %xor3A_228 : vector<16xi32>
      %bitcast3A_230 = vector.bitcast %xor3A_229 : vector<16xi32> to vector<16xi32>
      %swap3A_231 = arith.index_cast %add3A_212 : i32 to index
      %swap3A_232 = tpu.vector_load %arg9[%swap3A_231] {strides = array<i32>} : memref<6400xi32, #tpu.memory_space<vmem>>, vector<16xi32>,
      tpu.vector_store %arg9[%swap3A_231], %bitcast3A_230 {strides = array<i32>} : memref<6400xi32, #tpu.memory_space<vmem>>, vector<16xi32>,
      %add3A_233 = arith.constant 64 : i32
      %add3A_234 = arith.addi %scan3A_151, %add3A_233 : i32
      scf.yield %add3A_234 : i32
    }
    %scan3A_141 = arith.constant 100 : i32
    %add3A_142 = arith.constant 44800 : i32
    %add3A_143 = arith.addi %mul3A_2, %add3A_142 : i32
    %dma_start3A_144 = tpu.memref_slice %arg4[%add3A_143] : memref<1638400xi32, #tpu.memory_space<hbm>> -> memref<6400xi32, #tpu.memory_space<hbm>>
    %dma_start3A_145 = tpu.memref_slice %arg4[%add3A_143] : memref<1638400xi32, #tpu.memory_space<hbm>> -> memref<6400xi32, #tpu.memory_space<hbm>>
    tpu.enqueue_dma source(%arg9 : memref<6400xi32, #tpu.memory_space<vmem>>) target(%dma_start3A_145 : memref<6400xi32, #tpu.memory_space<hbm>>) target_semaphore(%arg14 : memref<!tpu.dma_semaphore, #tpu.memory_space<semaphore_mem>>)
    %dma_wait3A_146 = tpu.memref_slice %arg4[%add3A_128] : memref<1638400xi32, #tpu.memory_space<hbm>> -> memref<6400xi32, #tpu.memory_space<hbm>>
    %dma_wait3A_147 = tpu.memref_slice %arg4[%add3A_128] : memref<1638400xi32, #tpu.memory_space<hbm>> -> memref<6400xi32, #tpu.memory_space<hbm>>
    tpu.wait_dma2 semaphore(%arg13 : memref<!tpu.dma_semaphore, #tpu.memory_space<semaphore_mem>>) src(%arg8 : memref<6400xi32, #tpu.memory_space<vmem>>) dst(%dma_wait3A_147 : memref<6400xi32, #tpu.memory_space<hbm>>)
    %dma_wait3A_148 = tpu.memref_slice %arg4[%add3A_143] : memref<1638400xi32, #tpu.memory_space<hbm>> -> memref<6400xi32, #tpu.memory_space<hbm>>
    %dma_wait3A_149 = tpu.memref_slice %arg4[%add3A_143] : memref<1638400xi32, #tpu.memory_space<hbm>> -> memref<6400xi32, #tpu.memory_space<hbm>>
    tpu.wait_dma2 semaphore(%arg14 : memref<!tpu.dma_semaphore, #tpu.memory_space<semaphore_mem>>) src(%arg9 : memref<6400xi32, #tpu.memory_space<vmem>>) dst(%dma_wait3A_149 : memref<6400xi32, #tpu.memory_space<hbm>>)
    return
  }
}

</mosaic_0001>

<sc_bundles>
// kernel: kernel.4.cloned.1.call-start
scs
__scs_entry_jumppad:
0x0: {  	(pc) =	sbr.rel $0x88, $3  }
0x1: {  	(tag) =	ssettag $0x0;
	lr =	simm.s32 $0x1  }
0x2: {  	[smem:$0x3F9F] =	sst lr;
	_ =	strace $0xD0000000  }
0x3: {  	_ = 	snop  }
0x4: {  	_ = 	snop  }
0x5: {  	_ = 	snop  }
0x6: {  	_ = 	snop  }
0x7: {  	_ = 	snop  }
__scs_overlays_trampoline_lowered:
0x8: {  	[smem:$0x3FAE] =	sst s0  }
0x9: {  	[smem:$0x3FAF] =	sst s1  }
0xa: {  	[smem:$0x3FB0] =	sst s2  }
0xb: {  	[smem:$0x3FB1] =	sst s3  }
0xc: {  	[smem:$0x3FB2] =	sst s4  }
0xd: {  	[smem:$0x3FB3] =	sst s5  }
0xe: {  	[smem:$0x3FB4] =	sst s6  }
0xf: {  	[smem:$0x3FB5] =	sst s7  }
0x10: {  	[smem:$0x3FB6] =	sst s8  }
0x11: {  	[smem:$0x3FB7] =	sst s9;
	s0 =	simm.s32 @!p0 $0x0  }
0x12: {  	s1 =	sld [smem:$0x3F9D];
	s0 =	simm.s32 @p0 $0x1  }
0x13: {  	[smem:$0x3FB8] =	sst s0;
	s0 =	simm.s32 @!p1 $0x0  }
0x14: {  	s2 =	sld [smem:$0x3F9C];
	s0 =	simm.s32 @p1 $0x1  }
0x15: {  	[smem:$0x3FB9] =	sst s0;
	s0 =	simm.s32 @!p2 $0x0  }
0x16: {  	s3 =	sld [smem:$0x3FDB];
	s0 =	simm.s32 @p2 $0x1  }
0x17: {  	s4 =	simm.s32 $0x1BF5;
	[smem:$0x3FBB] =	sst s0  }
0x18: {  	s0 =	sld [smem:$0x3F9E];
	_ =	swait.ge [sflag:s4], $0x0  }
0x19: {  	s7 =	sld [smem:$0x3F9F]  }
0x1a: {  	s8 =	sadd.s32 $0xFFFFE003, lr  }
0x1b: {  	s9 =	sadd.s32 $0xFFFFFEF7, lr;
	s5 =	simm.s32 $0xFFFFFFFF;
	p2 =	slt.u32 s8, $0xFFFFF086  }
0x1c: {  	p1 =	slt.u32 s9, $0xF7A;
	s5 =	simm.s32 @!p2 $0x0  }
0x1d: {  	s5 =	simm.s32 @p1 $0x1;
	p0 =	seq.s32 s7, s2  }
0x1e: {  	s7 =	smul.u32 @!p0 $0xF7A, s2;
	p2 =	seq.s32 @!p0 s5, $0x0  }
0x1f: {  	s9 =	smul.u32 $0xF7A, s1;
	s8 =	simm.s32 @!p0 $0x1BF5;
	p2 =	por !p2, p0  }
0x20: {  	[sflag:s8] =	ssyncset.s32 @!p0 $0xFFFFF086;
	s6 =	sadd.s32 @!p0 s3, s7;
	s7 =	simm.s32 @!p0 $0x108  }
0x21: {  	s3 =	sadd.s32 s3, s9;
	s6 =	sadd.s32 @!p0 $0x88, s6;
	s7 =	simm.s32 @p2 $0x1082  }
0x22: {  	[simem:s7], [sflag:s8] =	dma.local @!p0 [hbm:s6], $0xF7A  }
0x23: {  	s9 =	sor.u32 $0xD0000000, s2;
	s6 =	simm.s32 $0x108;
	_ =	swait.ge @!p0 [sflag:s8], $0x0  }
0x24: {  	s3 =	sadd.s32 $0x88, s3;
	s6 =	simm.s32 @!p1 $0x1082;
	[sflag:s4] =	ssyncset.s32 $0xFFFFF086  }
0x25: {  	[simem:s6], [sflag:s4] =	dma.local [hbm:s3], $0xF7A  }
0x26: {  	[smem:$0x3F9F] =	sst s1;
	(tag) =	ssettag s2;
	_ =	strace s9  }
0x27: {  	s1 =	sld [smem:$0x3FAF]  }
0x28: {  	s2 =	sld [smem:$0x3FB0]  }
0x29: {  	s4 =	sld [smem:$0x3FB2]  }
0x2a: {  	p0 =	seq.s32 s5, $0x0;
	s5 =	sld [smem:$0x3FB3]  }
0x2b: {  	s6 =	sld [smem:$0x3FB4]  }
0x2c: {  	s7 =	sld [smem:$0x3FB5]  }
0x2d: {  	s3 =	simm.s32 $0x108;
	s8 =	sld [smem:$0x3FB6]  }
0x2e: {  	s3 =	simm.s32 @!p0 $0x1082;
	s9 =	sld [smem:$0x3FB7]  }
0x2f: {  	lr =	sadd.s32 s0, s3;
	s0 =	sld [smem:$0x3FAE]  }
0x30: {  	s3 =	sld [smem:$0x3FB1]  }
0x31: {  	[smem:$0x3FBA] =	sst s10  }
0x32: {  	s10 =	sld [smem:$0x3FB8];
	_ =	sdelay $0x3  }
0x33: {  	p0 =	seq.s32 s10, $0x1;
	s10 =	sld [smem:$0x3FBA];
	_ =	sdelay $0x3  }
0x34: {  	[smem:$0x3FBA] =	sst s10  }
0x35: {  	s10 =	sld [smem:$0x3FB9];
	_ =	sdelay $0x3  }
0x36: {  	p1 =	seq.s32 s10, $0x1;
	s10 =	sld [smem:$0x3FBA];
	_ =	sdelay $0x3  }
0x37: {  	[smem:$0x3FBA] =	sst s10  }
0x38: {  	s10 =	sld [smem:$0x3FBB]  }
0x39: {  	_ = 	snop;
	(pc) =	sbr.ind lr, $3  }
0x3a: {  	_ = 	snop  }
0x3b: {  	_ = 	snop  }
0x3c: {  	p2 =	seq.s32 s10, $0x1;
	s10 =	sld [smem:$0x3FBA]  }
0x3d: {  	_ =	shalt  }
0x3e: {  	_ =	shalt  }
0x3f: {  	_ =	shalt  }
0x40: {  	_ =	shalt  }
0x41: {  	_ =	shalt  }
0x42: {  	_ =	shalt  }
0x43: {  	_ =	shalt  }
0x44: {  	_ =	shalt  }
0x45: {  	_ =	shalt  }
0x46: {  	_ =	shalt  }
0x47: {  	_ =	shalt  }
0x48: {  	_ =	shalt  }
0x49: {  	_ =	shalt  }
0x4a: {  	_ =	shalt  }
0x4b: {  	_ =	shalt  }
0x4c: {  	_ =	shalt  }
0x4d: {  	_ =	shalt  }
0x4e: {  	_ =	shalt  }
0x4f: {  	_ =	shalt  }
0x50: {  	_ =	shalt  }
0x51: {  	_ =	shalt  }
0x52: {  	_ =	shalt  }
0x53: {  	_ =	shalt  }
0x54: {  	_ =	shalt  }
0x55: {  	_ =	shalt  }
0x56: {  	_ =	shalt  }
0x57: {  	_ =	shalt  }
0x58: {  	_ =	shalt  }
0x59: {  	_ =	shalt  }
0x5a: {  	_ =	shalt  }
0x5b: {  	_ =	shalt  }
0x5c: {  	_ =	shalt  }
0x5d: {  	_ =	shalt  }
0x5e: {  	_ =	shalt  }
0x5f: {  	_ =	shalt  }
0x60: {  	_ =	shalt  }
0x61: {  	_ =	shalt  }
0x62: {  	_ =	shalt  }
0x63: {  	_ =	shalt  }
0x64: {  	_ =	shalt  }
0x65: {  	_ =	shalt  }
0x66: {  	_ =	shalt  }
0x67: {  	_ =	shalt  }
0x68: {  	_ =	shalt  }
0x69: {  	_ =	shalt  }
0x6a: {  	_ =	shalt  }
0x6b: {  	_ =	shalt  }
0x6c: {  	_ =	shalt  }
0x6d: {  	_ =	shalt  }
0x6e: {  	_ =	shalt  }
0x6f: {  	_ =	shalt  }
0x70: {  	_ =	shalt  }
0x71: {  	_ =	shalt  }
0x72: {  	_ =	shalt  }
0x73: {  	_ =	shalt  }
0x74: {  	_ =	shalt  }
0x75: {  	_ =	shalt  }
0x76: {  	_ =	shalt  }
0x77: {  	_ =	shalt  }
0x78: {  	_ =	shalt  }
0x79: {  	_ =	shalt  }
0x7a: {  	_ =	shalt  }
0x7b: {  	_ =	shalt  }
0x7c: {  	_ =	shalt  }
0x7d: {  	_ =	shalt  }
0x7e: {  	_ =	shalt  }
0x7f: {  	_ =	shalt  }
0x80: {  	_ =	shalt  }
0x81: {  	_ =	shalt  }
0x82: {  	_ =	shalt  }
0x83: {  	_ =	shalt  }
0x84: {  	_ =	shalt  }
0x85: {  	_ =	shalt  }
0x86: {  	_ =	shalt  }
0x87: {  	_ =	shalt  }
.Lfunc_end0:
.L_simem_size_0:
called_computation_lowered:
.L_overlay_start_0:
0x88: {  	s2 =	sld [smem:$0x3FD9]  }
0x89: {  	s3 =	sld [smem:$0x3FFE];
	_ =	sdelay $0x1  }
0x8a: {  	s1 =	srdreg.scid  }
0x8b: {  	s0 =	sand.u32 $0x1, s1  }
0x8c: {  	s17 =	sshll.u32 s0, $0xA;
	s2 =	sadd.s32 s3, s2  }
0x8d: {  	s2 =	sadd.s32 s2, s17  }
0x8e: {  	[smem:$0x3FC6] =	sst s2  }
0x8f: {  	_ = 	snop  }
0x90: {  	s2 =	sld [smem:$0x3FC8];
	(tm) =	ssettm $0x1  }
0x91: {  	s18 =	sld [smem:$0x3FFB];
	_ =	sdelay $0x3  }
0x92: {  	_ =	strace s18  }
0x93: {  	s3 =	sld [smem:$0x3FFC];
	_ =	sdelay $0x3  }
0x94: {  	_ =	strace s3  }
0x95: {  	s3 =	sld [smem:$0x3FFD];
	_ =	sdelay $0x3  }
0x96: {  	_ =	strace s3  }
0x97: {  	_ =	strace $0x8FFFFFFF  }
0x98: {  	s19 =	sld [smem:$0x3FDB];
	_ =	sdelay $0x1  }
0x99: {  	s4 =	simm.s32 $_scs_section_size  }
0x9a: {  	s5 =	simm.s32 $_size__tile_overlayer_lowered;
	s6 =	simm.s32 $_tile_overlayer_lowered  }
0x9b: {  	s22 =	simm.s32 $0x1BFF;
	s21 =	sshll.u32 s6, $0x1;
	s3 =	sadd.s32 s4, s19  }
0x9c: {  	s7 =	simm.s32 $0x0;
	s20 =	sshll.u32 s5, $0x1;
	s5 =	sadd.s32 s21, s3  }
0x9d: {  	[timem:s7], [sflag:s22] =	dma.local [hbm:s5], s20  }
0x9e: {  	_ =	swait.ge [sflag:s22], s20  }
0x9f: {  	s4 =	ssub.s32 $0x0, s20;
	[sflag:s22] =	ssyncset.done $0x0  }
0xa0: {  	[sflag:s22] =	ssyncadd.s32 s4;
	_ =	sdelay $0x1  }
0xa1: {  	s23 =	simm.s32 $0x1B8B  }
0xa2: {  	_ =	swait.ge [sflag:s23], $0x1  }
0xa3: {  	[sflag:s23] =	ssyncset.done $0x0  }
0xa4: {  	s25 =	simm.s32 $0x1B8E;
	s24 =	sld [smem:$0x3FFE];
	[sflag:s23] =	ssyncadd.s32 $0xFFFFFFFF  }
0xa5: {  	s26 =	simm.s32 $execute0_lowered;
	[smem:$0x3FD2] =	sst s25  }
0xa6: {  	s5 =	sshll.u32 s26, $0x1;
	_ =	strace $0x80000046;
	[dreg:$0x1] =	wrdreg $0xFFFFFFFF  }
0xa7: {  	s28 =	simm.s32 $_size_execute0_lowered;
	s3 =	sadd.s32 s3, s5;
	[dreg:$0x0] =	wrdreg $0x0  }
0xa8: {  	s5 =	sshll.u32 s28, $0x1;
	[dreg:$0x2] =	wrdreg s3  }
0xa9: {  	[dreg:$0x3] =	wrdreg s5  }
0xaa: {  	[dreg:$0x4] =	wrdreg $0xC0  }
0xab: {  	_ =	task [dreg:s7], $0x5FFFF  }
0xac: {  	[dreg:$0x1] =	wrdreg $0xFFFFFFFF  }
0xad: {  	[dreg:$0x0] =	wrdreg $0x60  }
0xae: {  	[dreg:$0x2] =	wrdreg s2  }
0xaf: {  	[dreg:$0x3] =	wrdreg s24  }
0xb0: {  	[dreg:$0x4] =	wrdreg $0x9  }
0xb1: {  	_ =	task.clear_ibuf [dreg:s7], $0x5FFFF;
	_ =	strace $0x90000046  }
0xb2: {  	s29 =	simm.s32 $0x9;
	_ =	strace $0x80000048  }
0xb3: {  	_ =	swait.ge [sflag:s29], $0x1  }
0xb4: {  	[sflag:s29] =	ssyncadd.s32 $0xFFFFFFFF  }
0xb5: {  	_ =	strace $0x90000048  }
0xb6: {  	_ =	sfence  }
0xb7: {  	s30 =	sld [smem:$0x0];
	_ =	sdelay $0x2  }
0xb8: {  	s31 =	sshll.u32 s1, $0xD;
	s1 =	sshrl.u32 s1, $0x2  }
0xb9: {  	s3 =	sand.u32 $0x4000, s31;
	s1 =	sadd.s32 s1, s30  }
0xba: {  	s0 =	sor.u32 s3, s0;
	s1 =	sshll.u32 s1, $0x11  }
0xbb: {  	s0 =	sor.u32 s1, s0  }
0xbc: {  	s0 =	sadd.s32 $0x8F2B, s0  }
0xbd: {  	[sflag:s0] =	ssyncadd.remote.s32 $0x1  }
0xbe: {  	_ =	sfence.sel $0xFFFF  }
0xbf: {  	[dreg:$0x0] =	wrdreg $0xFFFFFFFF;
	(pc) =	sbr.abs _section_cstart, $3  }
0xc0: {  	[dreg:$0x1] =	wrdreg $0xFFFFFFFF  }
0xc1: {  	_ =	task.clear_ibuf [dreg:s7], $0x2FFFF;
	_ =	strace $0x9FFFFFFF  }
0xc2: {  	(tm) =	ssettm $0x7FFFFFFF  }
0xc3: {  	_ =	shalt  }
tec
execute0_lowered:
.L_overlay_start_1:
0x0: {  	(tag) =	ssettag $0x1  }
0x1: {  	s0 =	rddreg [dreg:$0x0]  }
0x2: {  	s1 =	rddreg [dreg:$0x1]  }
0x3: {  	s2 =	srdreg.scid;
	s8 =	stileid.u32  }
0x4: {  	s9 =	simm.s32 $0x0;
	s4 =	sand.u32 $0x1, s2;
	s2 =	simm.s32 $0x0  }
0x5: {  	s25 =	sshll.u32 s8, $0x7;
	s3 =	sshll.u32 s4, $0x4;
	[smem:$0x7FF] =	sst s2  }
0x6: {  	s13 =	ssub.s32 $0x2, s4;
	p0 =	sne.s32 s4, $0x0;
	s5 =	sor.u32 s8, s3  }
0x7: {  	s26 =	sadd.s32 s25, s0;
	_ =	strace $0x80000047;
	s6 =	sshll.u32 s5, $0x7  }
0x8: {  	s7 =	sshrl.u32 s13, $0x1;
	s3 =	sadd.s32 s0, s6;
	s0 =	sadd.s32 $0x1E800, s0  }
0x9: {  	s1 =	sadd.s32 s6, s1;
	s6 =	sadd.s32 $0x1000, s3;
	[dreg:$0xf] =	wrdreg s0  }
0xa: {  	s8 =	simm.s32 $0x1;
	s14 =	sadd.s32 $0x2000, s3;
	[dreg:$0x3] =	wrdreg s6  }
0xb: {  	s7 =	ssub.s32 s13, s7;
	s15 =	sadd.s32 $0x3000, s3;
	[dreg:$0x4] =	wrdreg s14  }
0xc: {  	p1 =	sne.s32 s5, $0x10;
	s16 =	sadd.s32 $0x4000, s3;
	[dreg:$0x5] =	wrdreg s15  }
0xd: {  	p2 =	slt.u32 s5, $0x11;
	s17 =	sadd.s32 $0x5000, s3;
	[dreg:$0x6] =	wrdreg s16  }
0xe: {  	s25 =	smax.u32 s7, $0x1;
	s18 =	sadd.s32 $0x6000, s3;
	[dreg:$0x7] =	wrdreg s17  }
0xf: {  	s7 =	simm.s32 $0x2;
	s19 =	sadd.s32 $0x7000, s3;
	[dreg:$0x8] =	wrdreg s18  }
0x10: {  	s20 =	sadd.s32 $0x8000, s3;
	s21 =	sadd.s32 $0x9000, s3;
	[dreg:$0x9] =	wrdreg s19  }
0x11: {  	s22 =	sadd.s32 $0xA000, s3;
	s23 =	sadd.s32 $0xB000, s3;
	[dreg:$0xa] =	wrdreg s20  }
0x12: {  	s24 =	sadd.s32 $0xC000, s3;
	s28 =	sadd.s32 $0x14000, s3;
	[dreg:$0xb] =	wrdreg s21  }
0x13: {  	s29 =	sadd.s32 $0x15000, s3;
	s30 =	sadd.s32 $0x16000, s3;
	[dreg:$0xc] =	wrdreg s22  }
0x14: {  	s31 =	sadd.s32 $0x17000, s3;
	s0 =	sadd.s32 $0x18000, s3;
	[dreg:$0xd] =	wrdreg s23  }
0x15: {  	s4 =	sadd.s32 $0x1B000, s3;
	s5 =	sadd.s32 $0x1C000, s3;
	[dreg:$0xe] =	wrdreg s24  }
0x16: {  	s16 =	sadd.s32 $0xD000, s3;
	s17 =	sadd.s32 $0xE000, s3;
	s18 =	sadd.s32 $0xF000, s3  }
0x17: {  	s19 =	sadd.s32 $0x10000, s3;
	s20 =	sadd.s32 $0x11000, s3;
	s21 =	sadd.s32 $0x12000, s3  }
0x18: {  	s22 =	sadd.s32 $0x1E000, s26;
	s24 =	sadd.s32 $0x800, s1;
	s26 =	sadd.s32 $0x13000, s3  }
0x19: {  	v0 =	vimm.f32 $0.0e+00;
	v1 =	vimm.s32 $0x0;
	s1 =	sadd.s32 $0x19000, s3;
	s23 =	sadd.s32 $0x1A000, s3;
	s6 =	sadd.s32 $0x1D000, s3  }
.LBB2_1:
0x1a: {  	[tilespmem:s2], [sflag:$0x1] =	stream.linear.gather [hbm4b:s3+s2], $0x400, $0x38;
	[tilespmem:$0x8000] =	vst v63  }
0x1b: {  	s10 =	rddreg [dreg:$0x3];
	s11 =	simm.s32 $0x400  }
0x1c: {  	[tilespmem:s11], [sflag:$0x1] =	stream.linear.gather [hbm4b:s10+s2], $0x400, $0x38;
	[tilespmem:$0x8000] =	vst v63  }
0x1d: {  	s12 =	rddreg [dreg:$0x4];
	s13 =	simm.s32 $0x800  }
0x1e: {  	[tilespmem:s13], [sflag:$0x1] =	stream.linear.gather [hbm4b:s12+s2], $0x400, $0x38;
	[tilespmem:$0x8000] =	vst v63  }
0x1f: {  	s14 =	rddreg [dreg:$0x5];
	s15 =	simm.s32 $0xC00  }
0x20: {  	[tilespmem:s15], [sflag:$0x1] =	stream.linear.gather [hbm4b:s14+s2], $0x400, $0x38;
	[tilespmem:$0x8000] =	vst v63  }
0x21: {  	s12 =	rddreg [dreg:$0x6];
	s13 =	simm.s32 $0x1000  }
0x22: {  	[tilespmem:s13], [sflag:$0x1] =	stream.linear.gather [hbm4b:s12+s2], $0x400, $0x38;
	[tilespmem:$0x8000] =	vst v63  }
0x23: {  	s14 =	rddreg [dreg:$0x7];
	s15 =	simm.s32 $0x1400  }
0x24: {  	[tilespmem:s15], [sflag:$0x1] =	stream.linear.gather [hbm4b:s14+s2], $0x400, $0x38;
	[tilespmem:$0x8000] =	vst v63  }
0x25: {  	s12 =	rddreg [dreg:$0x8];
	s13 =	simm.s32 $0x1800  }
0x26: {  	[tilespmem:s13], [sflag:$0x1] =	stream.linear.gather [hbm4b:s12+s2], $0x400, $0x38;
	[tilespmem:$0x8000] =	vst v63  }
0x27: {  	s14 =	rddreg [dreg:$0x9];
	s15 =	simm.s32 $0x1C00  }
0x28: {  	[tilespmem:s15], [sflag:$0x1] =	stream.linear.gather [hbm4b:s14+s2], $0x400, $0x38;
	[tilespmem:$0x8000] =	vst v63  }
0x29: {  	s12 =	rddreg [dreg:$0xa];
	s13 =	simm.s32 $0x2000  }
0x2a: {  	[tilespmem:s13], [sflag:$0x1] =	stream.linear.gather [hbm4b:s12+s2], $0x400, $0x38;
	[tilespmem:$0x8000] =	vst v63  }
0x2b: {  	s14 =	rddreg [dreg:$0xb];
	s15 =	simm.s32 $0x2400  }
0x2c: {  	[tilespmem:s15], [sflag:$0x1] =	stream.linear.gather [hbm4b:s14+s2], $0x400, $0x38;
	[tilespmem:$0x8000] =	vst v63  }
0x2d: {  	s12 =	rddreg [dreg:$0xc];
	s13 =	simm.s32 $0x2800  }
0x2e: {  	[tilespmem:s13], [sflag:$0x1] =	stream.linear.gather [hbm4b:s12+s2], $0x400, $0x38;
	[tilespmem:$0x8000] =	vst v63  }
0x2f: {  	s14 =	rddreg [dreg:$0xd];
	s15 =	simm.s32 $0x2C00  }
0x30: {  	[tilespmem:s15], [sflag:$0x1] =	stream.linear.gather [hbm4b:s14+s2], $0x400, $0x38;
	[tilespmem:$0x8000] =	vst v63  }
0x31: {  	s12 =	rddreg [dreg:$0xe];
	s13 =	simm.s32 $0x3000  }
0x32: {  	[tilespmem:s13], [sflag:$0x1] =	stream.linear.gather [hbm4b:s12+s2], $0x400, $0x38;
	[tilespmem:$0x8000] =	vst v63  }
0x33: {  	s14 =	simm.s32 $0x3400  }
0x34: {  	[tilespmem:s14], [sflag:$0x1] =	stream.linear.gather [hbm4b:s16+s2], $0x400, $0x38;
	[tilespmem:$0x8000] =	vst v63  }
0x35: {  	s15 =	simm.s32 $0x3800  }
0x36: {  	[tilespmem:s15], [sflag:$0x1] =	stream.linear.gather [hbm4b:s17+s2], $0x400, $0x38;
	[tilespmem:$0x8000] =	vst v63  }
0x37: {  	s11 =	simm.s32 $0x3C00  }
0x38: {  	[tilespmem:s11], [sflag:$0x1] =	stream.linear.gather [hbm4b:s18+s2], $0x400, $0x38;
	[tilespmem:$0x8000] =	vst v63  }
0x39: {  	s12 =	simm.s32 $0x4000  }
0x3a: {  	[tilespmem:s12], [sflag:$0x1] =	stream.linear.gather [hbm4b:s19+s2], $0x400, $0x38;
	[tilespmem:$0x8000] =	vst v63  }
0x3b: {  	s13 =	simm.s32 $0x4400  }
0x3c: {  	[tilespmem:s13], [sflag:$0x1] =	stream.linear.gather [hbm4b:s20+s2], $0x400, $0x38;
	[tilespmem:$0x8000] =	vst v63  }
0x3d: {  	s14 =	simm.s32 $0x4800  }
0x3e: {  	[tilespmem:s14], [sflag:$0x1] =	stream.linear.gather [hbm4b:s21+s2], $0x400, $0x38;
	[tilespmem:$0x8000] =	vst v63  }
0x3f: {  	s15 =	simm.s32 $0x4C00  }
0x40: {  	[tilespmem:s15], [sflag:$0x1] =	stream.linear.gather [hbm4b:s26+s2], $0x400, $0x38;
	[tilespmem:$0x8000] =	vst v63  }
0x41: {  	s11 =	simm.s32 $0x5000  }
0x42: {  	[tilespmem:s11], [sflag:$0x1] =	stream.linear.gather [hbm4b:s28+s2], $0x400, $0x38;
	[tilespmem:$0x8000] =	vst v63  }
0x43: {  	s12 =	simm.s32 $0x5400  }
0x44: {  	[tilespmem:s12], [sflag:$0x1] =	stream.linear.gather [hbm4b:s29+s2], $0x400, $0x38;
	[tilespmem:$0x8000] =	vst v63  }
0x45: {  	s13 =	simm.s32 $0x5800  }
0x46: {  	[tilespmem:s13], [sflag:$0x1] =	stream.linear.gather [hbm4b:s30+s2], $0x400, $0x38;
	[tilespmem:$0x8000] =	vst v63  }
0x47: {  	s14 =	simm.s32 $0x5C00  }
0x48: {  	[tilespmem:s14], [sflag:$0x1] =	stream.linear.gather [hbm4b:s31+s2], $0x400, $0x38;
	[tilespmem:$0x8000] =	vst v63  }
0x49: {  	s15 =	simm.s32 $0x6000  }
0x4a: {  	[tilespmem:s15], [sflag:$0x1] =	stream.linear.gather [hbm4b:s0+s2], $0x400, $0x38;
	[tilespmem:$0x8000] =	vst v63  }
0x4b: {  	s11 =	simm.s32 $0x6400  }
0x4c: {  	[tilespmem:s11], [sflag:$0x1] =	stream.linear.gather [hbm4b:s1+s2], $0x400, $0x38;
	[tilespmem:$0x8000] =	vst v63  }
0x4d: {  	s12 =	simm.s32 $0x6800  }
0x4e: {  	[tilespmem:s12], [sflag:$0x1] =	stream.linear.gather [hbm4b:s23+s2], $0x400, $0x38;
	[tilespmem:$0x8000] =	vst v63  }
0x4f: {  	s13 =	simm.s32 $0x6C00  }
0x50: {  	[tilespmem:s13], [sflag:$0x1] =	stream.linear.gather [hbm4b:s4+s2], $0x400, $0x38;
	[tilespmem:$0x8000] =	vst v63  }
0x51: {  	s14 =	simm.s32 $0x7000  }
0x52: {  	[tilespmem:s14], [sflag:$0x1] =	stream.linear.gather [hbm4b:s5+s2], $0x400, $0x38;
	[tilespmem:$0x8000] =	vst v63  }
0x53: {  	s15 =	simm.s32 $0x7400  }
0x54: {  	[tilespmem:s15], [sflag:$0x1] =	stream.linear.gather [hbm4b:s6+s2], $0x400, $0x38;
	[tilespmem:$0x8000] =	vst v63  }
0x55: {  	s10 =	simm.s32 @!p0 $0x0;
	s11 =	simm.s32 @!p0 $0x7800  }
0x56: {  	[tilespmem:s11], [sflag:$0x2] =	stream.linear.gather @!p0 [hbm4b:s22+s10], $0x400, $0x38;
	[tilespmem:$0x8000] =	vst v63  }
.Ltmp0:
0x57: {  	_ = 	snop;
	(pc) =	sbr.rel @p1 .LBB2_3-.Ltmp0, $4  }
0x58: {  	s10 =	simm.s32 @!p0 $0x2  }
0x59: {  	_ =	swait.ge @!p0 [sflag:s10], $0x400  }
0x5a: {  	[sflag:s10] =	ssyncset.done @!p0 $0x0  }
0x5b: {  	[sflag:s10] =	ssyncadd.s32 @!p0 $0xFFFFFC00  }
0x5c: {  	s10 =	rddreg [dreg:$0xf];
	s11 =	simm.s32 $0x7800  }
0x5d: {  	[tilespmem:s11], [sflag:$0x2] =	stream.linear.gather [hbm4b:s10+s2], $0x240, $0x38;
	[tilespmem:$0x8000] =	vst v63  }
0x5e: {  	_ =	swait.ge [sflag:s7], $0x240  }
0x5f: {  	[sflag:s7] =	ssyncset.done $0x0  }
0x60: {  	[sflag:s7] =	ssyncadd.s32 $0xFFFFFDC0  }
0x61: {  	[tilespmem:$0x7A40] =	vst v0  }
0x62: {  	[tilespmem:$0x7A50] =	vst v0  }
0x63: {  	[tilespmem:$0x7A60] =	vst v0  }
0x64: {  	[tilespmem:$0x7A70] =	vst v0  }
0x65: {  	[tilespmem:$0x7A80] =	vst v0  }
0x66: {  	[tilespmem:$0x7A90] =	vst v0  }
0x67: {  	[tilespmem:$0x7AA0] =	vst v0  }
0x68: {  	[tilespmem:$0x7AB0] =	vst v0  }
0x69: {  	[tilespmem:$0x7AC0] =	vst v0  }
0x6a: {  	[tilespmem:$0x7AD0] =	vst v0  }
0x6b: {  	[tilespmem:$0x7AE0] =	vst v0  }
0x6c: {  	[tilespmem:$0x7AF0] =	vst v0  }
0x6d: {  	[tilespmem:$0x7B00] =	vst v0  }
0x6e: {  	[tilespmem:$0x7B10] =	vst v0  }
0x6f: {  	[tilespmem:$0x7B20] =	vst v0  }
0x70: {  	[tilespmem:$0x7B30] =	vst v0  }
0x71: {  	[tilespmem:$0x7B40] =	vst v0  }
0x72: {  	[tilespmem:$0x7B50] =	vst v0  }
0x73: {  	[tilespmem:$0x7B60] =	vst v0  }
0x74: {  	[tilespmem:$0x7B70] =	vst v0  }
0x75: {  	[tilespmem:$0x7B80] =	vst v0  }
0x76: {  	[tilespmem:$0x7B90] =	vst v0  }
0x77: {  	[tilespmem:$0x7BA0] =	vst v0  }
.Ltmp1:
0x78: {  	[tilespmem:$0x7BB0] =	vst v0;
	(pc) =	sbr.rel .LBB2_7-.Ltmp1, $4  }
0x79: {  	[tilespmem:$0x7BC0] =	vst v0  }
0x7a: {  	[tilespmem:$0x7BD0] =	vst v0  }
0x7b: {  	[tilespmem:$0x7BE0] =	vst v0  }
0x7c: {  	[tilespmem:$0x7BF0] =	vst v0  }
.LBB2_3:
.Ltmp2:
0x7d: {  	(pc) =	sbr.rel @p2 .LBB2_7-.Ltmp2, $1  }
0x7e: {  	_ =	sdelay $0x3  }
0x7f: {  	s10 =	simm.s32 $0x40;
	s11 =	simm.s32 $0x0  }
.LBB2_5:
0x80: {  	p3 =	sne.s32 s10, $0xFC0;
	[tilespmem:s11+$0x7800] =	vst v0;
	s11 =	smov.u32 s10;
	s10 =	sadd.s32 $0x40, s10  }
.Ltmp3:
0x81: {  	(pc) =	sbr.rel @p3 .LBB2_5-.Ltmp3, $2  }
0x82: {  	_ =	sdelay $0x2  }
0x83: {  	s11 =	sshra.s32 s11, $0x2  }
0x84: {  	[tilespmem:s11+$0x7800] =	vst v0  }
.LBB2_7:
0x85: {  	_ =	swait.ge [sflag:s8], $0x400  }
0x86: {  	[sflag:s8] =	ssyncset.done $0x0  }
0x87: {  	[sflag:s8] =	ssyncadd.s32 $0xFFFFFC00  }
0x88: {  	_ =	swait.ge [sflag:s8], $0x400  }
0x89: {  	[sflag:s8] =	ssyncset.done $0x0  }
0x8a: {  	[sflag:s8] =	ssyncadd.s32 $0xFFFFFC00  }
0x8b: {  	_ =	swait.ge [sflag:s8], $0x400  }
0x8c: {  	[sflag:s8] =	ssyncset.done $0x0  }
0x8d: {  	[sflag:s8] =	ssyncadd.s32 $0xFFFFFC00  }
0x8e: {  	_ =	swait.ge [sflag:s8], $0x400  }
0x8f: {  	[sflag:s8] =	ssyncset.done $0x0  }
0x90: {  	[sflag:s8] =	ssyncadd.s32 $0xFFFFFC00  }
0x91: {  	_ =	swait.ge [sflag:s8], $0x400  }
0x92: {  	[sflag:s8] =	ssyncset.done $0x0  }
0x93: {  	[sflag:s8] =	ssyncadd.s32 $0xFFFFFC00  }
0x94: {  	_ =	swait.ge [sflag:s8], $0x400  }
0x95: {  	[sflag:s8] =	ssyncset.done $0x0  }
0x96: {  	[sflag:s8] =	ssyncadd.s32 $0xFFFFFC00  }
0x97: {  	_ =	swait.ge [sflag:s8], $0x400  }
0x98: {  	[sflag:s8] =	ssyncset.done $0x0  }
0x99: {  	[sflag:s8] =	ssyncadd.s32 $0xFFFFFC00  }
0x9a: {  	_ =	swait.ge [sflag:s8], $0x400  }
0x9b: {  	[sflag:s8] =	ssyncset.done $0x0  }
0x9c: {  	[sflag:s8] =	ssyncadd.s32 $0xFFFFFC00  }
0x9d: {  	_ =	swait.ge [sflag:s8], $0x400  }
0x9e: {  	[sflag:s8] =	ssyncset.done $0x0  }
0x9f: {  	[sflag:s8] =	ssyncadd.s32 $0xFFFFFC00  }
0xa0: {  	_ =	swait.ge [sflag:s8], $0x400  }
0xa1: {  	[sflag:s8] =	ssyncset.done $0x0  }
0xa2: {  	[sflag:s8] =	ssyncadd.s32 $0xFFFFFC00  }
0xa3: {  	_ =	swait.ge [sflag:s8], $0x400  }
0xa4: {  	[sflag:s8] =	ssyncset.done $0x0  }
0xa5: {  	[sflag:s8] =	ssyncadd.s32 $0xFFFFFC00  }
0xa6: {  	_ =	swait.ge [sflag:s8], $0x400  }
0xa7: {  	[sflag:s8] =	ssyncset.done $0x0  }
0xa8: {  	[sflag:s8] =	ssyncadd.s32 $0xFFFFFC00  }
0xa9: {  	_ =	swait.ge [sflag:s8], $0x400  }
0xaa: {  	[sflag:s8] =	ssyncset.done $0x0  }
0xab: {  	[sflag:s8] =	ssyncadd.s32 $0xFFFFFC00  }
0xac: {  	_ =	swait.ge [sflag:s8], $0x400  }
0xad: {  	[sflag:s8] =	ssyncset.done $0x0  }
0xae: {  	[sflag:s8] =	ssyncadd.s32 $0xFFFFFC00  }
0xaf: {  	_ =	swait.ge [sflag:s8], $0x400  }
0xb0: {  	[sflag:s8] =	ssyncset.done $0x0  }
0xb1: {  	[sflag:s8] =	ssyncadd.s32 $0xFFFFFC00  }
0xb2: {  	_ =	swait.ge [sflag:s8], $0x400  }
0xb3: {  	[sflag:s8] =	ssyncset.done $0x0  }
0xb4: {  	[sflag:s8] =	ssyncadd.s32 $0xFFFFFC00  }
0xb5: {  	_ =	swait.ge [sflag:s8], $0x400  }
0xb6: {  	[sflag:s8] =	ssyncset.done $0x0  }
0xb7: {  	[sflag:s8] =	ssyncadd.s32 $0xFFFFFC00  }
0xb8: {  	_ =	swait.ge [sflag:s8], $0x400  }
0xb9: {  	[sflag:s8] =	ssyncset.done $0x0  }
0xba: {  	[sflag:s8] =	ssyncadd.s32 $0xFFFFFC00  }
0xbb: {  	_ =	swait.ge [sflag:s8], $0x400  }
0xbc: {  	[sflag:s8] =	ssyncset.done $0x0  }
0xbd: {  	[sflag:s8] =	ssyncadd.s32 $0xFFFFFC00  }
0xbe: {  	_ =	swait.ge [sflag:s8], $0x400  }
0xbf: {  	[sflag:s8] =	ssyncset.done $0x0  }
0xc0: {  	[sflag:s8] =	ssyncadd.s32 $0xFFFFFC00  }
0xc1: {  	_ =	swait.ge [sflag:s8], $0x400  }
0xc2: {  	[sflag:s8] =	ssyncset.done $0x0  }
0xc3: {  	[sflag:s8] =	ssyncadd.s32 $0xFFFFFC00  }
0xc4: {  	_ =	swait.ge [sflag:s8], $0x400  }
0xc5: {  	[sflag:s8] =	ssyncset.done $0x0  }
0xc6: {  	[sflag:s8] =	ssyncadd.s32 $0xFFFFFC00  }
0xc7: {  	_ =	swait.ge [sflag:s8], $0x400  }
0xc8: {  	[sflag:s8] =	ssyncset.done $0x0  }
0xc9: {  	[sflag:s8] =	ssyncadd.s32 $0xFFFFFC00  }
0xca: {  	_ =	swait.ge [sflag:s8], $0x400  }
0xcb: {  	[sflag:s8] =	ssyncset.done $0x0  }
0xcc: {  	[sflag:s8] =	ssyncadd.s32 $0xFFFFFC00  }
0xcd: {  	_ =	swait.ge [sflag:s8], $0x400  }
0xce: {  	[sflag:s8] =	ssyncset.done $0x0  }
0xcf: {  	[sflag:s8] =	ssyncadd.s32 $0xFFFFFC00  }
0xd0: {  	_ =	swait.ge [sflag:s8], $0x400  }
0xd1: {  	[sflag:s8] =	ssyncset.done $0x0  }
0xd2: {  	[sflag:s8] =	ssyncadd.s32 $0xFFFFFC00  }
0xd3: {  	_ =	swait.ge [sflag:s8], $0x400  }
0xd4: {  	[sflag:s8] =	ssyncset.done $0x0  }
0xd5: {  	[sflag:s8] =	ssyncadd.s32 $0xFFFFFC00  }
0xd6: {  	_ =	swait.ge [sflag:s8], $0x400  }
0xd7: {  	[sflag:s8] =	ssyncset.done $0x0  }
0xd8: {  	[sflag:s8] =	ssyncadd.s32 $0xFFFFFC00  }
0xd9: {  	_ =	swait.ge [sflag:s8], $0x400  }
0xda: {  	[sflag:s8] =	ssyncset.done $0x0  }
0xdb: {  	[sflag:s8] =	ssyncadd.s32 $0xFFFFFC00  }
0xdc: {  	_ =	swait.ge [sflag:s8], $0x400  }
0xdd: {  	[sflag:s8] =	ssyncset.done $0x0  }
0xde: {  	s10 =	simm.s32 $0x0;
	[sflag:s8] =	ssyncadd.s32 $0xFFFFFC00  }
0xdf: {  	s11 =	sand.u32 $0x7FFFFFF0, s10;
	v2 =	vld [tilespmem:s10+$0x0]  }
0xe0: {  	v3 =	vld [tilespmem:s11+$0x400]  }
0xe1: {  	v4 =	vld [tilespmem:s11+$0x800]  }
0xe2: {  	v5 =	vld [tilespmem:s11+$0xC00];
	_ =	sdelay $0x1  }
0xe3: {  	v6 =	vld [tilespmem:s11+$0x1000];
	vm0 =	vlt.f32 v2, $0.0e+00;
	vm1 =	vgt.f32 v2, $0.0e+00  }
0xe4: {  	vm2 =	vgt.f32 v3, $0.0e+00;
	vm0 =	vmor vm1, vm0;
	vm1 =	vlt.f32 v3, $0.0e+00  }
0xe5: {  	vm3 =	vgt.f32 v4, $0.0e+00;
	vm1 =	vmor vm2, vm1;
	vm2 =	vlt.f32 v4, $0.0e+00  }
0xe6: {  	v2 =	vld [tilespmem:s11+$0x1400];
	v3 =	vsel vm0, $0x1, v1;
	vm0 =	vlt.f32 v5, $0.0e+00;
	v4 =	vsel vm1, $0x2, v1  }
0xe7: {  	v7 =	vld [tilespmem:s11+$0x1800];
	vm1 =	vmor vm3, vm2;
	vm2 =	vgt.f32 v5, $0.0e+00;
	v3 =	vor.u32 v3, v4  }
0xe8: {  	v5 =	vsel vm1, $0x4, v1;
	vm0 =	vmor vm2, vm0;
	vm1 =	vlt.f32 v6, $0.0e+00  }
0xe9: {  	v4 =	vld [tilespmem:s11+$0x1C00];
	v3 =	vor.u32 v5, v3;
	v5 =	vsel vm0, $0x8, v1;
	vm0 =	vgt.f32 v6, $0.0e+00  }
0xea: {  	v3 =	vor.u32 v5, v3;
	vm0 =	vmor vm0, vm1  }
0xeb: {  	v6 =	vld [tilespmem:s11+$0x2000];
	vm1 =	vgt.f32 v2, $0.0e+00;
	v5 =	vsel vm0, $0x10, v1;
	vm0 =	vlt.f32 v2, $0.0e+00  }
0xec: {  	vm2 =	vlt.f32 v7, $0.0e+00;
	v2 =	vld [tilespmem:s11+$0x2400];
	vm0 =	vmor vm1, vm0  }
0xed: {  	v3 =	vor.u32 v5, v3;
	v8 =	vsel vm0, $0x20, v1;
	vm0 =	vgt.f32 v7, $0.0e+00  }
0xee: {  	v5 =	vld [tilespmem:s11+$0x2800];
	vm1 =	vgt.f32 v4, $0.0e+00;
	vm3 =	vlt.f32 v4, $0.0e+00;
	vm0 =	vmor vm0, vm2  }
0xef: {  	v3 =	vor.u32 v8, v3;
	vm1 =	vmor vm1, vm3;
	v4 =	vsel vm0, $0x40, v1  }
0xf0: {  	v8 =	vld [tilespmem:s11+$0x2C00];
	v7 =	vsel vm1, $0x80, v1;
	vm0 =	vlt.f32 v6, $0.0e+00;
	vm1 =	vgt.f32 v6, $0.0e+00  }
0xf1: {  	v3 =	vor.u32 v4, v3;
	vm2 =	vlt.f32 v2, $0.0e+00;
	vm0 =	vmor vm1, vm0  }
0xf2: {  	v4 =	vld [tilespmem:s11+$0x3000];
	v3 =	vor.u32 v7, v3;
	v6 =	vsel vm0, $0x100, v1;
	vm0 =	vgt.f32 v2, $0.0e+00  }
0xf3: {  	vm1 =	vgt.f32 v5, $0.0e+00;
	vm3 =	vlt.f32 v5, $0.0e+00;
	v2 =	vld [tilespmem:s11+$0x3400];
	vm0 =	vmor vm0, vm2  }
0xf4: {  	v5 =	vld [tilespmem:s11+$0x3800];
	v3 =	vor.u32 v6, v3;
	vm1 =	vmor vm1, vm3;
	v6 =	vsel vm0, $0x200, v1  }
0xf5: {  	v7 =	vsel vm1, $0x400, v1;
	vm0 =	vgt.f32 v8, $0.0e+00;
	vm1 =	vlt.f32 v8, $0.0e+00  }
0xf6: {  	v3 =	vor.u32 v6, v3;
	vm0 =	vmor vm0, vm1  }
0xf7: {  	v6 =	vld [tilespmem:s11+$0x3C00];
	vm2 =	vlt.f32 v4, $0.0e+00;
	v3 =	vor.u32 v7, v3;
	vm1 =	vgt.f32 v4, $0.0e+00  }
0xf8: {  	v8 =	vld [tilespmem:s11+$0x4400];
	v4 =	vsel vm0, $0x800, v1;
	vm0 =	vmor vm1, vm2;
	vm1 =	vlt.f32 v2, $0.0e+00  }
0xf9: {  	v7 =	vld [tilespmem:s11+$0x4000];
	v3 =	vor.u32 v4, v3;
	vm2 =	vgt.f32 v2, $0.0e+00;
	vm3 =	vlt.f32 v5, $0.0e+00  }
0xfa: {  	v4 =	vsel vm0, $0x1000, v1;
	vm0 =	vgt.f32 v5, $0.0e+00;
	vm1 =	vmor vm2, vm1  }
0xfb: {  	v2 =	vld [tilespmem:s11+$0x4800];
	v3 =	vor.u32 v4, v3;
	vm0 =	vmor vm0, vm3;
	v4 =	vsel vm1, $0x2000, v1  }
0xfc: {  	vm2 =	vlt.f32 v6, $0.0e+00;
	v5 =	vsel vm0, $0x4000, v1;
	vm0 =	vgt.f32 v6, $0.0e+00  }
0xfd: {  	v9 =	vld [tilespmem:s11+$0x5000];
	vm3 =	vlt.f32 v8, $0.0e+00;
	v3 =	vor.u32 v4, v3;
	vm0 =	vmor vm0, vm2  }
0xfe: {  	v4 =	vld [tilespmem:s11+$0x4C00];
	vm1 =	vlt.f32 v7, $0.0e+00;
	v3 =	vor.u32 v5, v3;
	vm2 =	vgt.f32 v7, $0.0e+00  }
0xff: {  	v5 =	vsel vm0, $0x8000, v1;
	vm0 =	vgt.f32 v8, $0.0e+00;
	vm1 =	vmor vm2, vm1  }
0x100: {  	vm2 =	vlt.f32 v2, $0.0e+00;
	v3 =	vor.u32 v5, v3;
	vm0 =	vmor vm0, vm3;
	v5 =	vld [tilespmem:s11+$0x5400]  }
0x101: {  	v6 =	vsel vm1, $0x10000, v1;
	v7 =	vsel vm0, $0x20000, v1;
	vm0 =	vgt.f32 v2, $0.0e+00  }
0x102: {  	vm3 =	vlt.f32 v9, $0.0e+00;
	v3 =	vor.u32 v6, v3;
	v2 =	vld [tilespmem:s11+$0x5800];
	vm0 =	vmor vm0, vm2  }
0x103: {  	vm1 =	vlt.f32 v4, $0.0e+00;
	v6 =	vor.u32 v7, v3;
	v3 =	vld [tilespmem:s11+$0x5C00];
	vm2 =	vgt.f32 v4, $0.0e+00  }
0x104: {  	v7 =	vsel vm0, $0x40000, v1;
	vm0 =	vgt.f32 v9, $0.0e+00;
	vm2 =	vmor vm2, vm1  }
0x105: {  	s13 =	simm.s32 $0x7C00;
	s14 =	simm.s32 $0x10;
	s12 =	simm.s32 $0x7C00;
	v4 =	vld [tilespmem:s11+$0x6000];
	v6 =	vor.u32 v7, v6;
	vm1 =	vmor vm0, vm3;
	vm0 =	vlt.f32 v5, $0.0e+00  }
.LBB2_8:
0x106: {  	p3 =	sne.s32 s14, $0x3F0;
	v7 =	vsel vm2, $0x80000, v1;
	v8 =	vsel vm1, $0x100000, v1;
	vm1 =	vgt.f32 v5, $0.0e+00;
	s13 =	sadd.s32 $0x10, s13;
	s10 =	sadd.s32 $0x10, s10  }
0x107: {  	s15 =	smov.u32 s14;
	s14 =	sadd.s32 $0x10, s14;
	v5 =	vor.u32 v7, v6;
	vm0 =	vmor vm1, vm0;
	vm1 =	vlt.f32 v2, $0.0e+00;
	v6 =	vld [tilespmem:s11+$0x6400]  }
0x108: {  	v5 =	vor.u32 v8, v5;
	v7 =	vsel vm0, $0x200000, v1;
	vm0 =	vgt.f32 v3, $0.0e+00;
	v8 =	vld [tilespmem:s11+$0x6800]  }
0x109: {  	vm2 =	vgt.f32 v2, $0.0e+00;
	vm3 =	vlt.f32 v3, $0.0e+00;
	v5 =	vor.u32 v7, v5  }
0x10a: {  	vm1 =	vmor vm2, vm1;
	vm0 =	vmor vm0, vm3;
	vm2 =	vlt.f32 v4, $0.0e+00;
	v2 =	vld [tilespmem:s11+$0x6C00]  }
0x10b: {  	v3 =	vsel vm1, $0x400000, v1;
	v7 =	vsel vm0, $0x800000, v1;
	vm0 =	vgt.f32 v4, $0.0e+00  }
0x10c: {  	v3 =	vor.u32 v3, v5;
	vm0 =	vmor vm0, vm2;
	vm1 =	vlt.f32 v6, $0.0e+00;
	v4 =	vld [tilespmem:s11+$0x7000]  }
0x10d: {  	v3 =	vor.u32 v7, v3;
	v5 =	vsel vm0, $0x1000000, v1;
	vm0 =	vgt.f32 v8, $0.0e+00;
	v7 =	vld [tilespmem:s11+$0x7400]  }
0x10e: {  	vm2 =	vgt.f32 v6, $0.0e+00;
	v3 =	vor.u32 v5, v3;
	vm3 =	vlt.f32 v8, $0.0e+00  }
0x10f: {  	vm1 =	vmor vm2, vm1;
	vm0 =	vmor vm0, vm3;
	vm2 =	vlt.f32 v2, $0.0e+00;
	v5 =	vld [tilespmem:s11+$0x7800]  }
0x110: {  	v6 =	vsel vm1, $0x2000000, v1;
	v8 =	vsel vm0, $0x4000000, v1;
	vm0 =	vgt.f32 v2, $0.0e+00  }
0x111: {  	v2 =	vor.u32 v6, v3;
	vm0 =	vmor vm0, vm2;
	vm1 =	vlt.f32 v4, $0.0e+00  }
0x112: {  	v2 =	vor.u32 v8, v2;
	v3 =	vsel vm0, $0x8000000, v1;
	vm0 =	vgt.f32 v7, $0.0e+00  }
0x113: {  	vm2 =	vgt.f32 v4, $0.0e+00;
	v2 =	vor.u32 v3, v2;
	vm3 =	vlt.f32 v7, $0.0e+00  }
0x114: {  	vm1 =	vmor vm2, vm1;
	vm0 =	vmor vm0, vm3;
	vm2 =	vlt.f32 v5, $0.0e+00  }
0x115: {  	v3 =	vsel vm1, $0x10000000, v1;
	v4 =	vsel vm0, $0x20000000, v1;
	vm0 =	vgt.f32 v5, $0.0e+00  }
0x116: {  	v2 =	vor.u32 v3, v2;
	vm0 =	vmor vm0, vm2  }
0x117: {  	v2 =	vor.u32 v4, v2;
	v3 =	vsel vm0, $0x40000000, v1  }
0x118: {  	v2 =	vor.u32 v3, v2  }
0x119: {  	[tilespmem:s12+$0x0] =	vst v2;
	s12 =	smov.u32 s13  }
0x11a: {  	s11 =	sand.u32 $0x7FFFFFF0, s15;
	v2 =	vld [tilespmem:s10+$0x0]  }
0x11b: {  	v3 =	vld [tilespmem:s11+$0x400]  }
0x11c: {  	v4 =	vld [tilespmem:s11+$0x800]  }
0x11d: {  	v5 =	vld [tilespmem:s11+$0xC00]  }
0x11e: {  	v6 =	vld [tilespmem:s11+$0x1000]  }
0x11f: {  	vm0 =	vlt.f32 v2, $0.0e+00;
	vm1 =	vgt.f32 v2, $0.0e+00  }
0x120: {  	vm0 =	vmor vm1, vm0;
	vm1 =	vlt.f32 v3, $0.0e+00;
	vm2 =	vgt.f32 v3, $0.0e+00;
	v2 =	vld [tilespmem:s11+$0x1400]  }
0x121: {  	vm1 =	vmor vm2, vm1;
	vm2 =	vlt.f32 v4, $0.0e+00;
	vm3 =	vgt.f32 v4, $0.0e+00  }
0x122: {  	v3 =	vsel vm0, $0x1, v1;
	v4 =	vsel vm1, $0x2, v1;
	vm0 =	vlt.f32 v5, $0.0e+00;
	v7 =	vld [tilespmem:s11+$0x1800]  }
0x123: {  	vm1 =	vmor vm3, vm2;
	vm2 =	vgt.f32 v5, $0.0e+00;
	v3 =	vor.u32 v3, v4;
	v4 =	vld [tilespmem:s11+$0x1C00]  }
0x124: {  	v5 =	vsel vm1, $0x4, v1;
	vm0 =	vmor vm2, vm0;
	vm1 =	vlt.f32 v6, $0.0e+00  }
0x125: {  	v3 =	vor.u32 v5, v3;
	v5 =	vsel vm0, $0x8, v1;
	vm0 =	vgt.f32 v6, $0.0e+00;
	v6 =	vld [tilespmem:s11+$0x2000]  }
0x126: {  	v3 =	vor.u32 v5, v3;
	vm0 =	vmor vm0, vm1;
	vm1 =	vgt.f32 v2, $0.0e+00  }
0x127: {  	v5 =	vsel vm0, $0x10, v1;
	vm0 =	vlt.f32 v2, $0.0e+00;
	vm2 =	vlt.f32 v7, $0.0e+00;
	v2 =	vld [tilespmem:s11+$0x2400]  }
0x128: {  	v3 =	vor.u32 v5, v3;
	vm0 =	vmor vm1, vm0;
	vm1 =	vgt.f32 v4, $0.0e+00;
	v5 =	vld [tilespmem:s11+$0x2800]  }
0x129: {  	v8 =	vsel vm0, $0x20, v1;
	vm0 =	vgt.f32 v7, $0.0e+00;
	vm3 =	vlt.f32 v4, $0.0e+00  }
0x12a: {  	v3 =	vor.u32 v8, v3;
	vm0 =	vmor vm0, vm2;
	vm1 =	vmor vm1, vm3  }
0x12b: {  	v4 =	vsel vm0, $0x40, v1;
	v7 =	vsel vm1, $0x80, v1;
	vm0 =	vlt.f32 v6, $0.0e+00;
	v8 =	vld [tilespmem:s11+$0x2C00]  }
0x12c: {  	vm1 =	vgt.f32 v6, $0.0e+00;
	v3 =	vor.u32 v4, v3;
	vm2 =	vlt.f32 v2, $0.0e+00;
	v4 =	vld [tilespmem:s11+$0x3000]  }
0x12d: {  	vm0 =	vmor vm1, vm0;
	v3 =	vor.u32 v7, v3;
	vm1 =	vgt.f32 v5, $0.0e+00  }
0x12e: {  	v6 =	vsel vm0, $0x100, v1;
	vm0 =	vgt.f32 v2, $0.0e+00;
	vm3 =	vlt.f32 v5, $0.0e+00;
	v2 =	vld [tilespmem:s11+$0x3400]  }
0x12f: {  	v3 =	vor.u32 v6, v3;
	vm0 =	vmor vm0, vm2;
	vm1 =	vmor vm1, vm3;
	v5 =	vld [tilespmem:s11+$0x3800]  }
0x130: {  	v6 =	vsel vm0, $0x200, v1;
	v7 =	vsel vm1, $0x400, v1;
	vm0 =	vgt.f32 v8, $0.0e+00  }
0x131: {  	v3 =	vor.u32 v6, v3;
	vm1 =	vlt.f32 v8, $0.0e+00;
	vm2 =	vlt.f32 v4, $0.0e+00;
	v6 =	vld [tilespmem:s11+$0x3C00]  }
0x132: {  	v3 =	vor.u32 v7, v3;
	vm0 =	vmor vm0, vm1;
	vm1 =	vgt.f32 v4, $0.0e+00  }
0x133: {  	v4 =	vsel vm0, $0x800, v1;
	vm0 =	vmor vm1, vm2;
	vm1 =	vlt.f32 v2, $0.0e+00;
	v7 =	vld [tilespmem:s11+$0x4000]  }
0x134: {  	v3 =	vor.u32 v4, v3;
	v4 =	vsel vm0, $0x1000, v1;
	vm0 =	vgt.f32 v5, $0.0e+00;
	v8 =	vld [tilespmem:s11+$0x4400]  }
0x135: {  	vm2 =	vgt.f32 v2, $0.0e+00;
	v3 =	vor.u32 v4, v3;
	vm3 =	vlt.f32 v5, $0.0e+00  }
0x136: {  	vm1 =	vmor vm2, vm1;
	vm0 =	vmor vm0, vm3;
	vm2 =	vlt.f32 v6, $0.0e+00;
	v2 =	vld [tilespmem:s11+$0x4800]  }
0x137: {  	v4 =	vsel vm1, $0x2000, v1;
	v5 =	vsel vm0, $0x4000, v1;
	vm0 =	vgt.f32 v6, $0.0e+00  }
0x138: {  	v3 =	vor.u32 v4, v3;
	vm0 =	vmor vm0, vm2;
	vm1 =	vlt.f32 v7, $0.0e+00;
	v4 =	vld [tilespmem:s11+$0x4C00]  }
0x139: {  	v3 =	vor.u32 v5, v3;
	v5 =	vsel vm0, $0x8000, v1;
	vm0 =	vgt.f32 v8, $0.0e+00;
	v9 =	vld [tilespmem:s11+$0x5000]  }
0x13a: {  	vm2 =	vgt.f32 v7, $0.0e+00;
	v3 =	vor.u32 v5, v3;
	vm3 =	vlt.f32 v8, $0.0e+00  }
0x13b: {  	vm1 =	vmor vm2, vm1;
	vm0 =	vmor vm0, vm3;
	vm2 =	vlt.f32 v2, $0.0e+00;
	v5 =	vld [tilespmem:s11+$0x5400]  }
.Ltmp4:
0x13c: {  	v6 =	vsel vm1, $0x10000, v1;
	v7 =	vsel vm0, $0x20000, v1;
	vm0 =	vgt.f32 v2, $0.0e+00;
	(pc) =	sbr.rel @p3 .LBB2_8-.Ltmp4, $4  }
0x13d: {  	v3 =	vor.u32 v6, v3;
	vm0 =	vmor vm0, vm2;
	vm1 =	vlt.f32 v4, $0.0e+00;
	v2 =	vld [tilespmem:s11+$0x5800]  }
0x13e: {  	v6 =	vor.u32 v7, v3;
	v7 =	vsel vm0, $0x40000, v1;
	vm0 =	vgt.f32 v9, $0.0e+00;
	v3 =	vld [tilespmem:s11+$0x5C00]  }
0x13f: {  	vm2 =	vgt.f32 v4, $0.0e+00;
	v6 =	vor.u32 v7, v6;
	vm3 =	vlt.f32 v9, $0.0e+00  }
0x140: {  	vm2 =	vmor vm2, vm1;
	vm1 =	vmor vm0, vm3;
	vm0 =	vlt.f32 v5, $0.0e+00;
	v4 =	vld [tilespmem:s11+$0x6000]  }
0x141: {  	v7 =	vsel vm2, $0x80000, v1;
	vm5 =	vgt.f32 v5, $0.0e+00  }
0x142: {  	v53 =	vsel vm1, $0x100000, v1;
	v54 =	vld [tilespmem:s11+$0x6400];
	v6 =	vor.u32 v7, v6;
	vm0 =	vmor vm5, vm0  }
0x143: {  	v8 =	vld [tilespmem:s11+$0x6800];
	vm6 =	vlt.f32 v2, $0.0e+00;
	vm8 =	vgt.f32 v2, $0.0e+00;
	v5 =	vor.u32 v53, v6  }
0x144: {  	v58 =	vld [tilespmem:s11+$0x7000];
	v55 =	vsel vm0, $0x200000, v1;
	vm7 =	vgt.f32 v3, $0.0e+00;
	vm3 =	vlt.f32 v3, $0.0e+00  }
0x145: {  	v60 =	vld [tilespmem:s11+$0x7400];
	vm1 =	vmor vm8, vm6;
	v2 =	vor.u32 v55, v5;
	vm0 =	vmor vm7, vm3  }
0x146: {  	v56 =	vsel vm1, $0x400000, v1;
	vm9 =	vlt.f32 v4, $0.0e+00;
	vm10 =	vgt.f32 v4, $0.0e+00  }
0x147: {  	v61 =	vld [tilespmem:s11+$0x7800];
	v57 =	vsel vm0, $0x800000, v1;
	v2 =	vor.u32 v56, v2;
	vm11 =	vmor vm10, vm9  }
0x148: {  	v3 =	vld [tilespmem:s11+$0x6C00];
	vm12 =	vlt.f32 v54, $0.0e+00;
	v2 =	vor.u32 v57, v2;
	vm13 =	vgt.f32 v8, $0.0e+00  }
0x149: {  	vm14 =	vgt.f32 v54, $0.0e+00;
	vm15 =	vlt.f32 v8, $0.0e+00;
	vm9 =	vlt.f32 v58, $0.0e+00  }
0x14a: {  	vm10 =	vgt.f32 v60, $0.0e+00;
	v59 =	vsel vm11, $0x1000000, v1;
	vm1 =	vmor vm14, vm12  }
0x14b: {  	vm0 =	vmor vm13, vm15;
	vm11 =	vgt.f32 v58, $0.0e+00;
	vm12 =	vlt.f32 v60, $0.0e+00  }
0x14c: {  	vm13 =	vlt.f32 v61, $0.0e+00;
	vm14 =	vgt.f32 v61, $0.0e+00;
	v2 =	vor.u32 v59, v2  }
0x14d: {  	vm6 =	vlt.f32 v3, $0.0e+00;
	v62 =	vsel vm1, $0x2000000, v1;
	vm7 =	vgt.f32 v3, $0.0e+00  }
0x14e: {  	v3 =	vsel vm0, $0x4000000, v1;
	v2 =	vor.u32 v62, v2;
	vm8 =	vmor vm7, vm6  }
0x14f: {  	vm1 =	vmor vm11, vm9;
	v2 =	vor.u32 v3, v2;
	v3 =	vsel vm8, $0x8000000, v1  }
0x150: {  	vm0 =	vmor vm10, vm12;
	v2 =	vor.u32 v3, v2;
	v3 =	vsel vm1, $0x10000000, v1  }
0x151: {  	vm15 =	vmor vm14, vm13;
	v63 =	vsel vm0, $0x20000000, v1;
	v2 =	vor.u32 v3, v2  }
0x152: {  	s9 =	sadd.s32 $0x1, s9;
	v3 =	vsel vm15, $0x40000000, v1;
	v2 =	vor.u32 v63, v2  }
0x153: {  	p3 =	sne.s32 s9, s25;
	v2 =	vor.u32 v3, v2  }
.Ltmp5:
0x154: {  	s10 =	simm.s32 $0x7C00;
	[tilespmem:s12+$0x0] =	vst v2;
	(pc) =	sbr.rel @p3 .LBB2_1-.Ltmp5, $4  }
0x155: {  	[hbm4b:s24+s2] =	stream.linear.scatter [tilespmem:s10], [sflag:$0x2], $0x400, $0x38;
	[tilespmem:$0x8000] =	vst v63  }
0x156: {  	_ =	swait.ge [sflag:s7], $0x400  }
0x157: {  	[sflag:s7] =	ssyncset.done $0x0  }
0x158: {  	[sflag:s7] =	ssyncadd.s32 $0xFFFFFC00  }
0x159: {  	_ =	sfence.sel $0x180000  }
0x15a: {  	[bflag:$0x0] =	sbarrier.arrive $0xFFFF  }
0x15b: {  	_ =	strace $0x90000047  }
0x15c: {  	s0 =	stileid.u32;
	[bflag:$0x2] =	sbarrier.arrive $0xFFFF  }
0x15d: {  	p0 =	sne.s32 s0, $0x0;
	s0 =	rddreg [dreg:$0x2]  }
0x15e: {  	s0 =	sadd.s32 @!p0 $0x100000, s0  }
0x15f: {  	[sflag:s0] =	ssyncadd.tile.s32 @!p0 $0x1;
	_ =	shalt  }
.Lfunc_end2:
_tile_overlayer_lowered:
.L_overlay_start_2:
0x160: {  	(tag) =	ssettag $0x2  }
0x161: {  	s0 =	rddreg [dreg:$0x0];
	s2 =	stileid.u32  }
0x162: {  	s1 =	rddreg [dreg:$0x1];
	p0 =	sne.s32 s2, $0x0  }
0x163: {  	s3 =	rddreg [dreg:$0x2];
	[bflag:$0x3] =	sbarrier.arrive $0xFFFF;
	s2 =	simm.s32 @!p0 $0x1C02  }
0x164: {  	[timem:s3], [sflag:s2] =	dma.local @!p0 [hbm:s0], s1  }
0x165: {  	s0 =	simm.s32 @!p0 $0x2  }
0x166: {  	_ =	swait.ge @!p0 [sflag:s0], s1  }
0x167: {  	s1 =	ssub.s32 @!p0 $0x0, s1;
	[sflag:s0] =	ssyncset.done @!p0 $0x0  }
0x168: {  	[sflag:s0] =	ssyncadd.s32 @!p0 s1  }
0x169: {  	[bflag:$0x3] =	sbarrier.arrive $0xFFFF  }
0x16a: {  	_ =	shalt  }

// kernel: kernel.7.cloned.1.call-start
scs
__scs_entry_jumppad:
0x0: {  	(pc) =	sbr.rel $0x88, $3  }
0x1: {  	(tag) =	ssettag $0x0;
	lr =	simm.s32 $0x1  }
0x2: {  	[smem:$0x3F9F] =	sst lr;
	_ =	strace $0xD0000000  }
0x3: {  	_ = 	snop  }
0x4: {  	_ = 	snop  }
0x5: {  	_ = 	snop  }
0x6: {  	_ = 	snop  }
0x7: {  	_ = 	snop  }
__scs_overlays_trampoline_lowered:
0x8: {  	[smem:$0x3FAE] =	sst s0  }
0x9: {  	[smem:$0x3FAF] =	sst s1  }
0xa: {  	[smem:$0x3FB0] =	sst s2  }
0xb: {  	[smem:$0x3FB1] =	sst s3  }
0xc: {  	[smem:$0x3FB2] =	sst s4  }
0xd: {  	[smem:$0x3FB3] =	sst s5  }
0xe: {  	[smem:$0x3FB4] =	sst s6  }
0xf: {  	[smem:$0x3FB5] =	sst s7  }
0x10: {  	[smem:$0x3FB6] =	sst s8  }
0x11: {  	[smem:$0x3FB7] =	sst s9;
	s0 =	simm.s32 @!p0 $0x0  }
0x12: {  	s1 =	sld [smem:$0x3F9D];
	s0 =	simm.s32 @p0 $0x1  }
0x13: {  	[smem:$0x3FB8] =	sst s0;
	s0 =	simm.s32 @!p1 $0x0  }
0x14: {  	s2 =	sld [smem:$0x3F9C];
	s0 =	simm.s32 @p1 $0x1  }
0x15: {  	[smem:$0x3FB9] =	sst s0;
	s0 =	simm.s32 @!p2 $0x0  }
0x16: {  	s3 =	sld [smem:$0x3FDB];
	s0 =	simm.s32 @p2 $0x1  }
0x17: {  	s4 =	simm.s32 $0x1BF5;
	[smem:$0x3FBB] =	sst s0  }
0x18: {  	s0 =	sld [smem:$0x3F9E];
	_ =	swait.ge [sflag:s4], $0x0  }
0x19: {  	s7 =	sld [smem:$0x3F9F]  }
0x1a: {  	s8 =	sadd.s32 $0xFFFFE003, lr  }
0x1b: {  	s9 =	sadd.s32 $0xFFFFFEF7, lr;
	s5 =	simm.s32 $0xFFFFFFFF;
	p2 =	slt.u32 s8, $0xFFFFF086  }
0x1c: {  	p1 =	slt.u32 s9, $0xF7A;
	s5 =	simm.s32 @!p2 $0x0  }
0x1d: {  	s5 =	simm.s32 @p1 $0x1;
	p0 =	seq.s32 s7, s2  }
0x1e: {  	s7 =	smul.u32 @!p0 $0xF7A, s2;
	p2 =	seq.s32 @!p0 s5, $0x0  }
0x1f: {  	s9 =	smul.u32 $0xF7A, s1;
	s8 =	simm.s32 @!p0 $0x1BF5;
	p2 =	por !p2, p0  }
0x20: {  	[sflag:s8] =	ssyncset.s32 @!p0 $0xFFFFF086;
	s6 =	sadd.s32 @!p0 s3, s7;
	s7 =	simm.s32 @!p0 $0x108  }
0x21: {  	s3 =	sadd.s32 s3, s9;
	s6 =	sadd.s32 @!p0 $0x88, s6;
	s7 =	simm.s32 @p2 $0x1082  }
0x22: {  	[simem:s7], [sflag:s8] =	dma.local @!p0 [hbm:s6], $0xF7A  }
0x23: {  	s9 =	sor.u32 $0xD0000000, s2;
	s6 =	simm.s32 $0x108;
	_ =	swait.ge @!p0 [sflag:s8], $0x0  }
0x24: {  	s3 =	sadd.s32 $0x88, s3;
	s6 =	simm.s32 @!p1 $0x1082;
	[sflag:s4] =	ssyncset.s32 $0xFFFFF086  }
0x25: {  	[simem:s6], [sflag:s4] =	dma.local [hbm:s3], $0xF7A  }
0x26: {  	[smem:$0x3F9F] =	sst s1;
	(tag) =	ssettag s2;
	_ =	strace s9  }
0x27: {  	s1 =	sld [smem:$0x3FAF]  }
0x28: {  	s2 =	sld [smem:$0x3FB0]  }
0x29: {  	s4 =	sld [smem:$0x3FB2]  }
0x2a: {  	p0 =	seq.s32 s5, $0x0;
	s5 =	sld [smem:$0x3FB3]  }
0x2b: {  	s6 =	sld [smem:$0x3FB4]  }
0x2c: {  	s7 =	sld [smem:$0x3FB5]  }
0x2d: {  	s3 =	simm.s32 $0x108;
	s8 =	sld [smem:$0x3FB6]  }
0x2e: {  	s3 =	simm.s32 @!p0 $0x1082;
	s9 =	sld [smem:$0x3FB7]  }
0x2f: {  	lr =	sadd.s32 s0, s3;
	s0 =	sld [smem:$0x3FAE]  }
0x30: {  	s3 =	sld [smem:$0x3FB1]  }
0x31: {  	[smem:$0x3FBA] =	sst s10  }
0x32: {  	s10 =	sld [smem:$0x3FB8];
	_ =	sdelay $0x3  }
0x33: {  	p0 =	seq.s32 s10, $0x1;
	s10 =	sld [smem:$0x3FBA];
	_ =	sdelay $0x3  }
0x34: {  	[smem:$0x3FBA] =	sst s10  }
0x35: {  	s10 =	sld [smem:$0x3FB9];
	_ =	sdelay $0x3  }
0x36: {  	p1 =	seq.s32 s10, $0x1;
	s10 =	sld [smem:$0x3FBA];
	_ =	sdelay $0x3  }
0x37: {  	[smem:$0x3FBA] =	sst s10  }
0x38: {  	s10 =	sld [smem:$0x3FBB]  }
0x39: {  	_ = 	snop;
	(pc) =	sbr.ind lr, $3  }
0x3a: {  	_ = 	snop  }
0x3b: {  	_ = 	snop  }
0x3c: {  	p2 =	seq.s32 s10, $0x1;
	s10 =	sld [smem:$0x3FBA]  }
0x3d: {  	_ =	shalt  }
0x3e: {  	_ =	shalt  }
0x3f: {  	_ =	shalt  }
0x40: {  	_ =	shalt  }
0x41: {  	_ =	shalt  }
0x42: {  	_ =	shalt  }
0x43: {  	_ =	shalt  }
0x44: {  	_ =	shalt  }
0x45: {  	_ =	shalt  }
0x46: {  	_ =	shalt  }
0x47: {  	_ =	shalt  }
0x48: {  	_ =	shalt  }
0x49: {  	_ =	shalt  }
0x4a: {  	_ =	shalt  }
0x4b: {  	_ =	shalt  }
0x4c: {  	_ =	shalt  }
0x4d: {  	_ =	shalt  }
0x4e: {  	_ =	shalt  }
0x4f: {  	_ =	shalt  }
0x50: {  	_ =	shalt  }
0x51: {  	_ =	shalt  }
0x52: {  	_ =	shalt  }
0x53: {  	_ =	shalt  }
0x54: {  	_ =	shalt  }
0x55: {  	_ =	shalt  }
0x56: {  	_ =	shalt  }
0x57: {  	_ =	shalt  }
0x58: {  	_ =	shalt  }
0x59: {  	_ =	shalt  }
0x5a: {  	_ =	shalt  }
0x5b: {  	_ =	shalt  }
0x5c: {  	_ =	shalt  }
0x5d: {  	_ =	shalt  }
0x5e: {  	_ =	shalt  }
0x5f: {  	_ =	shalt  }
0x60: {  	_ =	shalt  }
0x61: {  	_ =	shalt  }
0x62: {  	_ =	shalt  }
0x63: {  	_ =	shalt  }
0x64: {  	_ =	shalt  }
0x65: {  	_ =	shalt  }
0x66: {  	_ =	shalt  }
0x67: {  	_ =	shalt  }
0x68: {  	_ =	shalt  }
0x69: {  	_ =	shalt  }
0x6a: {  	_ =	shalt  }
0x6b: {  	_ =	shalt  }
0x6c: {  	_ =	shalt  }
0x6d: {  	_ =	shalt  }
0x6e: {  	_ =	shalt  }
0x6f: {  	_ =	shalt  }
0x70: {  	_ =	shalt  }
0x71: {  	_ =	shalt  }
0x72: {  	_ =	shalt  }
0x73: {  	_ =	shalt  }
0x74: {  	_ =	shalt  }
0x75: {  	_ =	shalt  }
0x76: {  	_ =	shalt  }
0x77: {  	_ =	shalt  }
0x78: {  	_ =	shalt  }
0x79: {  	_ =	shalt  }
0x7a: {  	_ =	shalt  }
0x7b: {  	_ =	shalt  }
0x7c: {  	_ =	shalt  }
0x7d: {  	_ =	shalt  }
0x7e: {  	_ =	shalt  }
0x7f: {  	_ =	shalt  }
0x80: {  	_ =	shalt  }
0x81: {  	_ =	shalt  }
0x82: {  	_ =	shalt  }
0x83: {  	_ =	shalt  }
0x84: {  	_ =	shalt  }
0x85: {  	_ =	shalt  }
0x86: {  	_ =	shalt  }
0x87: {  	_ =	shalt  }
.Lfunc_end0:
.L_simem_size_0:
called_computation.1_lowered:
.L_overlay_start_0:
0x88: {  	s2 =	sld [smem:$0x3FD9]  }
0x89: {  	s3 =	sld [smem:$0x3FFE];
	_ =	sdelay $0x1  }
0x8a: {  	s1 =	srdreg.scid  }
0x8b: {  	s0 =	sand.u32 $0x1, s1  }
0x8c: {  	s17 =	sshll.u32 s0, $0xA;
	s2 =	sadd.s32 s3, s2  }
0x8d: {  	s2 =	sadd.s32 s2, s17  }
0x8e: {  	[smem:$0x3FC6] =	sst s2  }
0x8f: {  	_ = 	snop  }
0x90: {  	s2 =	sld [smem:$0x3FD0];
	(tm) =	ssettm $0x1  }
0x91: {  	s18 =	sld [smem:$0x3FFB];
	_ =	sdelay $0x3  }
0x92: {  	_ =	strace s18  }
0x93: {  	s3 =	sld [smem:$0x3FFC];
	_ =	sdelay $0x3  }
0x94: {  	_ =	strace s3  }
0x95: {  	s3 =	sld [smem:$0x3FFD];
	_ =	sdelay $0x3  }
0x96: {  	_ =	strace s3  }
0x97: {  	_ =	strace $0x8FFFFFFF  }
0x98: {  	s19 =	sld [smem:$0x3FDB];
	_ =	sdelay $0x1  }
0x99: {  	s4 =	simm.s32 $_scs_section_size  }
0x9a: {  	s5 =	simm.s32 $_size__tile_overlayer_lowered;
	s6 =	simm.s32 $_tile_overlayer_lowered  }
0x9b: {  	s22 =	simm.s32 $0x1BFF;
	s21 =	sshll.u32 s6, $0x1;
	s3 =	sadd.s32 s4, s19  }
0x9c: {  	s7 =	simm.s32 $0x0;
	s20 =	sshll.u32 s5, $0x1;
	s5 =	sadd.s32 s21, s3  }
0x9d: {  	[timem:s7], [sflag:s22] =	dma.local [hbm:s5], s20  }
0x9e: {  	_ =	swait.ge [sflag:s22], s20  }
0x9f: {  	s4 =	ssub.s32 $0x0, s20;
	[sflag:s22] =	ssyncset.done $0x0  }
0xa0: {  	[sflag:s22] =	ssyncadd.s32 s4;
	_ =	sdelay $0x1  }
0xa1: {  	s23 =	simm.s32 $0x1B8B  }
0xa2: {  	_ =	swait.ge [sflag:s23], $0x1  }
0xa3: {  	[sflag:s23] =	ssyncset.done $0x0  }
0xa4: {  	s25 =	simm.s32 $0x1B8E;
	s24 =	sld [smem:$0x3FFE];
	[sflag:s23] =	ssyncadd.s32 $0xFFFFFFFF  }
0xa5: {  	s26 =	simm.s32 $execute0_lowered;
	[smem:$0x3FD2] =	sst s25  }
0xa6: {  	s5 =	sshll.u32 s26, $0x1;
	_ =	strace $0x80000049;
	[dreg:$0x1] =	wrdreg $0xFFFFFFFF  }
0xa7: {  	s28 =	simm.s32 $_size_execute0_lowered;
	s3 =	sadd.s32 s3, s5;
	[dreg:$0x0] =	wrdreg $0x0  }
0xa8: {  	s5 =	sshll.u32 s28, $0x1;
	[dreg:$0x2] =	wrdreg s3  }
0xa9: {  	[dreg:$0x3] =	wrdreg s5  }
0xaa: {  	[dreg:$0x4] =	wrdreg $0xC0  }
0xab: {  	_ =	task [dreg:s7], $0x5FFFF  }
0xac: {  	[dreg:$0x1] =	wrdreg $0xFFFFFFFF  }
0xad: {  	[dreg:$0x0] =	wrdreg $0x60  }
0xae: {  	[dreg:$0x2] =	wrdreg s24  }
0xaf: {  	[dreg:$0x3] =	wrdreg s2  }
0xb0: {  	[dreg:$0x4] =	wrdreg $0x9  }
0xb1: {  	_ =	task.clear_ibuf [dreg:s7], $0x5FFFF;
	_ =	strace $0x90000049  }
0xb2: {  	s29 =	simm.s32 $0x9;
	_ =	strace $0x8000004B  }
0xb3: {  	_ =	swait.ge [sflag:s29], $0x1  }
0xb4: {  	[sflag:s29] =	ssyncadd.s32 $0xFFFFFFFF  }
0xb5: {  	_ =	strace $0x9000004B  }
0xb6: {  	_ =	sfence  }
0xb7: {  	s30 =	sld [smem:$0x0];
	_ =	sdelay $0x2  }
0xb8: {  	s31 =	sshll.u32 s1, $0xD;
	s1 =	sshrl.u32 s1, $0x2  }
0xb9: {  	s3 =	sand.u32 $0x4000, s31;
	s1 =	sadd.s32 s1, s30  }
0xba: {  	s0 =	sor.u32 s3, s0;
	s1 =	sshll.u32 s1, $0x11  }
0xbb: {  	s0 =	sor.u32 s1, s0  }
0xbc: {  	s0 =	sadd.s32 $0x8F2B, s0  }
0xbd: {  	[sflag:s0] =	ssyncadd.remote.s32 $0x1  }
0xbe: {  	_ =	sfence.sel $0xFFFF  }
0xbf: {  	[dreg:$0x0] =	wrdreg $0xFFFFFFFF;
	(pc) =	sbr.abs _section_cstart, $3  }
0xc0: {  	[dreg:$0x1] =	wrdreg $0xFFFFFFFF  }
0xc1: {  	_ =	task.clear_ibuf [dreg:s7], $0x2FFFF;
	_ =	strace $0x9FFFFFFF  }
0xc2: {  	(tm) =	ssettm $0x7FFFFFFF  }
0xc3: {  	_ =	shalt  }
tec
execute0_lowered:
.L_overlay_start_1:
0x0: {  	(tag) =	ssettag $0x1  }
0x1: {  	s0 =	srdreg.scid;
	s1 =	rddreg [dreg:$0x0]  }
0x2: {  	s3 =	rddreg [dreg:$0x1];
	s5 =	stileid.u32  }
0x3: {  	s2 =	simm.s32 $0x0;
	s21 =	simm.s32 $0x8000;
	s22 =	simm.s32 $0x1  }
0x4: {  	s23 =	simm.s32 $0x9900;
	s24 =	simm.s32 $0x2;
	s28 =	simm.s32 $0xCB00  }
0x5: {  	s29 =	simm.s32 $0x4;
	s30 =	simm.s32 $0x5;
	s0 =	sand.u32 $0x1, s0  }
0x6: {  	s31 =	simm.s32 $0x0;
	[smem:$0x7FF] =	sst s2;
	s4 =	sshll.u32 s0, $0x4  }
0x7: {  	s25 =	sadd.s32 $0x800, s1;
	s1 =	sadd.s32 $0x1800, s1;
	s4 =	sor.u32 s5, s4  }
0x8: {  	_ =	strace $0x8000004A;
	s0 =	ssub.s32 $0x2, s0;
	s4 =	smul.u32 $0xC800, s4  }
0x9: {  	[dreg:$0x3] =	wrdreg s25;
	s25 =	simm.s32 $0xB200;
	s26 =	sshrl.u32 s0, $0x1  }
0xa: {  	s0 =	ssub.s32 s0, s26;
	s26 =	simm.s32 $0x3;
	s16 =	sshrl.u32 s4, $0x3  }
0xb: {  	s20 =	smax.u32 s0, $0x1;
	s8 =	sadd.s32 $0x320, s16;
	s4 =	sadd.s32 s3, s16  }
0xc: {  	s10 =	sadd.s32 $0x640, s16;
	s6 =	sadd.s32 s1, s16;
	s12 =	sadd.s32 $0x960, s16  }
0xd: {  	s14 =	sadd.s32 $0xC80, s16;
	s17 =	sadd.s32 $0xFA0, s16;
	s18 =	sadd.s32 $0x12C0, s16  }
0xe: {  	s19 =	sadd.s32 $0x15E0, s16;
	s5 =	sadd.s32 s3, s8;
	s7 =	sadd.s32 s3, s10  }
0xf: {  	s8 =	sadd.s32 s1, s8;
	s9 =	sadd.s32 s3, s12;
	s10 =	sadd.s32 s1, s10  }
0x10: {  	s11 =	sadd.s32 s3, s14;
	s12 =	sadd.s32 s1, s12;
	s13 =	sadd.s32 s3, s17  }
0x11: {  	s14 =	sadd.s32 s1, s14;
	s15 =	sadd.s32 s3, s18;
	s16 =	sadd.s32 s1, s17  }
0x12: {  	s17 =	sadd.s32 s3, s19;
	s18 =	sadd.s32 s1, s18;
	s19 =	sadd.s32 s1, s19  }
.LBB2_1:
0x13: {  	[tilespmem:s21], [sflag:$0x2] =	stream.linear.gather [hbm4b:s4+s2], $0x1900, $0x38;
	[tilespmem:$0xE400] =	vst v63  }
0x14: {  	s0 =	rddreg [dreg:$0x3]  }
0x15: {  	[tilespmem:s2], [sflag:$0x1] =	stream.linear.gather [hbm4b:s0+s2], $0x8000, $0x38;
	[tilespmem:$0xE400] =	vst v63  }
0x16: {  	_ =	swait.ge [sflag:s22], $0x8000  }
0x17: {  	[sflag:s22] =	ssyncset.done $0x0  }
0x18: {  	[sflag:s22] =	ssyncadd.s32 $0xFFFF8000  }
0x19: {  	[tilespmem:s23], [sflag:$0x3] =	stream.linear.gather [hbm4b:s5+s2], $0x1900, $0x38;
	[tilespmem:$0xE400] =	vst v63  }
0x1a: {  	_ =	swait.ge [sflag:s24], $0x1900  }
0x1b: {  	[sflag:s24] =	ssyncset.done $0x0  }
0x1c: {  	s0 =	simm.s32 $0x0;
	[sflag:s24] =	ssyncadd.s32 $0xFFFFE700  }
0x1d: {  	v0 =	vld [tilespmem:s0+$0x8000];
	_ =	sdelay $0x4  }
0x1e: {  	v1 =	vand.u32 $0x7FFF, v0;
	_ =	sdelay $0x2  }
0x1f: {  	v2 =	vld [tilespmem:s0+$0x8010];
	_ =	sdelay $0x1  }
0x20: {  	v1 =	vld.idx.msk [tilespmem:v1+s2+$0x0], $0xffff;
	_ =	sdelay $0x2  }
0x21: {  	v3 =	vand.u32 $0x7FFF, v2  }
0x22: {  	v0 =	vshrl.u32 v0, $0xF  }
0x23: {  	v0 =	vshrl.u32 v1, v0  }
0x24: {  	v1 =	vld [tilespmem:s0+$0x8020];
	v0 =	vandn.u32 $0x1, v0  }
0x25: {  	[tilespmem:s0+$0xB200] =	vst v0  }
0x26: {  	v0 =	vld.idx.msk [tilespmem:v3+s2+$0x0], $0xffff;
	_ =	sdelay $0x2  }
0x27: {  	v3 =	vand.u32 $0x7FFF, v1  }
0x28: {  	v2 =	vshrl.u32 v2, $0xF  }
0x29: {  	v0 =	vshrl.u32 v0, v2  }
0x2a: {  	v0 =	vandn.u32 $0x1, v0  }
0x2b: {  	[tilespmem:s0+$0xB210] =	vst v0;
	v0 =	vld [tilespmem:s0+$0x8030]  }
0x2c: {  	v2 =	vld.idx.msk [tilespmem:v3+s2+$0x0], $0xffff;
	_ =	sdelay $0x3  }
0x2d: {  	v1 =	vshrl.u32 v1, $0xF  }
0x2e: {  	v2 =	vshrl.u32 v2, v1;
	v1 =	vand.u32 $0x7FFF, v0;
	_ =	sdelay $0x2  }
0x2f: {  	s3 =	simm.s32 $0x40;
	s1 =	simm.s32 $0x200;
	v2 =	vandn.u32 $0x1, v2  }
.LBB2_2:
0x30: {  	p0 =	sne.s32 s1, $0x6300;
	v3 =	vld [tilespmem:s3+$0x8000];
	[tilespmem:s0+$0xB220] =	vst v2  }
0x31: {  	v1 =	vld.idx.msk [tilespmem:v1+s2+$0x0], $0xffff;
	_ =	sdelay $0x3  }
0x32: {  	v2 =	vand.u32 $0x7FFF, v3  }
0x33: {  	v0 =	vshrl.u32 v0, $0xF  }
0x34: {  	v0 =	vshrl.u32 v1, v0  }
0x35: {  	v0 =	vandn.u32 $0x1, v0  }
0x36: {  	v1 =	vld [tilespmem:s3+$0x8010];
	[tilespmem:s0+$0xB230] =	vst v0;
	s0 =	smov.u32 s3  }
0x37: {  	v0 =	vld.idx.msk [tilespmem:v2+s2+$0x0], $0xffff;
	_ =	sdelay $0x3  }
0x38: {  	v2 =	vand.u32 $0x7FFF, v1  }
0x39: {  	v3 =	vshrl.u32 v3, $0xF  }
0x3a: {  	v0 =	vshrl.u32 v0, v3  }
0x3b: {  	v0 =	vandn.u32 $0x1, v0  }
0x3c: {  	[tilespmem:s0+$0xB200] =	vst v0;
	v3 =	vld [tilespmem:s0+$0x8020]  }
0x3d: {  	v0 =	vld.idx.msk [tilespmem:v2+s2+$0x0], $0xffff;
	_ =	sdelay $0x3  }
0x3e: {  	v2 =	vand.u32 $0x7FFF, v3  }
0x3f: {  	v1 =	vshrl.u32 v1, $0xF  }
0x40: {  	v0 =	vshrl.u32 v0, v1  }
0x41: {  	v0 =	vandn.u32 $0x1, v0  }
0x42: {  	[tilespmem:s0+$0xB210] =	vst v0;
	v0 =	vld [tilespmem:s0+$0x8030]  }
0x43: {  	v2 =	vld.idx.msk [tilespmem:v2+s2+$0x0], $0xffff;
	_ =	sdelay $0x2  }
.Ltmp0:
0x44: {  	(pc) =	sbr.rel @p0 .LBB2_2-.Ltmp0, $4  }
0x45: {  	v1 =	vand.u32 $0x7FFF, v0  }
0x46: {  	v3 =	vshrl.u32 v3, $0xF  }
0x47: {  	v2 =	vshrl.u32 v2, v3  }
0x48: {  	s3 =	sshra.s32 s1, $0x2;
	s1 =	sadd.s32 $0x100, s1;
	v2 =	vandn.u32 $0x1, v2  }
0x49: {  	_ =	sdelay $0x1  }
0x4a: {  	v3 =	vld [tilespmem:s3+$0x8000]  }
0x4b: {  	[tilespmem:s0+$0xB220] =	vst v2  }
0x4c: {  	v1 =	vld.idx.msk [tilespmem:v1+s2+$0x0], $0xffff;
	_ =	sdelay $0x2  }
0x4d: {  	v2 =	vand.u32 $0x7FFF, v3  }
0x4e: {  	v0 =	vshrl.u32 v0, $0xF  }
0x4f: {  	v0 =	vshrl.u32 v1, v0  }
0x50: {  	v1 =	vld [tilespmem:s3+$0x8010];
	v0 =	vandn.u32 $0x1, v0  }
0x51: {  	[tilespmem:s0+$0xB230] =	vst v0  }
0x52: {  	v0 =	vld.idx.msk [tilespmem:v2+s2+$0x0], $0xffff;
	_ =	sdelay $0x2  }
0x53: {  	v2 =	vand.u32 $0x7FFF, v1  }
0x54: {  	v3 =	vshrl.u32 v3, $0xF  }
0x55: {  	v0 =	vshrl.u32 v0, v3  }
0x56: {  	v0 =	vandn.u32 $0x1, v0  }
0x57: {  	[tilespmem:s3+$0xB200] =	vst v0;
	v0 =	vld [tilespmem:s3+$0x8020]  }
0x58: {  	v2 =	vld.idx.msk [tilespmem:v2+s2+$0x0], $0xffff;
	_ =	sdelay $0x3  }
0x59: {  	v1 =	vshrl.u32 v1, $0xF;
	v3 =	vand.u32 $0x7FFF, v0  }
0x5a: {  	v1 =	vshrl.u32 v2, v1  }
0x5b: {  	v1 =	vandn.u32 $0x1, v1  }
0x5c: {  	[tilespmem:s3+$0xB210] =	vst v1;
	v1 =	vld [tilespmem:s3+$0x8030];
	_ =	sdelay $0x1  }
0x5d: {  	v2 =	vld.idx.msk [tilespmem:v3+s2+$0x0], $0xffff;
	_ =	sdelay $0x2  }
0x5e: {  	v3 =	vand.u32 $0x7FFF, v1  }
0x5f: {  	v0 =	vshrl.u32 v0, $0xF  }
0x60: {  	v0 =	vshrl.u32 v2, v0  }
0x61: {  	v0 =	vandn.u32 $0x1, v0  }
0x62: {  	[tilespmem:s3+$0xB220] =	vst v0  }
0x63: {  	v0 =	vld.idx.msk [tilespmem:v3+s2+$0x0], $0xffff;
	_ =	sdelay $0x3  }
0x64: {  	v1 =	vshrl.u32 v1, $0xF  }
0x65: {  	v0 =	vshrl.u32 v0, v1  }
0x66: {  	v0 =	vandn.u32 $0x1, v0  }
0x67: {  	[tilespmem:s3+$0xB230] =	vst v0;
	s3 =	simm.s32 $0x0  }
0x68: {  	[hbm4b:s6+s3] =	stream.linear.scatter [tilespmem:s25], [sflag:$0x4], $0x1900, $0x38;
	[tilespmem:$0xE400] =	vst v63  }
0x69: {  	_ = 	snop  }
0x6a: {  	[tilespmem:s21], [sflag:$0x2] =	stream.linear.gather [hbm4b:s7+s3], $0x1900, $0x38;
	[tilespmem:$0xE400] =	vst v63  }
0x6b: {  	_ =	swait.ge [sflag:s26], $0x1900  }
0x6c: {  	[sflag:s26] =	ssyncset.done $0x0  }
0x6d: {  	s0 =	simm.s32 $0x0;
	[sflag:s26] =	ssyncadd.s32 $0xFFFFE700  }
0x6e: {  	v0 =	vld [tilespmem:s0+$0x9900];
	_ =	sdelay $0x4  }
0x6f: {  	v1 =	vand.u32 $0x7FFF, v0;
	_ =	sdelay $0x2  }
0x70: {  	v2 =	vld [tilespmem:s0+$0x9910];
	_ =	sdelay $0x1  }
0x71: {  	v1 =	vld.idx.msk [tilespmem:v1+s2+$0x0], $0xffff;
	_ =	sdelay $0x2  }
0x72: {  	v3 =	vand.u32 $0x7FFF, v2  }
0x73: {  	v0 =	vshrl.u32 v0, $0xF  }
0x74: {  	v0 =	vshrl.u32 v1, v0  }
0x75: {  	v1 =	vld [tilespmem:s0+$0x9920];
	v0 =	vandn.u32 $0x1, v0  }
0x76: {  	[tilespmem:s0+$0xCB00] =	vst v0  }
0x77: {  	v0 =	vld.idx.msk [tilespmem:v3+s2+$0x0], $0xffff;
	_ =	sdelay $0x2  }
0x78: {  	v3 =	vand.u32 $0x7FFF, v1  }
0x79: {  	v2 =	vshrl.u32 v2, $0xF  }
0x7a: {  	v0 =	vshrl.u32 v0, v2  }
0x7b: {  	v0 =	vandn.u32 $0x1, v0  }
0x7c: {  	[tilespmem:s0+$0xCB10] =	vst v0;
	v0 =	vld [tilespmem:s0+$0x9930]  }
0x7d: {  	v2 =	vld.idx.msk [tilespmem:v3+s2+$0x0], $0xffff;
	_ =	sdelay $0x3  }
0x7e: {  	v1 =	vshrl.u32 v1, $0xF  }
0x7f: {  	v2 =	vshrl.u32 v2, v1;
	v1 =	vand.u32 $0x7FFF, v0;
	_ =	sdelay $0x2  }
0x80: {  	s1 =	simm.s32 $0x200;
	s3 =	simm.s32 $0x40;
	v2 =	vandn.u32 $0x1, v2  }
.LBB2_4:
0x81: {  	p0 =	sne.s32 s1, $0x6300;
	v3 =	vld [tilespmem:s3+$0x9900];
	[tilespmem:s0+$0xCB20] =	vst v2  }
0x82: {  	v1 =	vld.idx.msk [tilespmem:v1+s2+$0x0], $0xffff;
	_ =	sdelay $0x3  }
0x83: {  	v2 =	vand.u32 $0x7FFF, v3  }
0x84: {  	v0 =	vshrl.u32 v0, $0xF  }
0x85: {  	v0 =	vshrl.u32 v1, v0  }
0x86: {  	v0 =	vandn.u32 $0x1, v0  }
0x87: {  	v1 =	vld [tilespmem:s3+$0x9910];
	[tilespmem:s0+$0xCB30] =	vst v0;
	s0 =	smov.u32 s3  }
0x88: {  	v0 =	vld.idx.msk [tilespmem:v2+s2+$0x0], $0xffff;
	_ =	sdelay $0x3  }
0x89: {  	v2 =	vand.u32 $0x7FFF, v1  }
0x8a: {  	v3 =	vshrl.u32 v3, $0xF  }
0x8b: {  	v0 =	vshrl.u32 v0, v3  }
0x8c: {  	v0 =	vandn.u32 $0x1, v0  }
0x8d: {  	[tilespmem:s0+$0xCB00] =	vst v0;
	v3 =	vld [tilespmem:s0+$0x9920]  }
0x8e: {  	v0 =	vld.idx.msk [tilespmem:v2+s2+$0x0], $0xffff;
	_ =	sdelay $0x3  }
0x8f: {  	v2 =	vand.u32 $0x7FFF, v3  }
0x90: {  	v1 =	vshrl.u32 v1, $0xF  }
0x91: {  	v0 =	vshrl.u32 v0, v1  }
0x92: {  	v0 =	vandn.u32 $0x1, v0  }
0x93: {  	[tilespmem:s0+$0xCB10] =	vst v0;
	v0 =	vld [tilespmem:s0+$0x9930]  }
0x94: {  	v2 =	vld.idx.msk [tilespmem:v2+s2+$0x0], $0xffff;
	_ =	sdelay $0x2  }
.Ltmp1:
0x95: {  	(pc) =	sbr.rel @p0 .LBB2_4-.Ltmp1, $4  }
0x96: {  	v1 =	vand.u32 $0x7FFF, v0  }
0x97: {  	v3 =	vshrl.u32 v3, $0xF  }
0x98: {  	v2 =	vshrl.u32 v2, v3  }
0x99: {  	s3 =	sshra.s32 s1, $0x2;
	s1 =	sadd.s32 $0x100, s1;
	v2 =	vandn.u32 $0x1, v2  }
0x9a: {  	_ =	sdelay $0x1  }
0x9b: {  	v3 =	vld [tilespmem:s3+$0x9900]  }
0x9c: {  	[tilespmem:s0+$0xCB20] =	vst v2  }
0x9d: {  	v1 =	vld.idx.msk [tilespmem:v1+s2+$0x0], $0xffff;
	_ =	sdelay $0x2  }
0x9e: {  	v2 =	vand.u32 $0x7FFF, v3  }
0x9f: {  	v0 =	vshrl.u32 v0, $0xF  }
0xa0: {  	v0 =	vshrl.u32 v1, v0  }
0xa1: {  	v1 =	vld [tilespmem:s3+$0x9910];
	v0 =	vandn.u32 $0x1, v0  }
0xa2: {  	[tilespmem:s0+$0xCB30] =	vst v0  }
0xa3: {  	v0 =	vld.idx.msk [tilespmem:v2+s2+$0x0], $0xffff;
	_ =	sdelay $0x2  }
0xa4: {  	v2 =	vand.u32 $0x7FFF, v1  }
0xa5: {  	v3 =	vshrl.u32 v3, $0xF  }
0xa6: {  	v0 =	vshrl.u32 v0, v3  }
0xa7: {  	v0 =	vandn.u32 $0x1, v0  }
0xa8: {  	[tilespmem:s3+$0xCB00] =	vst v0;
	v0 =	vld [tilespmem:s3+$0x9920]  }
0xa9: {  	v2 =	vld.idx.msk [tilespmem:v2+s2+$0x0], $0xffff;
	_ =	sdelay $0x3  }
0xaa: {  	v1 =	vshrl.u32 v1, $0xF;
	v3 =	vand.u32 $0x7FFF, v0  }
0xab: {  	v1 =	vshrl.u32 v2, v1  }
0xac: {  	v1 =	vandn.u32 $0x1, v1  }
0xad: {  	[tilespmem:s3+$0xCB10] =	vst v1;
	v1 =	vld [tilespmem:s3+$0x9930];
	_ =	sdelay $0x1  }
0xae: {  	v2 =	vld.idx.msk [tilespmem:v3+s2+$0x0], $0xffff;
	_ =	sdelay $0x2  }
0xaf: {  	v3 =	vand.u32 $0x7FFF, v1  }
0xb0: {  	v0 =	vshrl.u32 v0, $0xF  }
0xb1: {  	v0 =	vshrl.u32 v2, v0  }
0xb2: {  	v0 =	vandn.u32 $0x1, v0  }
0xb3: {  	[tilespmem:s3+$0xCB20] =	vst v0  }
0xb4: {  	v0 =	vld.idx.msk [tilespmem:v3+s2+$0x0], $0xffff;
	_ =	sdelay $0x3  }
0xb5: {  	v1 =	vshrl.u32 v1, $0xF  }
0xb6: {  	v0 =	vshrl.u32 v0, v1  }
0xb7: {  	v0 =	vandn.u32 $0x1, v0  }
0xb8: {  	[tilespmem:s3+$0xCB30] =	vst v0;
	s3 =	simm.s32 $0x0  }
0xb9: {  	[hbm4b:s8+s3] =	stream.linear.scatter [tilespmem:s28], [sflag:$0x5], $0x1900, $0x38;
	[tilespmem:$0xE400] =	vst v63  }
0xba: {  	_ = 	snop  }
0xbb: {  	[tilespmem:s23], [sflag:$0x3] =	stream.linear.gather [hbm4b:s9+s3], $0x1900, $0x38;
	[tilespmem:$0xE400] =	vst v63  }
0xbc: {  	_ =	swait.ge [sflag:s24], $0x1900  }
0xbd: {  	[sflag:s24] =	ssyncset.done $0x0  }
0xbe: {  	[sflag:s24] =	ssyncadd.s32 $0xFFFFE700  }
0xbf: {  	_ =	swait.ge [sflag:s29], $0x1900  }
0xc0: {  	[sflag:s29] =	ssyncset.done $0x0  }
0xc1: {  	s0 =	simm.s32 $0x0;
	[sflag:s29] =	ssyncadd.s32 $0xFFFFE700  }
0xc2: {  	v0 =	vld [tilespmem:s0+$0x8000];
	_ =	sdelay $0x4  }
0xc3: {  	v1 =	vand.u32 $0x7FFF, v0;
	_ =	sdelay $0x2  }
0xc4: {  	v2 =	vld [tilespmem:s0+$0x8010];
	_ =	sdelay $0x1  }
0xc5: {  	v1 =	vld.idx.msk [tilespmem:v1+s2+$0x0], $0xffff;
	_ =	sdelay $0x2  }
0xc6: {  	v3 =	vand.u32 $0x7FFF, v2  }
0xc7: {  	v0 =	vshrl.u32 v0, $0xF  }
0xc8: {  	v0 =	vshrl.u32 v1, v0  }
0xc9: {  	v1 =	vld [tilespmem:s0+$0x8020];
	v0 =	vandn.u32 $0x1, v0  }
0xca: {  	[tilespmem:s0+$0xB200] =	vst v0  }
0xcb: {  	v0 =	vld.idx.msk [tilespmem:v3+s2+$0x0], $0xffff;
	_ =	sdelay $0x2  }
0xcc: {  	v3 =	vand.u32 $0x7FFF, v1  }
0xcd: {  	v2 =	vshrl.u32 v2, $0xF  }
0xce: {  	v0 =	vshrl.u32 v0, v2  }
0xcf: {  	v0 =	vandn.u32 $0x1, v0  }
0xd0: {  	[tilespmem:s0+$0xB210] =	vst v0;
	v0 =	vld [tilespmem:s0+$0x8030]  }
0xd1: {  	v2 =	vld.idx.msk [tilespmem:v3+s2+$0x0], $0xffff;
	_ =	sdelay $0x3  }
0xd2: {  	v1 =	vshrl.u32 v1, $0xF  }
0xd3: {  	v2 =	vshrl.u32 v2, v1;
	v1 =	vand.u32 $0x7FFF, v0;
	_ =	sdelay $0x2  }
0xd4: {  	s1 =	simm.s32 $0x200;
	s3 =	simm.s32 $0x40;
	v2 =	vandn.u32 $0x1, v2  }
.LBB2_6:
0xd5: {  	p0 =	sne.s32 s1, $0x6300;
	v3 =	vld [tilespmem:s3+$0x8000];
	[tilespmem:s0+$0xB220] =	vst v2  }
0xd6: {  	v1 =	vld.idx.msk [tilespmem:v1+s2+$0x0], $0xffff;
	_ =	sdelay $0x3  }
0xd7: {  	v2 =	vand.u32 $0x7FFF, v3  }
0xd8: {  	v0 =	vshrl.u32 v0, $0xF  }
0xd9: {  	v0 =	vshrl.u32 v1, v0  }
0xda: {  	v0 =	vandn.u32 $0x1, v0  }
0xdb: {  	v1 =	vld [tilespmem:s3+$0x8010];
	[tilespmem:s0+$0xB230] =	vst v0;
	s0 =	smov.u32 s3  }
0xdc: {  	v0 =	vld.idx.msk [tilespmem:v2+s2+$0x0], $0xffff;
	_ =	sdelay $0x3  }
0xdd: {  	v2 =	vand.u32 $0x7FFF, v1  }
0xde: {  	v3 =	vshrl.u32 v3, $0xF  }
0xdf: {  	v0 =	vshrl.u32 v0, v3  }
0xe0: {  	v0 =	vandn.u32 $0x1, v0  }
0xe1: {  	[tilespmem:s0+$0xB200] =	vst v0;
	v3 =	vld [tilespmem:s0+$0x8020]  }
0xe2: {  	v0 =	vld.idx.msk [tilespmem:v2+s2+$0x0], $0xffff;
	_ =	sdelay $0x3  }
0xe3: {  	v2 =	vand.u32 $0x7FFF, v3  }
0xe4: {  	v1 =	vshrl.u32 v1, $0xF  }
0xe5: {  	v0 =	vshrl.u32 v0, v1  }
0xe6: {  	v0 =	vandn.u32 $0x1, v0  }
0xe7: {  	[tilespmem:s0+$0xB210] =	vst v0;
	v0 =	vld [tilespmem:s0+$0x8030]  }
0xe8: {  	v2 =	vld.idx.msk [tilespmem:v2+s2+$0x0], $0xffff;
	_ =	sdelay $0x2  }
.Ltmp2:
0xe9: {  	(pc) =	sbr.rel @p0 .LBB2_6-.Ltmp2, $4  }
0xea: {  	v1 =	vand.u32 $0x7FFF, v0  }
0xeb: {  	v3 =	vshrl.u32 v3, $0xF  }
0xec: {  	v2 =	vshrl.u32 v2, v3  }
0xed: {  	s3 =	sshra.s32 s1, $0x2;
	s1 =	sadd.s32 $0x100, s1;
	v2 =	vandn.u32 $0x1, v2  }
0xee: {  	_ =	sdelay $0x1  }
0xef: {  	v3 =	vld [tilespmem:s3+$0x8000]  }
0xf0: {  	[tilespmem:s0+$0xB220] =	vst v2  }
0xf1: {  	v1 =	vld.idx.msk [tilespmem:v1+s2+$0x0], $0xffff;
	_ =	sdelay $0x2  }
0xf2: {  	v2 =	vand.u32 $0x7FFF, v3  }
0xf3: {  	v0 =	vshrl.u32 v0, $0xF  }
0xf4: {  	v0 =	vshrl.u32 v1, v0  }
0xf5: {  	v1 =	vld [tilespmem:s3+$0x8010];
	v0 =	vandn.u32 $0x1, v0  }
0xf6: {  	[tilespmem:s0+$0xB230] =	vst v0  }
0xf7: {  	v0 =	vld.idx.msk [tilespmem:v2+s2+$0x0], $0xffff;
	_ =	sdelay $0x2  }
0xf8: {  	v2 =	vand.u32 $0x7FFF, v1  }
0xf9: {  	v3 =	vshrl.u32 v3, $0xF  }
0xfa: {  	v0 =	vshrl.u32 v0, v3  }
0xfb: {  	v0 =	vandn.u32 $0x1, v0  }
0xfc: {  	[tilespmem:s3+$0xB200] =	vst v0;
	v0 =	vld [tilespmem:s3+$0x8020]  }
0xfd: {  	v2 =	vld.idx.msk [tilespmem:v2+s2+$0x0], $0xffff;
	_ =	sdelay $0x3  }
0xfe: {  	v1 =	vshrl.u32 v1, $0xF;
	v3 =	vand.u32 $0x7FFF, v0  }
0xff: {  	v1 =	vshrl.u32 v2, v1  }
0x100: {  	v1 =	vandn.u32 $0x1, v1  }
0x101: {  	[tilespmem:s3+$0xB210] =	vst v1;
	v1 =	vld [tilespmem:s3+$0x8030];
	_ =	sdelay $0x1  }
0x102: {  	v2 =	vld.idx.msk [tilespmem:v3+s2+$0x0], $0xffff;
	_ =	sdelay $0x2  }
0x103: {  	v3 =	vand.u32 $0x7FFF, v1  }
0x104: {  	v0 =	vshrl.u32 v0, $0xF  }
0x105: {  	v0 =	vshrl.u32 v2, v0  }
0x106: {  	v0 =	vandn.u32 $0x1, v0  }
0x107: {  	[tilespmem:s3+$0xB220] =	vst v0  }
0x108: {  	v0 =	vld.idx.msk [tilespmem:v3+s2+$0x0], $0xffff;
	_ =	sdelay $0x3  }
0x109: {  	v1 =	vshrl.u32 v1, $0xF  }
0x10a: {  	v0 =	vshrl.u32 v0, v1  }
0x10b: {  	v0 =	vandn.u32 $0x1, v0  }
0x10c: {  	[tilespmem:s3+$0xB230] =	vst v0;
	s3 =	simm.s32 $0x0  }
0x10d: {  	[hbm4b:s10+s3] =	stream.linear.scatter [tilespmem:s25], [sflag:$0x4], $0x1900, $0x38;
	[tilespmem:$0xE400] =	vst v63  }
0x10e: {  	_ = 	snop  }
0x10f: {  	[tilespmem:s21], [sflag:$0x2] =	stream.linear.gather [hbm4b:s11+s3], $0x1900, $0x38;
	[tilespmem:$0xE400] =	vst v63  }
0x110: {  	_ =	swait.ge [sflag:s26], $0x1900  }
0x111: {  	[sflag:s26] =	ssyncset.done $0x0  }
0x112: {  	[sflag:s26] =	ssyncadd.s32 $0xFFFFE700  }
0x113: {  	_ =	swait.ge [sflag:s30], $0x1900  }
0x114: {  	[sflag:s30] =	ssyncset.done $0x0  }
0x115: {  	s0 =	simm.s32 $0x0;
	[sflag:s30] =	ssyncadd.s32 $0xFFFFE700  }
0x116: {  	v0 =	vld [tilespmem:s0+$0x9900];
	_ =	sdelay $0x4  }
0x117: {  	v1 =	vand.u32 $0x7FFF, v0;
	_ =	sdelay $0x2  }
0x118: {  	v2 =	vld [tilespmem:s0+$0x9910];
	_ =	sdelay $0x1  }
0x119: {  	v1 =	vld.idx.msk [tilespmem:v1+s2+$0x0], $0xffff;
	_ =	sdelay $0x2  }
0x11a: {  	v3 =	vand.u32 $0x7FFF, v2  }
0x11b: {  	v0 =	vshrl.u32 v0, $0xF  }
0x11c: {  	v0 =	vshrl.u32 v1, v0  }
0x11d: {  	v1 =	vld [tilespmem:s0+$0x9920];
	v0 =	vandn.u32 $0x1, v0  }
0x11e: {  	[tilespmem:s0+$0xCB00] =	vst v0  }
0x11f: {  	v0 =	vld.idx.msk [tilespmem:v3+s2+$0x0], $0xffff;
	_ =	sdelay $0x2  }
0x120: {  	v3 =	vand.u32 $0x7FFF, v1  }
0x121: {  	v2 =	vshrl.u32 v2, $0xF  }
0x122: {  	v0 =	vshrl.u32 v0, v2  }
0x123: {  	v0 =	vandn.u32 $0x1, v0  }
0x124: {  	[tilespmem:s0+$0xCB10] =	vst v0;
	v0 =	vld [tilespmem:s0+$0x9930]  }
0x125: {  	v2 =	vld.idx.msk [tilespmem:v3+s2+$0x0], $0xffff;
	_ =	sdelay $0x3  }
0x126: {  	v1 =	vshrl.u32 v1, $0xF  }
0x127: {  	v2 =	vshrl.u32 v2, v1;
	v1 =	vand.u32 $0x7FFF, v0;
	_ =	sdelay $0x2  }
0x128: {  	s1 =	simm.s32 $0x200;
	s3 =	simm.s32 $0x40;
	v2 =	vandn.u32 $0x1, v2  }
.LBB2_8:
0x129: {  	p0 =	sne.s32 s1, $0x6300;
	v3 =	vld [tilespmem:s3+$0x9900];
	[tilespmem:s0+$0xCB20] =	vst v2  }
0x12a: {  	v1 =	vld.idx.msk [tilespmem:v1+s2+$0x0], $0xffff;
	_ =	sdelay $0x3  }
0x12b: {  	v2 =	vand.u32 $0x7FFF, v3  }
0x12c: {  	v0 =	vshrl.u32 v0, $0xF  }
0x12d: {  	v0 =	vshrl.u32 v1, v0  }
0x12e: {  	v0 =	vandn.u32 $0x1, v0  }
0x12f: {  	v1 =	vld [tilespmem:s3+$0x9910];
	[tilespmem:s0+$0xCB30] =	vst v0;
	s0 =	smov.u32 s3  }
0x130: {  	v0 =	vld.idx.msk [tilespmem:v2+s2+$0x0], $0xffff;
	_ =	sdelay $0x3  }
0x131: {  	v2 =	vand.u32 $0x7FFF, v1  }
0x132: {  	v3 =	vshrl.u32 v3, $0xF  }
0x133: {  	v0 =	vshrl.u32 v0, v3  }
0x134: {  	v0 =	vandn.u32 $0x1, v0  }
0x135: {  	[tilespmem:s0+$0xCB00] =	vst v0;
	v3 =	vld [tilespmem:s0+$0x9920]  }
0x136: {  	v0 =	vld.idx.msk [tilespmem:v2+s2+$0x0], $0xffff;
	_ =	sdelay $0x3  }
0x137: {  	v2 =	vand.u32 $0x7FFF, v3  }
0x138: {  	v1 =	vshrl.u32 v1, $0xF  }
0x139: {  	v0 =	vshrl.u32 v0, v1  }
0x13a: {  	v0 =	vandn.u32 $0x1, v0  }
0x13b: {  	[tilespmem:s0+$0xCB10] =	vst v0;
	v0 =	vld [tilespmem:s0+$0x9930]  }
0x13c: {  	v2 =	vld.idx.msk [tilespmem:v2+s2+$0x0], $0xffff;
	_ =	sdelay $0x2  }
.Ltmp3:
0x13d: {  	(pc) =	sbr.rel @p0 .LBB2_8-.Ltmp3, $4  }
0x13e: {  	v1 =	vand.u32 $0x7FFF, v0  }
0x13f: {  	v3 =	vshrl.u32 v3, $0xF  }
0x140: {  	v2 =	vshrl.u32 v2, v3  }
0x141: {  	s3 =	sshra.s32 s1, $0x2;
	s1 =	sadd.s32 $0x100, s1;
	v2 =	vandn.u32 $0x1, v2  }
0x142: {  	_ =	sdelay $0x1  }
0x143: {  	v3 =	vld [tilespmem:s3+$0x9900]  }
0x144: {  	[tilespmem:s0+$0xCB20] =	vst v2  }
0x145: {  	v1 =	vld.idx.msk [tilespmem:v1+s2+$0x0], $0xffff;
	_ =	sdelay $0x2  }
0x146: {  	v2 =	vand.u32 $0x7FFF, v3  }
0x147: {  	v0 =	vshrl.u32 v0, $0xF  }
0x148: {  	v0 =	vshrl.u32 v1, v0  }
0x149: {  	v1 =	vld [tilespmem:s3+$0x9910];
	v0 =	vandn.u32 $0x1, v0  }
0x14a: {  	[tilespmem:s0+$0xCB30] =	vst v0  }
0x14b: {  	v0 =	vld.idx.msk [tilespmem:v2+s2+$0x0], $0xffff;
	_ =	sdelay $0x2  }
0x14c: {  	v2 =	vand.u32 $0x7FFF, v1  }
0x14d: {  	v3 =	vshrl.u32 v3, $0xF  }
0x14e: {  	v0 =	vshrl.u32 v0, v3  }
0x14f: {  	v0 =	vandn.u32 $0x1, v0  }
0x150: {  	[tilespmem:s3+$0xCB00] =	vst v0;
	v0 =	vld [tilespmem:s3+$0x9920]  }
0x151: {  	v2 =	vld.idx.msk [tilespmem:v2+s2+$0x0], $0xffff;
	_ =	sdelay $0x3  }
0x152: {  	v1 =	vshrl.u32 v1, $0xF;
	v3 =	vand.u32 $0x7FFF, v0  }
0x153: {  	v1 =	vshrl.u32 v2, v1  }
0x154: {  	v1 =	vandn.u32 $0x1, v1  }
0x155: {  	[tilespmem:s3+$0xCB10] =	vst v1;
	v1 =	vld [tilespmem:s3+$0x9930];
	_ =	sdelay $0x1  }
0x156: {  	v2 =	vld.idx.msk [tilespmem:v3+s2+$0x0], $0xffff;
	_ =	sdelay $0x2  }
0x157: {  	v3 =	vand.u32 $0x7FFF, v1  }
0x158: {  	v0 =	vshrl.u32 v0, $0xF  }
0x159: {  	v0 =	vshrl.u32 v2, v0  }
0x15a: {  	v0 =	vandn.u32 $0x1, v0  }
0x15b: {  	[tilespmem:s3+$0xCB20] =	vst v0  }
0x15c: {  	v0 =	vld.idx.msk [tilespmem:v3+s2+$0x0], $0xffff;
	_ =	sdelay $0x3  }
0x15d: {  	v1 =	vshrl.u32 v1, $0xF  }
0x15e: {  	v0 =	vshrl.u32 v0, v1  }
0x15f: {  	v0 =	vandn.u32 $0x1, v0  }
0x160: {  	[tilespmem:s3+$0xCB30] =	vst v0;
	s3 =	simm.s32 $0x0  }
0x161: {  	[hbm4b:s12+s3] =	stream.linear.scatter [tilespmem:s28], [sflag:$0x5], $0x1900, $0x38;
	[tilespmem:$0xE400] =	vst v63  }
0x162: {  	_ = 	snop  }
0x163: {  	[tilespmem:s23], [sflag:$0x3] =	stream.linear.gather [hbm4b:s13+s3], $0x1900, $0x38;
	[tilespmem:$0xE400] =	vst v63  }
0x164: {  	_ =	swait.ge [sflag:s24], $0x1900  }
0x165: {  	[sflag:s24] =	ssyncset.done $0x0  }
0x166: {  	[sflag:s24] =	ssyncadd.s32 $0xFFFFE700  }
0x167: {  	_ =	swait.ge [sflag:s29], $0x1900  }
0x168: {  	[sflag:s29] =	ssyncset.done $0x0  }
0x169: {  	s0 =	simm.s32 $0x0;
	[sflag:s29] =	ssyncadd.s32 $0xFFFFE700  }
0x16a: {  	v0 =	vld [tilespmem:s0+$0x8000];
	_ =	sdelay $0x4  }
0x16b: {  	v1 =	vand.u32 $0x7FFF, v0;
	_ =	sdelay $0x2  }
0x16c: {  	v2 =	vld [tilespmem:s0+$0x8010];
	_ =	sdelay $0x1  }
0x16d: {  	v1 =	vld.idx.msk [tilespmem:v1+s2+$0x0], $0xffff;
	_ =	sdelay $0x2  }
0x16e: {  	v3 =	vand.u32 $0x7FFF, v2  }
0x16f: {  	v0 =	vshrl.u32 v0, $0xF  }
0x170: {  	v0 =	vshrl.u32 v1, v0  }
0x171: {  	v1 =	vld [tilespmem:s0+$0x8020];
	v0 =	vandn.u32 $0x1, v0  }
0x172: {  	[tilespmem:s0+$0xB200] =	vst v0  }
0x173: {  	v0 =	vld.idx.msk [tilespmem:v3+s2+$0x0], $0xffff;
	_ =	sdelay $0x2  }
0x174: {  	v3 =	vand.u32 $0x7FFF, v1  }
0x175: {  	v2 =	vshrl.u32 v2, $0xF  }
0x176: {  	v0 =	vshrl.u32 v0, v2  }
0x177: {  	v0 =	vandn.u32 $0x1, v0  }
0x178: {  	[tilespmem:s0+$0xB210] =	vst v0;
	v0 =	vld [tilespmem:s0+$0x8030]  }
0x179: {  	v2 =	vld.idx.msk [tilespmem:v3+s2+$0x0], $0xffff;
	_ =	sdelay $0x3  }
0x17a: {  	v1 =	vshrl.u32 v1, $0xF  }
0x17b: {  	v2 =	vshrl.u32 v2, v1;
	v1 =	vand.u32 $0x7FFF, v0;
	_ =	sdelay $0x2  }
0x17c: {  	s1 =	simm.s32 $0x200;
	s3 =	simm.s32 $0x40;
	v2 =	vandn.u32 $0x1, v2  }
.LBB2_10:
0x17d: {  	p0 =	sne.s32 s1, $0x6300;
	v3 =	vld [tilespmem:s3+$0x8000];
	[tilespmem:s0+$0xB220] =	vst v2  }
0x17e: {  	v1 =	vld.idx.msk [tilespmem:v1+s2+$0x0], $0xffff;
	_ =	sdelay $0x3  }
0x17f: {  	v2 =	vand.u32 $0x7FFF, v3  }
0x180: {  	v0 =	vshrl.u32 v0, $0xF  }
0x181: {  	v0 =	vshrl.u32 v1, v0  }
0x182: {  	v0 =	vandn.u32 $0x1, v0  }
0x183: {  	v1 =	vld [tilespmem:s3+$0x8010];
	[tilespmem:s0+$0xB230] =	vst v0;
	s0 =	smov.u32 s3  }
0x184: {  	v0 =	vld.idx.msk [tilespmem:v2+s2+$0x0], $0xffff;
	_ =	sdelay $0x3  }
0x185: {  	v2 =	vand.u32 $0x7FFF, v1  }
0x186: {  	v3 =	vshrl.u32 v3, $0xF  }
0x187: {  	v0 =	vshrl.u32 v0, v3  }
0x188: {  	v0 =	vandn.u32 $0x1, v0  }
0x189: {  	[tilespmem:s0+$0xB200] =	vst v0;
	v3 =	vld [tilespmem:s0+$0x8020]  }
0x18a: {  	v0 =	vld.idx.msk [tilespmem:v2+s2+$0x0], $0xffff;
	_ =	sdelay $0x3  }
0x18b: {  	v2 =	vand.u32 $0x7FFF, v3  }
0x18c: {  	v1 =	vshrl.u32 v1, $0xF  }
0x18d: {  	v0 =	vshrl.u32 v0, v1  }
0x18e: {  	v0 =	vandn.u32 $0x1, v0  }
0x18f: {  	[tilespmem:s0+$0xB210] =	vst v0;
	v0 =	vld [tilespmem:s0+$0x8030]  }
0x190: {  	v2 =	vld.idx.msk [tilespmem:v2+s2+$0x0], $0xffff;
	_ =	sdelay $0x2  }
.Ltmp4:
0x191: {  	(pc) =	sbr.rel @p0 .LBB2_10-.Ltmp4, $4  }
0x192: {  	v1 =	vand.u32 $0x7FFF, v0  }
0x193: {  	v3 =	vshrl.u32 v3, $0xF  }
0x194: {  	v2 =	vshrl.u32 v2, v3  }
0x195: {  	s3 =	sshra.s32 s1, $0x2;
	s1 =	sadd.s32 $0x100, s1;
	v2 =	vandn.u32 $0x1, v2  }
0x196: {  	_ =	sdelay $0x1  }
0x197: {  	v3 =	vld [tilespmem:s3+$0x8000]  }
0x198: {  	[tilespmem:s0+$0xB220] =	vst v2  }
0x199: {  	v1 =	vld.idx.msk [tilespmem:v1+s2+$0x0], $0xffff;
	_ =	sdelay $0x2  }
0x19a: {  	v2 =	vand.u32 $0x7FFF, v3  }
0x19b: {  	v0 =	vshrl.u32 v0, $0xF  }
0x19c: {  	v0 =	vshrl.u32 v1, v0  }
0x19d: {  	v1 =	vld [tilespmem:s3+$0x8010];
	v0 =	vandn.u32 $0x1, v0  }
0x19e: {  	[tilespmem:s0+$0xB230] =	vst v0  }
0x19f: {  	v0 =	vld.idx.msk [tilespmem:v2+s2+$0x0], $0xffff;
	_ =	sdelay $0x2  }
0x1a0: {  	v2 =	vand.u32 $0x7FFF, v1  }
0x1a1: {  	v3 =	vshrl.u32 v3, $0xF  }
0x1a2: {  	v0 =	vshrl.u32 v0, v3  }
0x1a3: {  	v0 =	vandn.u32 $0x1, v0  }
0x1a4: {  	[tilespmem:s3+$0xB200] =	vst v0;
	v0 =	vld [tilespmem:s3+$0x8020]  }
0x1a5: {  	v2 =	vld.idx.msk [tilespmem:v2+s2+$0x0], $0xffff;
	_ =	sdelay $0x3  }
0x1a6: {  	v1 =	vshrl.u32 v1, $0xF;
	v3 =	vand.u32 $0x7FFF, v0  }
0x1a7: {  	v1 =	vshrl.u32 v2, v1  }
0x1a8: {  	v1 =	vandn.u32 $0x1, v1  }
0x1a9: {  	[tilespmem:s3+$0xB210] =	vst v1;
	v1 =	vld [tilespmem:s3+$0x8030];
	_ =	sdelay $0x1  }
0x1aa: {  	v2 =	vld.idx.msk [tilespmem:v3+s2+$0x0], $0xffff;
	_ =	sdelay $0x2  }
0x1ab: {  	v3 =	vand.u32 $0x7FFF, v1  }
0x1ac: {  	v0 =	vshrl.u32 v0, $0xF  }
0x1ad: {  	v0 =	vshrl.u32 v2, v0  }
0x1ae: {  	v0 =	vandn.u32 $0x1, v0  }
0x1af: {  	[tilespmem:s3+$0xB220] =	vst v0  }
0x1b0: {  	v0 =	vld.idx.msk [tilespmem:v3+s2+$0x0], $0xffff;
	_ =	sdelay $0x3  }
0x1b1: {  	v1 =	vshrl.u32 v1, $0xF  }
0x1b2: {  	v0 =	vshrl.u32 v0, v1  }
0x1b3: {  	v0 =	vandn.u32 $0x1, v0  }
0x1b4: {  	[tilespmem:s3+$0xB230] =	vst v0;
	s3 =	simm.s32 $0x0  }
0x1b5: {  	[hbm4b:s14+s3] =	stream.linear.scatter [tilespmem:s25], [sflag:$0x4], $0x1900, $0x38;
	[tilespmem:$0xE400] =	vst v63  }
0x1b6: {  	_ = 	snop  }
0x1b7: {  	[tilespmem:s21], [sflag:$0x2] =	stream.linear.gather [hbm4b:s15+s3], $0x1900, $0x38;
	[tilespmem:$0xE400] =	vst v63  }
0x1b8: {  	_ =	swait.ge [sflag:s26], $0x1900  }
0x1b9: {  	[sflag:s26] =	ssyncset.done $0x0  }
0x1ba: {  	[sflag:s26] =	ssyncadd.s32 $0xFFFFE700  }
0x1bb: {  	_ =	swait.ge [sflag:s30], $0x1900  }
0x1bc: {  	[sflag:s30] =	ssyncset.done $0x0  }
0x1bd: {  	s0 =	simm.s32 $0x0;
	[sflag:s30] =	ssyncadd.s32 $0xFFFFE700  }
0x1be: {  	v0 =	vld [tilespmem:s0+$0x9900];
	_ =	sdelay $0x4  }
0x1bf: {  	v1 =	vand.u32 $0x7FFF, v0;
	_ =	sdelay $0x2  }
0x1c0: {  	v2 =	vld [tilespmem:s0+$0x9910];
	_ =	sdelay $0x1  }
0x1c1: {  	v1 =	vld.idx.msk [tilespmem:v1+s2+$0x0], $0xffff;
	_ =	sdelay $0x2  }
0x1c2: {  	v3 =	vand.u32 $0x7FFF, v2  }
0x1c3: {  	v0 =	vshrl.u32 v0, $0xF  }
0x1c4: {  	v0 =	vshrl.u32 v1, v0  }
0x1c5: {  	v1 =	vld [tilespmem:s0+$0x9920];
	v0 =	vandn.u32 $0x1, v0  }
0x1c6: {  	[tilespmem:s0+$0xCB00] =	vst v0  }
0x1c7: {  	v0 =	vld.idx.msk [tilespmem:v3+s2+$0x0], $0xffff;
	_ =	sdelay $0x2  }
0x1c8: {  	v3 =	vand.u32 $0x7FFF, v1  }
0x1c9: {  	v2 =	vshrl.u32 v2, $0xF  }
0x1ca: {  	v0 =	vshrl.u32 v0, v2  }
0x1cb: {  	v0 =	vandn.u32 $0x1, v0  }
0x1cc: {  	[tilespmem:s0+$0xCB10] =	vst v0;
	v0 =	vld [tilespmem:s0+$0x9930]  }
0x1cd: {  	v2 =	vld.idx.msk [tilespmem:v3+s2+$0x0], $0xffff;
	_ =	sdelay $0x3  }
0x1ce: {  	v1 =	vshrl.u32 v1, $0xF  }
0x1cf: {  	v2 =	vshrl.u32 v2, v1;
	v1 =	vand.u32 $0x7FFF, v0;
	_ =	sdelay $0x2  }
0x1d0: {  	s1 =	simm.s32 $0x200;
	s3 =	simm.s32 $0x40;
	v2 =	vandn.u32 $0x1, v2  }
.LBB2_12:
0x1d1: {  	p0 =	sne.s32 s1, $0x6300;
	v3 =	vld [tilespmem:s3+$0x9900];
	[tilespmem:s0+$0xCB20] =	vst v2  }
0x1d2: {  	v1 =	vld.idx.msk [tilespmem:v1+s2+$0x0], $0xffff;
	_ =	sdelay $0x3  }
0x1d3: {  	v2 =	vand.u32 $0x7FFF, v3  }
0x1d4: {  	v0 =	vshrl.u32 v0, $0xF  }
0x1d5: {  	v0 =	vshrl.u32 v1, v0  }
0x1d6: {  	v0 =	vandn.u32 $0x1, v0  }
0x1d7: {  	v1 =	vld [tilespmem:s3+$0x9910];
	[tilespmem:s0+$0xCB30] =	vst v0;
	s0 =	smov.u32 s3  }
0x1d8: {  	v0 =	vld.idx.msk [tilespmem:v2+s2+$0x0], $0xffff;
	_ =	sdelay $0x3  }
0x1d9: {  	v2 =	vand.u32 $0x7FFF, v1  }
0x1da: {  	v3 =	vshrl.u32 v3, $0xF  }
0x1db: {  	v0 =	vshrl.u32 v0, v3  }
0x1dc: {  	v0 =	vandn.u32 $0x1, v0  }
0x1dd: {  	[tilespmem:s0+$0xCB00] =	vst v0;
	v3 =	vld [tilespmem:s0+$0x9920]  }
0x1de: {  	v0 =	vld.idx.msk [tilespmem:v2+s2+$0x0], $0xffff;
	_ =	sdelay $0x3  }
0x1df: {  	v2 =	vand.u32 $0x7FFF, v3  }
0x1e0: {  	v1 =	vshrl.u32 v1, $0xF  }
0x1e1: {  	v0 =	vshrl.u32 v0, v1  }
0x1e2: {  	v0 =	vandn.u32 $0x1, v0  }
0x1e3: {  	[tilespmem:s0+$0xCB10] =	vst v0;
	v0 =	vld [tilespmem:s0+$0x9930]  }
0x1e4: {  	v2 =	vld.idx.msk [tilespmem:v2+s2+$0x0], $0xffff;
	_ =	sdelay $0x2  }
.Ltmp5:
0x1e5: {  	(pc) =	sbr.rel @p0 .LBB2_12-.Ltmp5, $4  }
0x1e6: {  	v1 =	vand.u32 $0x7FFF, v0  }
0x1e7: {  	v3 =	vshrl.u32 v3, $0xF  }
0x1e8: {  	v2 =	vshrl.u32 v2, v3  }
0x1e9: {  	s3 =	sshra.s32 s1, $0x2;
	s1 =	sadd.s32 $0x100, s1;
	v2 =	vandn.u32 $0x1, v2  }
0x1ea: {  	_ =	sdelay $0x1  }
0x1eb: {  	v3 =	vld [tilespmem:s3+$0x9900]  }
0x1ec: {  	[tilespmem:s0+$0xCB20] =	vst v2  }
0x1ed: {  	v1 =	vld.idx.msk [tilespmem:v1+s2+$0x0], $0xffff;
	_ =	sdelay $0x2  }
0x1ee: {  	v2 =	vand.u32 $0x7FFF, v3  }
0x1ef: {  	v0 =	vshrl.u32 v0, $0xF  }
0x1f0: {  	v0 =	vshrl.u32 v1, v0  }
0x1f1: {  	v1 =	vld [tilespmem:s3+$0x9910];
	v0 =	vandn.u32 $0x1, v0  }
0x1f2: {  	[tilespmem:s0+$0xCB30] =	vst v0  }
0x1f3: {  	v0 =	vld.idx.msk [tilespmem:v2+s2+$0x0], $0xffff;
	_ =	sdelay $0x2  }
0x1f4: {  	v2 =	vand.u32 $0x7FFF, v1  }
0x1f5: {  	v3 =	vshrl.u32 v3, $0xF  }
0x1f6: {  	v0 =	vshrl.u32 v0, v3  }
0x1f7: {  	v0 =	vandn.u32 $0x1, v0  }
0x1f8: {  	[tilespmem:s3+$0xCB00] =	vst v0;
	v0 =	vld [tilespmem:s3+$0x9920]  }
0x1f9: {  	v2 =	vld.idx.msk [tilespmem:v2+s2+$0x0], $0xffff;
	_ =	sdelay $0x3  }
0x1fa: {  	v1 =	vshrl.u32 v1, $0xF;
	v3 =	vand.u32 $0x7FFF, v0  }
0x1fb: {  	v1 =	vshrl.u32 v2, v1  }
0x1fc: {  	v1 =	vandn.u32 $0x1, v1  }
0x1fd: {  	[tilespmem:s3+$0xCB10] =	vst v1;
	v1 =	vld [tilespmem:s3+$0x9930];
	_ =	sdelay $0x1  }
0x1fe: {  	v2 =	vld.idx.msk [tilespmem:v3+s2+$0x0], $0xffff;
	_ =	sdelay $0x2  }
0x1ff: {  	v3 =	vand.u32 $0x7FFF, v1  }
0x200: {  	v0 =	vshrl.u32 v0, $0xF  }
0x201: {  	v0 =	vshrl.u32 v2, v0  }
0x202: {  	v0 =	vandn.u32 $0x1, v0  }
0x203: {  	[tilespmem:s3+$0xCB20] =	vst v0  }
0x204: {  	v0 =	vld.idx.msk [tilespmem:v3+s2+$0x0], $0xffff;
	_ =	sdelay $0x3  }
0x205: {  	v1 =	vshrl.u32 v1, $0xF  }
0x206: {  	v0 =	vshrl.u32 v0, v1  }
0x207: {  	v0 =	vandn.u32 $0x1, v0  }
0x208: {  	[tilespmem:s3+$0xCB30] =	vst v0;
	s3 =	simm.s32 $0x0  }
0x209: {  	[hbm4b:s16+s3] =	stream.linear.scatter [tilespmem:s28], [sflag:$0x5], $0x1900, $0x38;
	[tilespmem:$0xE400] =	vst v63  }
0x20a: {  	_ = 	snop  }
0x20b: {  	[tilespmem:s23], [sflag:$0x3] =	stream.linear.gather [hbm4b:s17+s3], $0x1900, $0x38;
	[tilespmem:$0xE400] =	vst v63  }
0x20c: {  	_ =	swait.ge [sflag:s24], $0x1900  }
0x20d: {  	[sflag:s24] =	ssyncset.done $0x0  }
0x20e: {  	[sflag:s24] =	ssyncadd.s32 $0xFFFFE700  }
0x20f: {  	_ =	swait.ge [sflag:s29], $0x1900  }
0x210: {  	[sflag:s29] =	ssyncset.done $0x0  }
0x211: {  	s0 =	simm.s32 $0x0;
	[sflag:s29] =	ssyncadd.s32 $0xFFFFE700  }
0x212: {  	v0 =	vld [tilespmem:s0+$0x8000];
	_ =	sdelay $0x4  }
0x213: {  	v1 =	vand.u32 $0x7FFF, v0;
	_ =	sdelay $0x2  }
0x214: {  	v2 =	vld [tilespmem:s0+$0x8010];
	_ =	sdelay $0x1  }
0x215: {  	v1 =	vld.idx.msk [tilespmem:v1+s2+$0x0], $0xffff;
	_ =	sdelay $0x2  }
0x216: {  	v3 =	vand.u32 $0x7FFF, v2  }
0x217: {  	v0 =	vshrl.u32 v0, $0xF  }
0x218: {  	v0 =	vshrl.u32 v1, v0  }
0x219: {  	v1 =	vld [tilespmem:s0+$0x8020];
	v0 =	vandn.u32 $0x1, v0  }
0x21a: {  	[tilespmem:s0+$0xB200] =	vst v0  }
0x21b: {  	v0 =	vld.idx.msk [tilespmem:v3+s2+$0x0], $0xffff;
	_ =	sdelay $0x2  }
0x21c: {  	v3 =	vand.u32 $0x7FFF, v1  }
0x21d: {  	v2 =	vshrl.u32 v2, $0xF  }
0x21e: {  	v0 =	vshrl.u32 v0, v2  }
0x21f: {  	v0 =	vandn.u32 $0x1, v0  }
0x220: {  	[tilespmem:s0+$0xB210] =	vst v0;
	v0 =	vld [tilespmem:s0+$0x8030]  }
0x221: {  	v2 =	vld.idx.msk [tilespmem:v3+s2+$0x0], $0xffff;
	_ =	sdelay $0x3  }
0x222: {  	v1 =	vshrl.u32 v1, $0xF  }
0x223: {  	v2 =	vshrl.u32 v2, v1;
	v1 =	vand.u32 $0x7FFF, v0;
	_ =	sdelay $0x2  }
0x224: {  	s1 =	simm.s32 $0x200;
	s3 =	simm.s32 $0x40;
	v2 =	vandn.u32 $0x1, v2  }
.LBB2_14:
0x225: {  	p0 =	sne.s32 s1, $0x6300;
	v3 =	vld [tilespmem:s3+$0x8000];
	[tilespmem:s0+$0xB220] =	vst v2  }
0x226: {  	v1 =	vld.idx.msk [tilespmem:v1+s2+$0x0], $0xffff;
	_ =	sdelay $0x3  }
0x227: {  	v2 =	vand.u32 $0x7FFF, v3  }
0x228: {  	v0 =	vshrl.u32 v0, $0xF  }
0x229: {  	v0 =	vshrl.u32 v1, v0  }
0x22a: {  	v0 =	vandn.u32 $0x1, v0  }
0x22b: {  	v1 =	vld [tilespmem:s3+$0x8010];
	[tilespmem:s0+$0xB230] =	vst v0;
	s0 =	smov.u32 s3  }
0x22c: {  	v0 =	vld.idx.msk [tilespmem:v2+s2+$0x0], $0xffff;
	_ =	sdelay $0x3  }
0x22d: {  	v2 =	vand.u32 $0x7FFF, v1  }
0x22e: {  	v3 =	vshrl.u32 v3, $0xF  }
0x22f: {  	v0 =	vshrl.u32 v0, v3  }
0x230: {  	v0 =	vandn.u32 $0x1, v0  }
0x231: {  	[tilespmem:s0+$0xB200] =	vst v0;
	v3 =	vld [tilespmem:s0+$0x8020]  }
0x232: {  	v0 =	vld.idx.msk [tilespmem:v2+s2+$0x0], $0xffff;
	_ =	sdelay $0x3  }
0x233: {  	v2 =	vand.u32 $0x7FFF, v3  }
0x234: {  	v1 =	vshrl.u32 v1, $0xF  }
0x235: {  	v0 =	vshrl.u32 v0, v1  }
0x236: {  	v0 =	vandn.u32 $0x1, v0  }
0x237: {  	[tilespmem:s0+$0xB210] =	vst v0;
	v0 =	vld [tilespmem:s0+$0x8030]  }
0x238: {  	v2 =	vld.idx.msk [tilespmem:v2+s2+$0x0], $0xffff;
	_ =	sdelay $0x2  }
.Ltmp6:
0x239: {  	(pc) =	sbr.rel @p0 .LBB2_14-.Ltmp6, $4  }
0x23a: {  	v1 =	vand.u32 $0x7FFF, v0  }
0x23b: {  	v3 =	vshrl.u32 v3, $0xF  }
0x23c: {  	v2 =	vshrl.u32 v2, v3  }
0x23d: {  	s3 =	sshra.s32 s1, $0x2;
	s1 =	sadd.s32 $0x100, s1;
	v2 =	vandn.u32 $0x1, v2  }
0x23e: {  	_ =	sdelay $0x1  }
0x23f: {  	v3 =	vld [tilespmem:s3+$0x8000]  }
0x240: {  	[tilespmem:s0+$0xB220] =	vst v2  }
0x241: {  	v1 =	vld.idx.msk [tilespmem:v1+s2+$0x0], $0xffff;
	_ =	sdelay $0x2  }
0x242: {  	v2 =	vand.u32 $0x7FFF, v3  }
0x243: {  	v0 =	vshrl.u32 v0, $0xF  }
0x244: {  	v0 =	vshrl.u32 v1, v0  }
0x245: {  	v1 =	vld [tilespmem:s3+$0x8010];
	v0 =	vandn.u32 $0x1, v0  }
0x246: {  	[tilespmem:s0+$0xB230] =	vst v0  }
0x247: {  	v0 =	vld.idx.msk [tilespmem:v2+s2+$0x0], $0xffff;
	_ =	sdelay $0x2  }
0x248: {  	v2 =	vand.u32 $0x7FFF, v1  }
0x249: {  	v3 =	vshrl.u32 v3, $0xF  }
0x24a: {  	v0 =	vshrl.u32 v0, v3  }
0x24b: {  	v0 =	vandn.u32 $0x1, v0  }
0x24c: {  	[tilespmem:s3+$0xB200] =	vst v0;
	v0 =	vld [tilespmem:s3+$0x8020]  }
0x24d: {  	v2 =	vld.idx.msk [tilespmem:v2+s2+$0x0], $0xffff;
	_ =	sdelay $0x3  }
0x24e: {  	v1 =	vshrl.u32 v1, $0xF;
	v3 =	vand.u32 $0x7FFF, v0  }
0x24f: {  	v1 =	vshrl.u32 v2, v1  }
0x250: {  	v1 =	vandn.u32 $0x1, v1  }
0x251: {  	[tilespmem:s3+$0xB210] =	vst v1;
	v1 =	vld [tilespmem:s3+$0x8030];
	_ =	sdelay $0x1  }
0x252: {  	v2 =	vld.idx.msk [tilespmem:v3+s2+$0x0], $0xffff;
	_ =	sdelay $0x2  }
0x253: {  	v3 =	vand.u32 $0x7FFF, v1  }
0x254: {  	v0 =	vshrl.u32 v0, $0xF  }
0x255: {  	v0 =	vshrl.u32 v2, v0  }
0x256: {  	v0 =	vandn.u32 $0x1, v0  }
0x257: {  	[tilespmem:s3+$0xB220] =	vst v0  }
0x258: {  	v0 =	vld.idx.msk [tilespmem:v3+s2+$0x0], $0xffff;
	_ =	sdelay $0x3  }
0x259: {  	v1 =	vshrl.u32 v1, $0xF  }
0x25a: {  	v0 =	vshrl.u32 v0, v1  }
0x25b: {  	v0 =	vandn.u32 $0x1, v0  }
0x25c: {  	[tilespmem:s3+$0xB230] =	vst v0;
	s3 =	simm.s32 $0x0  }
0x25d: {  	[hbm4b:s18+s3] =	stream.linear.scatter [tilespmem:s25], [sflag:$0x4], $0x1900, $0x38;
	[tilespmem:$0xE400] =	vst v63  }
0x25e: {  	_ =	swait.ge [sflag:s26], $0x1900  }
0x25f: {  	[sflag:s26] =	ssyncset.done $0x0  }
0x260: {  	[sflag:s26] =	ssyncadd.s32 $0xFFFFE700  }
0x261: {  	_ =	swait.ge [sflag:s30], $0x1900  }
0x262: {  	[sflag:s30] =	ssyncset.done $0x0  }
0x263: {  	s0 =	simm.s32 $0x0;
	[sflag:s30] =	ssyncadd.s32 $0xFFFFE700  }
0x264: {  	v0 =	vld [tilespmem:s0+$0x9900];
	_ =	sdelay $0x4  }
0x265: {  	v1 =	vand.u32 $0x7FFF, v0;
	_ =	sdelay $0x2  }
0x266: {  	v2 =	vld [tilespmem:s0+$0x9910];
	_ =	sdelay $0x1  }
0x267: {  	v1 =	vld.idx.msk [tilespmem:v1+s2+$0x0], $0xffff;
	_ =	sdelay $0x2  }
0x268: {  	v3 =	vand.u32 $0x7FFF, v2  }
0x269: {  	v0 =	vshrl.u32 v0, $0xF  }
0x26a: {  	v0 =	vshrl.u32 v1, v0  }
0x26b: {  	v1 =	vld [tilespmem:s0+$0x9920];
	v0 =	vandn.u32 $0x1, v0  }
0x26c: {  	[tilespmem:s0+$0xCB00] =	vst v0  }
0x26d: {  	v0 =	vld.idx.msk [tilespmem:v3+s2+$0x0], $0xffff;
	_ =	sdelay $0x2  }
0x26e: {  	v3 =	vand.u32 $0x7FFF, v1  }
0x26f: {  	v2 =	vshrl.u32 v2, $0xF  }
0x270: {  	v0 =	vshrl.u32 v0, v2  }
0x271: {  	v0 =	vandn.u32 $0x1, v0  }
0x272: {  	[tilespmem:s0+$0xCB10] =	vst v0;
	v0 =	vld [tilespmem:s0+$0x9930]  }
0x273: {  	v2 =	vld.idx.msk [tilespmem:v3+s2+$0x0], $0xffff;
	_ =	sdelay $0x3  }
0x274: {  	v1 =	vshrl.u32 v1, $0xF  }
0x275: {  	v2 =	vshrl.u32 v2, v1;
	v1 =	vand.u32 $0x7FFF, v0;
	_ =	sdelay $0x2  }
0x276: {  	s1 =	simm.s32 $0x200;
	s3 =	simm.s32 $0x40;
	v2 =	vandn.u32 $0x1, v2  }
.LBB2_16:
0x277: {  	p0 =	sne.s32 s1, $0x6300;
	v3 =	vld [tilespmem:s3+$0x9900];
	[tilespmem:s0+$0xCB20] =	vst v2  }
0x278: {  	v1 =	vld.idx.msk [tilespmem:v1+s2+$0x0], $0xffff;
	_ =	sdelay $0x3  }
0x279: {  	v2 =	vand.u32 $0x7FFF, v3  }
0x27a: {  	v0 =	vshrl.u32 v0, $0xF  }
0x27b: {  	v0 =	vshrl.u32 v1, v0  }
0x27c: {  	v0 =	vandn.u32 $0x1, v0  }
0x27d: {  	v1 =	vld [tilespmem:s3+$0x9910];
	[tilespmem:s0+$0xCB30] =	vst v0;
	s0 =	smov.u32 s3  }
0x27e: {  	v0 =	vld.idx.msk [tilespmem:v2+s2+$0x0], $0xffff;
	_ =	sdelay $0x3  }
0x27f: {  	v2 =	vand.u32 $0x7FFF, v1  }
0x280: {  	v3 =	vshrl.u32 v3, $0xF  }
0x281: {  	v0 =	vshrl.u32 v0, v3  }
0x282: {  	v0 =	vandn.u32 $0x1, v0  }
0x283: {  	[tilespmem:s0+$0xCB00] =	vst v0;
	v3 =	vld [tilespmem:s0+$0x9920]  }
0x284: {  	v0 =	vld.idx.msk [tilespmem:v2+s2+$0x0], $0xffff;
	_ =	sdelay $0x3  }
0x285: {  	v2 =	vand.u32 $0x7FFF, v3  }
0x286: {  	v1 =	vshrl.u32 v1, $0xF  }
0x287: {  	v0 =	vshrl.u32 v0, v1  }
0x288: {  	v0 =	vandn.u32 $0x1, v0  }
0x289: {  	[tilespmem:s0+$0xCB10] =	vst v0;
	v0 =	vld [tilespmem:s0+$0x9930]  }
0x28a: {  	v2 =	vld.idx.msk [tilespmem:v2+s2+$0x0], $0xffff;
	_ =	sdelay $0x2  }
.Ltmp7:
0x28b: {  	(pc) =	sbr.rel @p0 .LBB2_16-.Ltmp7, $4  }
0x28c: {  	v1 =	vand.u32 $0x7FFF, v0  }
0x28d: {  	v3 =	vshrl.u32 v3, $0xF  }
0x28e: {  	v2 =	vshrl.u32 v2, v3  }
0x28f: {  	s3 =	sshra.s32 s1, $0x2;
	s1 =	sadd.s32 $0x100, s1;
	v2 =	vandn.u32 $0x1, v2  }
0x290: {  	_ =	sdelay $0x1  }
0x291: {  	v3 =	vld [tilespmem:s3+$0x9900]  }
0x292: {  	[tilespmem:s0+$0xCB20] =	vst v2  }
0x293: {  	v1 =	vld.idx.msk [tilespmem:v1+s2+$0x0], $0xffff;
	_ =	sdelay $0x2  }
0x294: {  	v56 =	vand.u32 $0x7FFF, v3  }
0x295: {  	v0 =	vshrl.u32 v0, $0xF  }
0x296: {  	v0 =	vshrl.u32 v1, v0  }
0x297: {  	v57 =	vld [tilespmem:s3+$0x9910];
	v0 =	vandn.u32 $0x1, v0  }
0x298: {  	[tilespmem:s0+$0xCB30] =	vst v0  }
0x299: {  	v0 =	vld.idx.msk [tilespmem:v56+s2+$0x0], $0xffff;
	_ =	sdelay $0x2  }
0x29a: {  	v58 =	vand.u32 $0x7FFF, v57  }
0x29b: {  	v3 =	vshrl.u32 v3, $0xF  }
0x29c: {  	v0 =	vshrl.u32 v0, v3  }
0x29d: {  	v59 =	vld [tilespmem:s3+$0x9920];
	v0 =	vandn.u32 $0x1, v0  }
0x29e: {  	[tilespmem:s3+$0xCB00] =	vst v0  }
0x29f: {  	v2 =	vld.idx.msk [tilespmem:v58+s2+$0x0], $0xffff;
	_ =	sdelay $0x2  }
0x2a0: {  	v60 =	vand.u32 $0x7FFF, v59  }
0x2a1: {  	v1 =	vshrl.u32 v57, $0xF  }
0x2a2: {  	v1 =	vshrl.u32 v2, v1  }
0x2a3: {  	v61 =	vld [tilespmem:s3+$0x9930];
	v1 =	vandn.u32 $0x1, v1  }
0x2a4: {  	[tilespmem:s3+$0xCB10] =	vst v1  }
0x2a5: {  	v62 =	vld.idx.msk [tilespmem:v60+s2+$0x0], $0xffff;
	_ =	sdelay $0x2  }
0x2a6: {  	v63 =	vand.u32 $0x7FFF, v61  }
0x2a7: {  	v0 =	vshrl.u32 v59, $0xF  }
0x2a8: {  	v0 =	vshrl.u32 v62, v0  }
0x2a9: {  	v0 =	vandn.u32 $0x1, v0  }
0x2aa: {  	[tilespmem:s3+$0xCB20] =	vst v0  }
0x2ab: {  	v0 =	vld.idx.msk [tilespmem:v63+s2+$0x0], $0xffff;
	_ =	sdelay $0x3  }
0x2ac: {  	v1 =	vshrl.u32 v61, $0xF  }
0x2ad: {  	v0 =	vshrl.u32 v0, v1  }
0x2ae: {  	v0 =	vandn.u32 $0x1, v0  }
0x2af: {  	s31 =	sadd.s32 $0x1, s31;
	[tilespmem:s3+$0xCB30] =	vst v0  }
0x2b0: {  	[hbm4b:s19+s2] =	stream.linear.scatter [tilespmem:s28], [sflag:$0x5], $0x1900, $0x38;
	[tilespmem:$0xE400] =	vst v63  }
0x2b1: {  	p0 =	sne.s32 s31, s20;
	_ =	swait.ge [sflag:s29], $0x1900  }
.Ltmp8:
0x2b2: {  	[sflag:s29] =	ssyncset.done $0x0;
	(pc) =	sbr.rel @p0 .LBB2_1-.Ltmp8, $4  }
0x2b3: {  	[sflag:s29] =	ssyncadd.s32 $0xFFFFE700  }
0x2b4: {  	_ =	swait.ge [sflag:s30], $0x1900  }
0x2b5: {  	[sflag:s30] =	ssyncset.done $0x0  }
0x2b6: {  	[sflag:s30] =	ssyncadd.s32 $0xFFFFE700  }
0x2b7: {  	_ =	sfence.sel $0x180000  }
0x2b8: {  	[bflag:$0x0] =	sbarrier.arrive $0xFFFF  }
0x2b9: {  	_ =	strace $0x9000004A  }
0x2ba: {  	s0 =	stileid.u32;
	[bflag:$0x2] =	sbarrier.arrive $0xFFFF  }
0x2bb: {  	p0 =	sne.s32 s0, $0x0;
	s0 =	rddreg [dreg:$0x2]  }
0x2bc: {  	s0 =	sadd.s32 @!p0 $0x100000, s0  }
0x2bd: {  	[sflag:s0] =	ssyncadd.tile.s32 @!p0 $0x1;
	_ =	shalt  }
.Lfunc_end2:
_tile_overlayer_lowered:
.L_overlay_start_2:
0x2be: {  	(tag) =	ssettag $0x2  }
0x2bf: {  	s0 =	rddreg [dreg:$0x0];
	s2 =	stileid.u32  }
0x2c0: {  	s1 =	rddreg [dreg:$0x1];
	p0 =	sne.s32 s2, $0x0  }
0x2c1: {  	s3 =	rddreg [dreg:$0x2];
	[bflag:$0x3] =	sbarrier.arrive $0xFFFF;
	s2 =	simm.s32 @!p0 $0x1C06  }
0x2c2: {  	[timem:s3], [sflag:s2] =	dma.local @!p0 [hbm:s0], s1  }
0x2c3: {  	s0 =	simm.s32 @!p0 $0x6  }
0x2c4: {  	_ =	swait.ge @!p0 [sflag:s0], s1  }
0x2c5: {  	s1 =	ssub.s32 @!p0 $0x0, s1;
	[sflag:s0] =	ssyncset.done @!p0 $0x0  }
0x2c6: {  	[sflag:s0] =	ssyncadd.s32 @!p0 s1  }
0x2c7: {  	[bflag:$0x3] =	sbarrier.arrive $0xFFFF  }
0x2c8: {  	_ =	shalt  }

</sc_bundles>
